<compile_context>
chip_gen: v7x
topology: tpu7x:2x2x1
jax: 0.10.2.dev20260603
libtpu: 0.0.44.dev20260713+nightly
codegen_flags: <defaults>
</compile_context>

<pallas_src>
import jax
import jax.numpy as jnp
from jax import lax
from jax.experimental import pallas as pl
from jax.experimental.pallas import tpu as pltpu
from jax.experimental.pallas import tpu_sc as plsc

KAPPA = 0.002
T = 65536
N = 256

NC, NS, L = 2, 16, 16
NW = NC * NS
CHUNK = 128
SC_CHUNKS_PER_W = 5
ROWS_PER_W = SC_CHUNKS_PER_W * CHUNK
SC_ROWS = NW * ROWS_PER_W
NV = N // L

TC_BLK = 4096
TC_ROWS = T - SC_ROWS
TC_STEPS = TC_ROWS // TC_BLK

_MESH = plsc.VectorSubcoreMesh(
    core_axis_name="c", subcore_axis_name="s", num_cores=NC, num_subcores=NS)
_SC_PARAMS = pltpu.CompilerParams(needs_layout_passes=False,
                                  skip_device_barrier=True)


def _sc_sum_body(x_hbm, out_hbm, buf, stage, sem0, sem1):
    c = lax.axis_index("c")
    s = lax.axis_index("s")
    wid = s * NC + c
    base = wid * ROWS_PER_W
    sems = (sem0, sem1)
    copies = [None, None]
    copies[0] = pltpu.async_copy(
        x_hbm.at[pl.ds(base, CHUNK), :], buf.at[0], sems[0])
    acc = tuple(jnp.zeros((L,), jnp.float32) for _ in range(NV))
    for ch in range(SC_CHUNKS_PER_W):
        cur = ch % 2
        copies[cur].wait()
        if ch + 1 < SC_CHUNKS_PER_W:
            copies[1 - cur] = pltpu.async_copy(
                x_hbm.at[pl.ds(base + (ch + 1) * CHUNK, CHUNK), :],
                buf.at[1 - cur], sems[1 - cur])

        def row_body(r, a, _cur=cur):
            return tuple(a[j] + buf[_cur, r, pl.ds(j * L, L)]
                         for j in range(NV))

        acc = lax.fori_loop(0, CHUNK, row_body, acc)
    for j in range(NV):
        stage[pl.ds(j * L, L)] = acc[j]
    pltpu.sync_copy(stage, out_hbm.at[wid])


_sc_sum = pl.kernel(
    _sc_sum_body,
    out_type=jax.ShapeDtypeStruct((NW, N), jnp.float32),
    mesh=_MESH,
    compiler_params=_SC_PARAMS,
    scratch_types=[
        pltpu.VMEM((2, CHUNK, N), jnp.float32),
        pltpu.VMEM((N,), jnp.float32),
        pltpu.SemaphoreType.DMA,
        pltpu.SemaphoreType.DMA,
    ],
)


def _tc_sum_body(x_ref, out_ref):
    @pl.when(pl.program_id(0) == 0)
    def _():
        out_ref[...] = jnp.zeros((8, N), jnp.float32)

    nchain = TC_BLK // 64
    parts = []
    for k in range(8):
        p = x_ref[pl.ds(8 * nchain * k, 8), :]
        for j in range(1, nchain):
            p = p + x_ref[pl.ds(8 * (nchain * k + j), 8), :]
        parts.append(p)
    t01 = (parts[0] + parts[1]) + (parts[2] + parts[3])
    t23 = (parts[4] + parts[5]) + (parts[6] + parts[7])
    out_ref[...] = out_ref[...] + (t01 + t23)


_tc_sum = pl.pallas_call(
    _tc_sum_body,
    grid=(TC_STEPS,),
    in_specs=[pl.BlockSpec((TC_BLK, N), lambda i: (SC_ROWS // TC_BLK + i, 0))],
    out_specs=pl.BlockSpec((8, N), lambda i: (0, 0)),
    out_shape=jax.ShapeDtypeStruct((8, N), jnp.float32),
)


def _tc_loss_body(sp_ref, tp_ref, tgt_ref, out_ref):
    pred_row = (jnp.sum(sp_ref[...], axis=0, keepdims=True)
                + jnp.sum(tp_ref[...], axis=0, keepdims=True)) * (1.0 / T)
    a = jnp.broadcast_to(pred_row, (N, N))
    ii = lax.broadcasted_iota(jnp.int32, (N, N), 0)
    jj = lax.broadcasted_iota(jnp.int32, (N, N), 1)
    pred_col = jnp.sum(jnp.where(ii == jj, a, 0.0), axis=1, keepdims=True)
    b = jnp.broadcast_to(pred_col, (N, N))
    before = (a < b) | ((a == b) & (jj < ii))
    rank = jnp.sum(before.astype(jnp.int32), axis=1, keepdims=True)
    tgt_row = jnp.broadcast_to(tgt_ref[...], (N, N))
    partner = jnp.sum(jnp.where(jj == rank, tgt_row, 0.0),
                      axis=1, keepdims=True)
    tau = (rank.astype(jnp.float32) + 1.0) * (1.0 / N)
    u = pred_col - partner
    ind = (u <= 0.0).astype(jnp.float32)
    wgt = jnp.abs(tau - ind)
    au = jnp.abs(u)
    quad = (0.5 / KAPPA) * u * u
    lin = au - 0.5 * KAPPA
    loss = jnp.where(au <= KAPPA, wgt * quad, wgt * lin)
    out_ref[...] = jnp.sum(loss).reshape(1, 1) * (1.0 / N)


_tc_loss = pl.pallas_call(
    _tc_loss_body,
    out_shape=jax.ShapeDtypeStruct((1, 1), jnp.float32),
)


def kernel(x, target):
    sc_part = _sc_sum(x)
    tc_part = _tc_sum(x)
    out = _tc_loss(sc_part, tc_part, target.reshape(1, N))
    return out[0, 0]

# --- scband reference (transcript-rebuilt; emitter-appended) ---
"""Pipeline reference for scband-firing-rate-loss-9715216024062 (READ-ONLY COPY).

The authoritative reference and input builder live on the scoring server;
editing this copy changes nothing except your own understanding.
"""

import jax, jax.numpy as jnp
import numpy as np

KAPPA = 0.002

def setup_inputs(seed: int = 0) -> dict:
    key = jax.random.key(seed)
    x = jax.random.uniform(jax.random.fold_in(key, 0), (65536, 256), dtype=jnp.float32)
    # target buffer: sorted firing-rate distribution (same values as torch init arg)
    target = jnp.arange(256, dtype=jnp.float32)
    return {"x": x, "target": target}

def reference(x, target):
    # input_type == 'spike': average spikes over time axis 0 -> firing rates
    pred = jnp.mean(x, axis=0)
    # QuantileDistributionLoss (loss_type='huber_pinball', kappa=0.002, reduction='mean', sorted=False)
    pred_sorted = jnp.sort(pred, axis=-1)
    tgt_sorted = jnp.sort(target, axis=-1)
    N = pred_sorted.shape[-1]
    tau = (jnp.arange(N, dtype=pred_sorted.dtype) + 1.0) / N
    u = pred_sorted - tgt_sorted
    indicator = (u <= 0).astype(pred_sorted.dtype)
    weight = jnp.abs(tau - indicator)
    abs_u = jnp.abs(u)
    quadratic = 0.5 * (u ** 2) / KAPPA
    linear = abs_u - 0.5 * KAPPA
    loss = jnp.where(abs_u <= KAPPA, weight * quadratic, weight * linear)
    loss = jnp.mean(loss, axis=-1)
    return jnp.mean(loss)

if __name__ == "__main__":
    import jax
    _d = setup_inputs()
    print(jax.jit(kernel)(*tuple(_d.values())))

</pallas_src>

<mosaic_0001>
#map = affine_map<(d0, d1) -> (0, 0)>
module attributes {stable_mosaic.version = 14 : i64} {
  func.func @_sc_sum_body(%arg0: i32, %arg1: i32, %arg2: memref<65536x256xf32, #tpu.memory_space<hbm>>, %arg3: memref<32x256xf32, #tpu.memory_space<hbm>>, %arg4: memref<2x128x256xf32, #tpu.memory_space<vmem>>, %arg5: memref<256xf32, #tpu.memory_space<vmem>>, %arg6: memref<!tpu.dma_semaphore, #tpu.memory_space<semaphore_mem>>, %arg7: memref<!tpu.dma_semaphore, #tpu.memory_space<semaphore_mem>>) attributes {dimension_semantics = [#tpu.dimension_semantics<core_parallel>, #tpu.dimension_semantics<subcore_parallel>], iteration_bounds = array<i64: 2, 16>, scalar_prefetch = 0 : i64, scratch_operands = 4 : i64, tpu.core_type = #tpu.core_type<sc_vector_subcore>, window_params = [{transform_indices = #map}, {transform_indices = #map}]} {
    %mul3A = arith.constant 2 : i32
    %mul3A_0 = arith.muli %arg1, %mul3A : i32
    %add3A = arith.addi %mul3A_0, %arg0 : i32
    %mul3A_1 = arith.constant 640 : i32
    %mul3A_2 = arith.muli %add3A, %mul3A_1 : i32
    %dma_start3A = arith.constant 0 : i32
    %dma_start3A_3 = arith.constant 0 : i32
    %dma_start3A_4 = arith.constant 0 : i32
    %dma_start3A_5 = tpu.memref_slice %arg4[%dma_start3A, %dma_start3A_3, %dma_start3A_4] : memref<2x128x256xf32, #tpu.memory_space<vmem>> -> memref<1x128x256xf32, #tpu.memory_space<vmem>>
    %dma_start3A_6 = tpu.memref_squeeze %dma_start3A_5 : memref<1x128x256xf32, #tpu.memory_space<vmem>> -> memref<128x256xf32, #tpu.memory_space<vmem>>
    %dma_start3A_7 = arith.constant 0 : i32
    %dma_start3A_8 = tpu.memref_slice %arg2[%mul3A_2, %dma_start3A_7] : memref<65536x256xf32, #tpu.memory_space<hbm>> -> memref<128x256xf32, #tpu.memory_space<hbm>>
    %dma_start3A_9 = arith.constant 0 : i32
    %dma_start3A_10 = arith.constant 0 : i32
    %dma_start3A_11 = tpu.memref_slice %arg4[%dma_start3A, %dma_start3A_9, %dma_start3A_10] : memref<2x128x256xf32, #tpu.memory_space<vmem>> -> memref<1x128x256xf32, #tpu.memory_space<vmem>>
    %dma_start3A_12 = tpu.memref_squeeze %dma_start3A_11 : memref<1x128x256xf32, #tpu.memory_space<vmem>> -> memref<128x256xf32, #tpu.memory_space<vmem>>
    %dma_start3A_13 = arith.constant 0 : i32
    %dma_start3A_14 = tpu.memref_slice %arg2[%mul3A_2, %dma_start3A_13] : memref<65536x256xf32, #tpu.memory_space<hbm>> -> memref<128x256xf32, #tpu.memory_space<hbm>>
    tpu.enqueue_dma source(%dma_start3A_14 : memref<128x256xf32, #tpu.memory_space<hbm>>) target(%dma_start3A_12 : memref<128x256xf32, #tpu.memory_space<vmem>>) target_semaphore(%arg6 : memref<!tpu.dma_semaphore, #tpu.memory_space<semaphore_mem>>)
    %broadcast_in_dim3A = arith.constant 0.000000e+00 : f32
    %broadcast_in_dim3A_15 = vector.broadcast %broadcast_in_dim3A : f32 to vector<16xf32>
    %broadcast_in_dim3A_16 = arith.constant 0.000000e+00 : f32
    %broadcast_in_dim3A_17 = vector.broadcast %broadcast_in_dim3A_16 : f32 to vector<16xf32>
    %broadcast_in_dim3A_18 = arith.constant 0.000000e+00 : f32
    %broadcast_in_dim3A_19 = vector.broadcast %broadcast_in_dim3A_18 : f32 to vector<16xf32>
    %broadcast_in_dim3A_20 = arith.constant 0.000000e+00 : f32
    %broadcast_in_dim3A_21 = vector.broadcast %broadcast_in_dim3A_20 : f32 to vector<16xf32>
    %broadcast_in_dim3A_22 = arith.constant 0.000000e+00 : f32
    %broadcast_in_dim3A_23 = vector.broadcast %broadcast_in_dim3A_22 : f32 to vector<16xf32>
    %broadcast_in_dim3A_24 = arith.constant 0.000000e+00 : f32
    %broadcast_in_dim3A_25 = vector.broadcast %broadcast_in_dim3A_24 : f32 to vector<16xf32>
    %broadcast_in_dim3A_26 = arith.constant 0.000000e+00 : f32
    %broadcast_in_dim3A_27 = vector.broadcast %broadcast_in_dim3A_26 : f32 to vector<16xf32>
    %broadcast_in_dim3A_28 = arith.constant 0.000000e+00 : f32
    %broadcast_in_dim3A_29 = vector.broadcast %broadcast_in_dim3A_28 : f32 to vector<16xf32>
    %broadcast_in_dim3A_30 = arith.constant 0.000000e+00 : f32
    %broadcast_in_dim3A_31 = vector.broadcast %broadcast_in_dim3A_30 : f32 to vector<16xf32>
    %broadcast_in_dim3A_32 = arith.constant 0.000000e+00 : f32
    %broadcast_in_dim3A_33 = vector.broadcast %broadcast_in_dim3A_32 : f32 to vector<16xf32>
    %broadcast_in_dim3A_34 = arith.constant 0.000000e+00 : f32
    %broadcast_in_dim3A_35 = vector.broadcast %broadcast_in_dim3A_34 : f32 to vector<16xf32>
    %broadcast_in_dim3A_36 = arith.constant 0.000000e+00 : f32
    %broadcast_in_dim3A_37 = vector.broadcast %broadcast_in_dim3A_36 : f32 to vector<16xf32>
    %broadcast_in_dim3A_38 = arith.constant 0.000000e+00 : f32
    %broadcast_in_dim3A_39 = vector.broadcast %broadcast_in_dim3A_38 : f32 to vector<16xf32>
    %broadcast_in_dim3A_40 = arith.constant 0.000000e+00 : f32
    %broadcast_in_dim3A_41 = vector.broadcast %broadcast_in_dim3A_40 : f32 to vector<16xf32>
    %broadcast_in_dim3A_42 = arith.constant 0.000000e+00 : f32
    %broadcast_in_dim3A_43 = vector.broadcast %broadcast_in_dim3A_42 : f32 to vector<16xf32>
    %broadcast_in_dim3A_44 = arith.constant 0.000000e+00 : f32
    %broadcast_in_dim3A_45 = vector.broadcast %broadcast_in_dim3A_44 : f32 to vector<16xf32>
    %dma_wait3A = arith.constant 0 : i32
    %dma_wait3A_46 = arith.constant 0 : i32
    %dma_wait3A_47 = arith.constant 0 : i32
    %dma_wait3A_48 = tpu.memref_slice %arg4[%dma_wait3A, %dma_wait3A_46, %dma_wait3A_47] : memref<2x128x256xf32, #tpu.memory_space<vmem>> -> memref<1x128x256xf32, #tpu.memory_space<vmem>>
    %dma_wait3A_49 = tpu.memref_squeeze %dma_wait3A_48 : memref<1x128x256xf32, #tpu.memory_space<vmem>> -> memref<128x256xf32, #tpu.memory_space<vmem>>
    %dma_wait3A_50 = arith.constant 0 : i32
    %dma_wait3A_51 = tpu.memref_slice %arg2[%mul3A_2, %dma_wait3A_50] : memref<65536x256xf32, #tpu.memory_space<hbm>> -> memref<128x256xf32, #tpu.memory_space<hbm>>
    %dma_wait3A_52 = arith.constant 0 : i32
    %dma_wait3A_53 = arith.constant 0 : i32
    %dma_wait3A_54 = tpu.memref_slice %arg4[%dma_wait3A, %dma_wait3A_52, %dma_wait3A_53] : memref<2x128x256xf32, #tpu.memory_space<vmem>> -> memref<1x128x256xf32, #tpu.memory_space<vmem>>
    %dma_wait3A_55 = tpu.memref_squeeze %dma_wait3A_54 : memref<1x128x256xf32, #tpu.memory_space<vmem>> -> memref<128x256xf32, #tpu.memory_space<vmem>>
    %dma_wait3A_56 = arith.constant 0 : i32
    %dma_wait3A_57 = tpu.memref_slice %arg2[%mul3A_2, %dma_wait3A_56] : memref<65536x256xf32, #tpu.memory_space<hbm>> -> memref<128x256xf32, #tpu.memory_space<hbm>>
    tpu.wait_dma2 semaphore(%arg6 : memref<!tpu.dma_semaphore, #tpu.memory_space<semaphore_mem>>) src(%dma_wait3A_57 : memref<128x256xf32, #tpu.memory_space<hbm>>) dst(%dma_wait3A_55 : memref<128x256xf32, #tpu.memory_space<vmem>>)
    %add3A_58 = arith.constant 128 : i32
    %add3A_59 = arith.addi %mul3A_2, %add3A_58 : i32
    %dma_start3A_60 = arith.constant 1 : i32
    %dma_start3A_61 = arith.constant 0 : i32
    %dma_start3A_62 = arith.constant 0 : i32
    %dma_start3A_63 = tpu.memref_slice %arg4[%dma_start3A_60, %dma_start3A_61, %dma_start3A_62] : memref<2x128x256xf32, #tpu.memory_space<vmem>> -> memref<1x128x256xf32, #tpu.memory_space<vmem>>
    %dma_start3A_64 = tpu.memref_squeeze %dma_start3A_63 : memref<1x128x256xf32, #tpu.memory_space<vmem>> -> memref<128x256xf32, #tpu.memory_space<vmem>>
    %dma_start3A_65 = arith.constant 0 : i32
    %dma_start3A_66 = tpu.memref_slice %arg2[%add3A_59, %dma_start3A_65] : memref<65536x256xf32, #tpu.memory_space<hbm>> -> memref<128x256xf32, #tpu.memory_space<hbm>>
    %dma_start3A_67 = arith.constant 0 : i32
    %dma_start3A_68 = arith.constant 0 : i32
    %dma_start3A_69 = tpu.memref_slice %arg4[%dma_start3A_60, %dma_start3A_67, %dma_start3A_68] : memref<2x128x256xf32, #tpu.memory_space<vmem>> -> memref<1x128x256xf32, #tpu.memory_space<vmem>>
    %dma_start3A_70 = tpu.memref_squeeze %dma_start3A_69 : memref<1x128x256xf32, #tpu.memory_space<vmem>> -> memref<128x256xf32, #tpu.memory_space<vmem>>
    %dma_start3A_71 = arith.constant 0 : i32
    %dma_start3A_72 = tpu.memref_slice %arg2[%add3A_59, %dma_start3A_71] : memref<65536x256xf32, #tpu.memory_space<hbm>> -> memref<128x256xf32, #tpu.memory_space<hbm>>
    tpu.enqueue_dma source(%dma_start3A_72 : memref<128x256xf32, #tpu.memory_space<hbm>>) target(%dma_start3A_70 : memref<128x256xf32, #tpu.memory_space<vmem>>) target_semaphore(%arg7 : memref<!tpu.dma_semaphore, #tpu.memory_space<semaphore_mem>>)
    %scan3A = arith.constant 0 : i32
    %scan3A_73 = arith.constant 128 : i32
    %scan3A_74 = arith.addi %scan3A, %scan3A_73 : i32
    %scan3A_75 = arith.constant 1 : i32
    %scan3A_76:16 = scf.for %scan3A_230 = %scan3A to %scan3A_74 step %scan3A_75 iter_args(%scan3A_231 = %broadcast_in_dim3A_15, %scan3A_232 = %broadcast_in_dim3A_17, %scan3A_233 = %broadcast_in_dim3A_19, %scan3A_234 = %broadcast_in_dim3A_21, %scan3A_235 = %broadcast_in_dim3A_23, %scan3A_236 = %broadcast_in_dim3A_25, %scan3A_237 = %broadcast_in_dim3A_27, %scan3A_238 = %broadcast_in_dim3A_29, %scan3A_239 = %broadcast_in_dim3A_31, %scan3A_240 = %broadcast_in_dim3A_33, %scan3A_241 = %broadcast_in_dim3A_35, %scan3A_242 = %broadcast_in_dim3A_37, %scan3A_243 = %broadcast_in_dim3A_39, %scan3A_244 = %broadcast_in_dim3A_41, %scan3A_245 = %broadcast_in_dim3A_43, %scan3A_246 = %broadcast_in_dim3A_45) -> (vector<16xf32>, vector<16xf32>, vector<16xf32>, vector<16xf32>, vector<16xf32>, vector<16xf32>, vector<16xf32>, vector<16xf32>, vector<16xf32>, vector<16xf32>, vector<16xf32>, vector<16xf32>, vector<16xf32>, vector<16xf32>, vector<16xf32>, vector<16xf32>)  : i32 {
      %get3A = arith.constant 0 : i32
      %get3A_247 = arith.index_cast %get3A : i32 to index
      %get3A_248 = arith.index_cast %scan3A_230 : i32 to index
      %get3A_249 = arith.constant 0 : index
      %get3A_250 = tpu.vector_load %arg4[%get3A_247, %get3A_248, %get3A_249] {strides = array<i32>} : memref<2x128x256xf32, #tpu.memory_space<vmem>>, vector<16xf32>,
      %add3A_251 = arith.addf %scan3A_231, %get3A_250 : vector<16xf32>
      %get3A_252 = arith.constant 0 : i32
      %get3A_253 = arith.index_cast %get3A_252 : i32 to index
      %get3A_254 = arith.index_cast %scan3A_230 : i32 to index
      %get3A_255 = arith.constant 16 : index
      %get3A_256 = tpu.vector_load %arg4[%get3A_253, %get3A_254, %get3A_255] {strides = array<i32>} : memref<2x128x256xf32, #tpu.memory_space<vmem>>, vector<16xf32>,
      %add3A_257 = arith.addf %scan3A_232, %get3A_256 : vector<16xf32>
      %get3A_258 = arith.constant 0 : i32
      %get3A_259 = arith.index_cast %get3A_258 : i32 to index
      %get3A_260 = arith.index_cast %scan3A_230 : i32 to index
      %get3A_261 = arith.constant 32 : index
      %get3A_262 = tpu.vector_load %arg4[%get3A_259, %get3A_260, %get3A_261] {strides = array<i32>} : memref<2x128x256xf32, #tpu.memory_space<vmem>>, vector<16xf32>,
      %add3A_263 = arith.addf %scan3A_233, %get3A_262 : vector<16xf32>
      %get3A_264 = arith.constant 0 : i32
      %get3A_265 = arith.index_cast %get3A_264 : i32 to index
      %get3A_266 = arith.index_cast %scan3A_230 : i32 to index
      %get3A_267 = arith.constant 48 : index
      %get3A_268 = tpu.vector_load %arg4[%get3A_265, %get3A_266, %get3A_267] {strides = array<i32>} : memref<2x128x256xf32, #tpu.memory_space<vmem>>, vector<16xf32>,
      %add3A_269 = arith.addf %scan3A_234, %get3A_268 : vector<16xf32>
      %get3A_270 = arith.constant 0 : i32
      %get3A_271 = arith.index_cast %get3A_270 : i32 to index
      %get3A_272 = arith.index_cast %scan3A_230 : i32 to index
      %get3A_273 = arith.constant 64 : index
      %get3A_274 = tpu.vector_load %arg4[%get3A_271, %get3A_272, %get3A_273] {strides = array<i32>} : memref<2x128x256xf32, #tpu.memory_space<vmem>>, vector<16xf32>,
      %add3A_275 = arith.addf %scan3A_235, %get3A_274 : vector<16xf32>
      %get3A_276 = arith.constant 0 : i32
      %get3A_277 = arith.index_cast %get3A_276 : i32 to index
      %get3A_278 = arith.index_cast %scan3A_230 : i32 to index
      %get3A_279 = arith.constant 80 : index
      %get3A_280 = tpu.vector_load %arg4[%get3A_277, %get3A_278, %get3A_279] {strides = array<i32>} : memref<2x128x256xf32, #tpu.memory_space<vmem>>, vector<16xf32>,
      %add3A_281 = arith.addf %scan3A_236, %get3A_280 : vector<16xf32>
      %get3A_282 = arith.constant 0 : i32
      %get3A_283 = arith.index_cast %get3A_282 : i32 to index
      %get3A_284 = arith.index_cast %scan3A_230 : i32 to index
      %get3A_285 = arith.constant 96 : index
      %get3A_286 = tpu.vector_load %arg4[%get3A_283, %get3A_284, %get3A_285] {strides = array<i32>} : memref<2x128x256xf32, #tpu.memory_space<vmem>>, vector<16xf32>,
      %add3A_287 = arith.addf %scan3A_237, %get3A_286 : vector<16xf32>
      %get3A_288 = arith.constant 0 : i32
      %get3A_289 = arith.index_cast %get3A_288 : i32 to index
      %get3A_290 = arith.index_cast %scan3A_230 : i32 to index
      %get3A_291 = arith.constant 112 : index
      %get3A_292 = tpu.vector_load %arg4[%get3A_289, %get3A_290, %get3A_291] {strides = array<i32>} : memref<2x128x256xf32, #tpu.memory_space<vmem>>, vector<16xf32>,
      %add3A_293 = arith.addf %scan3A_238, %get3A_292 : vector<16xf32>
      %get3A_294 = arith.constant 0 : i32
      %get3A_295 = arith.index_cast %get3A_294 : i32 to index
      %get3A_296 = arith.index_cast %scan3A_230 : i32 to index
      %get3A_297 = arith.constant 128 : index
      %get3A_298 = tpu.vector_load %arg4[%get3A_295, %get3A_296, %get3A_297] {strides = array<i32>} : memref<2x128x256xf32, #tpu.memory_space<vmem>>, vector<16xf32>,
      %add3A_299 = arith.addf %scan3A_239, %get3A_298 : vector<16xf32>
      %get3A_300 = arith.constant 0 : i32
      %get3A_301 = arith.index_cast %get3A_300 : i32 to index
      %get3A_302 = arith.index_cast %scan3A_230 : i32 to index
      %get3A_303 = arith.constant 144 : index
      %get3A_304 = tpu.vector_load %arg4[%get3A_301, %get3A_302, %get3A_303] {strides = array<i32>} : memref<2x128x256xf32, #tpu.memory_space<vmem>>, vector<16xf32>,
      %add3A_305 = arith.addf %scan3A_240, %get3A_304 : vector<16xf32>
      %get3A_306 = arith.constant 0 : i32
      %get3A_307 = arith.index_cast %get3A_306 : i32 to index
      %get3A_308 = arith.index_cast %scan3A_230 : i32 to index
      %get3A_309 = arith.constant 160 : index
      %get3A_310 = tpu.vector_load %arg4[%get3A_307, %get3A_308, %get3A_309] {strides = array<i32>} : memref<2x128x256xf32, #tpu.memory_space<vmem>>, vector<16xf32>,
      %add3A_311 = arith.addf %scan3A_241, %get3A_310 : vector<16xf32>
      %get3A_312 = arith.constant 0 : i32
      %get3A_313 = arith.index_cast %get3A_312 : i32 to index
      %get3A_314 = arith.index_cast %scan3A_230 : i32 to index
      %get3A_315 = arith.constant 176 : index
      %get3A_316 = tpu.vector_load %arg4[%get3A_313, %get3A_314, %get3A_315] {strides = array<i32>} : memref<2x128x256xf32, #tpu.memory_space<vmem>>, vector<16xf32>,
      %add3A_317 = arith.addf %scan3A_242, %get3A_316 : vector<16xf32>
      %get3A_318 = arith.constant 0 : i32
      %get3A_319 = arith.index_cast %get3A_318 : i32 to index
      %get3A_320 = arith.index_cast %scan3A_230 : i32 to index
      %get3A_321 = arith.constant 192 : index
      %get3A_322 = tpu.vector_load %arg4[%get3A_319, %get3A_320, %get3A_321] {strides = array<i32>} : memref<2x128x256xf32, #tpu.memory_space<vmem>>, vector<16xf32>,
      %add3A_323 = arith.addf %scan3A_243, %get3A_322 : vector<16xf32>
      %get3A_324 = arith.constant 0 : i32
      %get3A_325 = arith.index_cast %get3A_324 : i32 to index
      %get3A_326 = arith.index_cast %scan3A_230 : i32 to index
      %get3A_327 = arith.constant 208 : index
      %get3A_328 = tpu.vector_load %arg4[%get3A_325, %get3A_326, %get3A_327] {strides = array<i32>} : memref<2x128x256xf32, #tpu.memory_space<vmem>>, vector<16xf32>,
      %add3A_329 = arith.addf %scan3A_244, %get3A_328 : vector<16xf32>
      %get3A_330 = arith.constant 0 : i32
      %get3A_331 = arith.index_cast %get3A_330 : i32 to index
      %get3A_332 = arith.index_cast %scan3A_230 : i32 to index
      %get3A_333 = arith.constant 224 : index
      %get3A_334 = tpu.vector_load %arg4[%get3A_331, %get3A_332, %get3A_333] {strides = array<i32>} : memref<2x128x256xf32, #tpu.memory_space<vmem>>, vector<16xf32>,
      %add3A_335 = arith.addf %scan3A_245, %get3A_334 : vector<16xf32>
      %get3A_336 = arith.constant 0 : i32
      %get3A_337 = arith.index_cast %get3A_336 : i32 to index
      %get3A_338 = arith.index_cast %scan3A_230 : i32 to index
      %get3A_339 = arith.constant 240 : index
      %get3A_340 = tpu.vector_load %arg4[%get3A_337, %get3A_338, %get3A_339] {strides = array<i32>} : memref<2x128x256xf32, #tpu.memory_space<vmem>>, vector<16xf32>,
      %add3A_341 = arith.addf %scan3A_246, %get3A_340 : vector<16xf32>
      scf.yield %add3A_251, %add3A_257, %add3A_263, %add3A_269, %add3A_275, %add3A_281, %add3A_287, %add3A_293, %add3A_299, %add3A_305, %add3A_311, %add3A_317, %add3A_323, %add3A_329, %add3A_335, %add3A_341 : vector<16xf32>, vector<16xf32>, vector<16xf32>, vector<16xf32>, vector<16xf32>, vector<16xf32>, vector<16xf32>, vector<16xf32>, vector<16xf32>, vector<16xf32>, vector<16xf32>, vector<16xf32>, vector<16xf32>, vector<16xf32>, vector<16xf32>, vector<16xf32>
    }
    %scan3A_77 = arith.constant 128 : i32
    %dma_wait3A_78 = arith.constant 1 : i32
    %dma_wait3A_79 = arith.constant 0 : i32
    %dma_wait3A_80 = arith.constant 0 : i32
    %dma_wait3A_81 = tpu.memref_slice %arg4[%dma_wait3A_78, %dma_wait3A_79, %dma_wait3A_80] : memref<2x128x256xf32, #tpu.memory_space<vmem>> -> memref<1x128x256xf32, #tpu.memory_space<vmem>>
    %dma_wait3A_82 = tpu.memref_squeeze %dma_wait3A_81 : memref<1x128x256xf32, #tpu.memory_space<vmem>> -> memref<128x256xf32, #tpu.memory_space<vmem>>
    %dma_wait3A_83 = arith.constant 0 : i32
    %dma_wait3A_84 = tpu.memref_slice %arg2[%add3A_59, %dma_wait3A_83] : memref<65536x256xf32, #tpu.memory_space<hbm>> -> memref<128x256xf32, #tpu.memory_space<hbm>>
    %dma_wait3A_85 = arith.constant 0 : i32
    %dma_wait3A_86 = arith.constant 0 : i32
    %dma_wait3A_87 = tpu.memref_slice %arg4[%dma_wait3A_78, %dma_wait3A_85, %dma_wait3A_86] : memref<2x128x256xf32, #tpu.memory_space<vmem>> -> memref<1x128x256xf32, #tpu.memory_space<vmem>>
    %dma_wait3A_88 = tpu.memref_squeeze %dma_wait3A_87 : memref<1x128x256xf32, #tpu.memory_space<vmem>> -> memref<128x256xf32, #tpu.memory_space<vmem>>
    %dma_wait3A_89 = arith.constant 0 : i32
    %dma_wait3A_90 = tpu.memref_slice %arg2[%add3A_59, %dma_wait3A_89] : memref<65536x256xf32, #tpu.memory_space<hbm>> -> memref<128x256xf32, #tpu.memory_space<hbm>>
    tpu.wait_dma2 semaphore(%arg7 : memref<!tpu.dma_semaphore, #tpu.memory_space<semaphore_mem>>) src(%dma_wait3A_90 : memref<128x256xf32, #tpu.memory_space<hbm>>) dst(%dma_wait3A_88 : memref<128x256xf32, #tpu.memory_space<vmem>>)
    %add3A_91 = arith.constant 256 : i32
    %add3A_92 = arith.addi %mul3A_2, %add3A_91 : i32
    %dma_start3A_93 = arith.constant 0 : i32
    %dma_start3A_94 = arith.constant 0 : i32
    %dma_start3A_95 = arith.constant 0 : i32
    %dma_start3A_96 = tpu.memref_slice %arg4[%dma_start3A_93, %dma_start3A_94, %dma_start3A_95] : memref<2x128x256xf32, #tpu.memory_space<vmem>> -> memref<1x128x256xf32, #tpu.memory_space<vmem>>
    %dma_start3A_97 = tpu.memref_squeeze %dma_start3A_96 : memref<1x128x256xf32, #tpu.memory_space<vmem>> -> memref<128x256xf32, #tpu.memory_space<vmem>>
    %dma_start3A_98 = arith.constant 0 : i32
    %dma_start3A_99 = tpu.memref_slice %arg2[%add3A_92, %dma_start3A_98] : memref<65536x256xf32, #tpu.memory_space<hbm>> -> memref<128x256xf32, #tpu.memory_space<hbm>>
    %dma_start3A_100 = arith.constant 0 : i32
    %dma_start3A_101 = arith.constant 0 : i32
    %dma_start3A_102 = tpu.memref_slice %arg4[%dma_start3A_93, %dma_start3A_100, %dma_start3A_101] : memref<2x128x256xf32, #tpu.memory_space<vmem>> -> memref<1x128x256xf32, #tpu.memory_space<vmem>>
    %dma_start3A_103 = tpu.memref_squeeze %dma_start3A_102 : memref<1x128x256xf32, #tpu.memory_space<vmem>> -> memref<128x256xf32, #tpu.memory_space<vmem>>
    %dma_start3A_104 = arith.constant 0 : i32
    %dma_start3A_105 = tpu.memref_slice %arg2[%add3A_92, %dma_start3A_104] : memref<65536x256xf32, #tpu.memory_space<hbm>> -> memref<128x256xf32, #tpu.memory_space<hbm>>
    tpu.enqueue_dma source(%dma_start3A_105 : memref<128x256xf32, #tpu.memory_space<hbm>>) target(%dma_start3A_103 : memref<128x256xf32, #tpu.memory_space<vmem>>) target_semaphore(%arg6 : memref<!tpu.dma_semaphore, #tpu.memory_space<semaphore_mem>>)
    %scan3A_106 = arith.constant 0 : i32
    %scan3A_107 = arith.constant 128 : i32
    %scan3A_108 = arith.addi %scan3A_106, %scan3A_107 : i32
    %scan3A_109 = arith.constant 1 : i32
    %scan3A_110:16 = scf.for %scan3A_230 = %scan3A_106 to %scan3A_108 step %scan3A_109 iter_args(%scan3A_231 = %scan3A_76#0, %scan3A_232 = %scan3A_76#1, %scan3A_233 = %scan3A_76#2, %scan3A_234 = %scan3A_76#3, %scan3A_235 = %scan3A_76#4, %scan3A_236 = %scan3A_76#5, %scan3A_237 = %scan3A_76#6, %scan3A_238 = %scan3A_76#7, %scan3A_239 = %scan3A_76#8, %scan3A_240 = %scan3A_76#9, %scan3A_241 = %scan3A_76#10, %scan3A_242 = %scan3A_76#11, %scan3A_243 = %scan3A_76#12, %scan3A_244 = %scan3A_76#13, %scan3A_245 = %scan3A_76#14, %scan3A_246 = %scan3A_76#15) -> (vector<16xf32>, vector<16xf32>, vector<16xf32>, vector<16xf32>, vector<16xf32>, vector<16xf32>, vector<16xf32>, vector<16xf32>, vector<16xf32>, vector<16xf32>, vector<16xf32>, vector<16xf32>, vector<16xf32>, vector<16xf32>, vector<16xf32>, vector<16xf32>)  : i32 {
      %get3A = arith.constant 1 : i32
      %get3A_247 = arith.index_cast %get3A : i32 to index
      %get3A_248 = arith.index_cast %scan3A_230 : i32 to index
      %get3A_249 = arith.constant 0 : index
      %get3A_250 = tpu.vector_load %arg4[%get3A_247, %get3A_248, %get3A_249] {strides = array<i32>} : memref<2x128x256xf32, #tpu.memory_space<vmem>>, vector<16xf32>,
      %add3A_251 = arith.addf %scan3A_231, %get3A_250 : vector<16xf32>
      %get3A_252 = arith.constant 1 : i32
      %get3A_253 = arith.index_cast %get3A_252 : i32 to index
      %get3A_254 = arith.index_cast %scan3A_230 : i32 to index
      %get3A_255 = arith.constant 16 : index
      %get3A_256 = tpu.vector_load %arg4[%get3A_253, %get3A_254, %get3A_255] {strides = array<i32>} : memref<2x128x256xf32, #tpu.memory_space<vmem>>, vector<16xf32>,
      %add3A_257 = arith.addf %scan3A_232, %get3A_256 : vector<16xf32>
      %get3A_258 = arith.constant 1 : i32
      %get3A_259 = arith.index_cast %get3A_258 : i32 to index
      %get3A_260 = arith.index_cast %scan3A_230 : i32 to index
      %get3A_261 = arith.constant 32 : index
      %get3A_262 = tpu.vector_load %arg4[%get3A_259, %get3A_260, %get3A_261] {strides = array<i32>} : memref<2x128x256xf32, #tpu.memory_space<vmem>>, vector<16xf32>,
      %add3A_263 = arith.addf %scan3A_233, %get3A_262 : vector<16xf32>
      %get3A_264 = arith.constant 1 : i32
      %get3A_265 = arith.index_cast %get3A_264 : i32 to index
      %get3A_266 = arith.index_cast %scan3A_230 : i32 to index
      %get3A_267 = arith.constant 48 : index
      %get3A_268 = tpu.vector_load %arg4[%get3A_265, %get3A_266, %get3A_267] {strides = array<i32>} : memref<2x128x256xf32, #tpu.memory_space<vmem>>, vector<16xf32>,
      %add3A_269 = arith.addf %scan3A_234, %get3A_268 : vector<16xf32>
      %get3A_270 = arith.constant 1 : i32
      %get3A_271 = arith.index_cast %get3A_270 : i32 to index
      %get3A_272 = arith.index_cast %scan3A_230 : i32 to index
      %get3A_273 = arith.constant 64 : index
      %get3A_274 = tpu.vector_load %arg4[%get3A_271, %get3A_272, %get3A_273] {strides = array<i32>} : memref<2x128x256xf32, #tpu.memory_space<vmem>>, vector<16xf32>,
      %add3A_275 = arith.addf %scan3A_235, %get3A_274 : vector<16xf32>
      %get3A_276 = arith.constant 1 : i32
      %get3A_277 = arith.index_cast %get3A_276 : i32 to index
      %get3A_278 = arith.index_cast %scan3A_230 : i32 to index
      %get3A_279 = arith.constant 80 : index
      %get3A_280 = tpu.vector_load %arg4[%get3A_277, %get3A_278, %get3A_279] {strides = array<i32>} : memref<2x128x256xf32, #tpu.memory_space<vmem>>, vector<16xf32>,
      %add3A_281 = arith.addf %scan3A_236, %get3A_280 : vector<16xf32>
      %get3A_282 = arith.constant 1 : i32
      %get3A_283 = arith.index_cast %get3A_282 : i32 to index
      %get3A_284 = arith.index_cast %scan3A_230 : i32 to index
      %get3A_285 = arith.constant 96 : index
      %get3A_286 = tpu.vector_load %arg4[%get3A_283, %get3A_284, %get3A_285] {strides = array<i32>} : memref<2x128x256xf32, #tpu.memory_space<vmem>>, vector<16xf32>,
      %add3A_287 = arith.addf %scan3A_237, %get3A_286 : vector<16xf32>
      %get3A_288 = arith.constant 1 : i32
      %get3A_289 = arith.index_cast %get3A_288 : i32 to index
      %get3A_290 = arith.index_cast %scan3A_230 : i32 to index
      %get3A_291 = arith.constant 112 : index
      %get3A_292 = tpu.vector_load %arg4[%get3A_289, %get3A_290, %get3A_291] {strides = array<i32>} : memref<2x128x256xf32, #tpu.memory_space<vmem>>, vector<16xf32>,
      %add3A_293 = arith.addf %scan3A_238, %get3A_292 : vector<16xf32>
      %get3A_294 = arith.constant 1 : i32
      %get3A_295 = arith.index_cast %get3A_294 : i32 to index
      %get3A_296 = arith.index_cast %scan3A_230 : i32 to index
      %get3A_297 = arith.constant 128 : index
      %get3A_298 = tpu.vector_load %arg4[%get3A_295, %get3A_296, %get3A_297] {strides = array<i32>} : memref<2x128x256xf32, #tpu.memory_space<vmem>>, vector<16xf32>,
      %add3A_299 = arith.addf %scan3A_239, %get3A_298 : vector<16xf32>
      %get3A_300 = arith.constant 1 : i32
      %get3A_301 = arith.index_cast %get3A_300 : i32 to index
      %get3A_302 = arith.index_cast %scan3A_230 : i32 to index
      %get3A_303 = arith.constant 144 : index
      %get3A_304 = tpu.vector_load %arg4[%get3A_301, %get3A_302, %get3A_303] {strides = array<i32>} : memref<2x128x256xf32, #tpu.memory_space<vmem>>, vector<16xf32>,
      %add3A_305 = arith.addf %scan3A_240, %get3A_304 : vector<16xf32>
      %get3A_306 = arith.constant 1 : i32
      %get3A_307 = arith.index_cast %get3A_306 : i32 to index
      %get3A_308 = arith.index_cast %scan3A_230 : i32 to index
      %get3A_309 = arith.constant 160 : index
      %get3A_310 = tpu.vector_load %arg4[%get3A_307, %get3A_308, %get3A_309] {strides = array<i32>} : memref<2x128x256xf32, #tpu.memory_space<vmem>>, vector<16xf32>,
      %add3A_311 = arith.addf %scan3A_241, %get3A_310 : vector<16xf32>
      %get3A_312 = arith.constant 1 : i32
      %get3A_313 = arith.index_cast %get3A_312 : i32 to index
      %get3A_314 = arith.index_cast %scan3A_230 : i32 to index
      %get3A_315 = arith.constant 176 : index
      %get3A_316 = tpu.vector_load %arg4[%get3A_313, %get3A_314, %get3A_315] {strides = array<i32>} : memref<2x128x256xf32, #tpu.memory_space<vmem>>, vector<16xf32>,
      %add3A_317 = arith.addf %scan3A_242, %get3A_316 : vector<16xf32>
      %get3A_318 = arith.constant 1 : i32
      %get3A_319 = arith.index_cast %get3A_318 : i32 to index
      %get3A_320 = arith.index_cast %scan3A_230 : i32 to index
      %get3A_321 = arith.constant 192 : index
      %get3A_322 = tpu.vector_load %arg4[%get3A_319, %get3A_320, %get3A_321] {strides = array<i32>} : memref<2x128x256xf32, #tpu.memory_space<vmem>>, vector<16xf32>,
      %add3A_323 = arith.addf %scan3A_243, %get3A_322 : vector<16xf32>
      %get3A_324 = arith.constant 1 : i32
      %get3A_325 = arith.index_cast %get3A_324 : i32 to index
      %get3A_326 = arith.index_cast %scan3A_230 : i32 to index
      %get3A_327 = arith.constant 208 : index
      %get3A_328 = tpu.vector_load %arg4[%get3A_325, %get3A_326, %get3A_327] {strides = array<i32>} : memref<2x128x256xf32, #tpu.memory_space<vmem>>, vector<16xf32>,
      %add3A_329 = arith.addf %scan3A_244, %get3A_328 : vector<16xf32>
      %get3A_330 = arith.constant 1 : i32
      %get3A_331 = arith.index_cast %get3A_330 : i32 to index
      %get3A_332 = arith.index_cast %scan3A_230 : i32 to index
      %get3A_333 = arith.constant 224 : index
      %get3A_334 = tpu.vector_load %arg4[%get3A_331, %get3A_332, %get3A_333] {strides = array<i32>} : memref<2x128x256xf32, #tpu.memory_space<vmem>>, vector<16xf32>,
      %add3A_335 = arith.addf %scan3A_245, %get3A_334 : vector<16xf32>
      %get3A_336 = arith.constant 1 : i32
      %get3A_337 = arith.index_cast %get3A_336 : i32 to index
      %get3A_338 = arith.index_cast %scan3A_230 : i32 to index
      %get3A_339 = arith.constant 240 : index
      %get3A_340 = tpu.vector_load %arg4[%get3A_337, %get3A_338, %get3A_339] {strides = array<i32>} : memref<2x128x256xf32, #tpu.memory_space<vmem>>, vector<16xf32>,
      %add3A_341 = arith.addf %scan3A_246, %get3A_340 : vector<16xf32>
      scf.yield %add3A_251, %add3A_257, %add3A_263, %add3A_269, %add3A_275, %add3A_281, %add3A_287, %add3A_293, %add3A_299, %add3A_305, %add3A_311, %add3A_317, %add3A_323, %add3A_329, %add3A_335, %add3A_341 : vector<16xf32>, vector<16xf32>, vector<16xf32>, vector<16xf32>, vector<16xf32>, vector<16xf32>, vector<16xf32>, vector<16xf32>, vector<16xf32>, vector<16xf32>, vector<16xf32>, vector<16xf32>, vector<16xf32>, vector<16xf32>, vector<16xf32>, vector<16xf32>
    }
    %scan3A_111 = arith.constant 128 : i32
    %dma_wait3A_112 = arith.constant 0 : i32
    %dma_wait3A_113 = arith.constant 0 : i32
    %dma_wait3A_114 = arith.constant 0 : i32
    %dma_wait3A_115 = tpu.memref_slice %arg4[%dma_wait3A_112, %dma_wait3A_113, %dma_wait3A_114] : memref<2x128x256xf32, #tpu.memory_space<vmem>> -> memref<1x128x256xf32, #tpu.memory_space<vmem>>
    %dma_wait3A_116 = tpu.memref_squeeze %dma_wait3A_115 : memref<1x128x256xf32, #tpu.memory_space<vmem>> -> memref<128x256xf32, #tpu.memory_space<vmem>>
    %dma_wait3A_117 = arith.constant 0 : i32
    %dma_wait3A_118 = tpu.memref_slice %arg2[%add3A_92, %dma_wait3A_117] : memref<65536x256xf32, #tpu.memory_space<hbm>> -> memref<128x256xf32, #tpu.memory_space<hbm>>
    %dma_wait3A_119 = arith.constant 0 : i32
    %dma_wait3A_120 = arith.constant 0 : i32
    %dma_wait3A_121 = tpu.memref_slice %arg4[%dma_wait3A_112, %dma_wait3A_119, %dma_wait3A_120] : memref<2x128x256xf32, #tpu.memory_space<vmem>> -> memref<1x128x256xf32, #tpu.memory_space<vmem>>
    %dma_wait3A_122 = tpu.memref_squeeze %dma_wait3A_121 : memref<1x128x256xf32, #tpu.memory_space<vmem>> -> memref<128x256xf32, #tpu.memory_space<vmem>>
    %dma_wait3A_123 = arith.constant 0 : i32
    %dma_wait3A_124 = tpu.memref_slice %arg2[%add3A_92, %dma_wait3A_123] : memref<65536x256xf32, #tpu.memory_space<hbm>> -> memref<128x256xf32, #tpu.memory_space<hbm>>
    tpu.wait_dma2 semaphore(%arg6 : memref<!tpu.dma_semaphore, #tpu.memory_space<semaphore_mem>>) src(%dma_wait3A_124 : memref<128x256xf32, #tpu.memory_space<hbm>>) dst(%dma_wait3A_122 : memref<128x256xf32, #tpu.memory_space<vmem>>)
    %add3A_125 = arith.constant 384 : i32
    %add3A_126 = arith.addi %mul3A_2, %add3A_125 : i32
    %dma_start3A_127 = arith.constant 1 : i32
    %dma_start3A_128 = arith.constant 0 : i32
    %dma_start3A_129 = arith.constant 0 : i32
    %dma_start3A_130 = tpu.memref_slice %arg4[%dma_start3A_127, %dma_start3A_128, %dma_start3A_129] : memref<2x128x256xf32, #tpu.memory_space<vmem>> -> memref<1x128x256xf32, #tpu.memory_space<vmem>>
    %dma_start3A_131 = tpu.memref_squeeze %dma_start3A_130 : memref<1x128x256xf32, #tpu.memory_space<vmem>> -> memref<128x256xf32, #tpu.memory_space<vmem>>
    %dma_start3A_132 = arith.constant 0 : i32
    %dma_start3A_133 = tpu.memref_slice %arg2[%add3A_126, %dma_start3A_132] : memref<65536x256xf32, #tpu.memory_space<hbm>> -> memref<128x256xf32, #tpu.memory_space<hbm>>
    %dma_start3A_134 = arith.constant 0 : i32
    %dma_start3A_135 = arith.constant 0 : i32
    %dma_start3A_136 = tpu.memref_slice %arg4[%dma_start3A_127, %dma_start3A_134, %dma_start3A_135] : memref<2x128x256xf32, #tpu.memory_space<vmem>> -> memref<1x128x256xf32, #tpu.memory_space<vmem>>
    %dma_start3A_137 = tpu.memref_squeeze %dma_start3A_136 : memref<1x128x256xf32, #tpu.memory_space<vmem>> -> memref<128x256xf32, #tpu.memory_space<vmem>>
    %dma_start3A_138 = arith.constant 0 : i32
    %dma_start3A_139 = tpu.memref_slice %arg2[%add3A_126, %dma_start3A_138] : memref<65536x256xf32, #tpu.memory_space<hbm>> -> memref<128x256xf32, #tpu.memory_space<hbm>>
    tpu.enqueue_dma source(%dma_start3A_139 : memref<128x256xf32, #tpu.memory_space<hbm>>) target(%dma_start3A_137 : memref<128x256xf32, #tpu.memory_space<vmem>>) target_semaphore(%arg7 : memref<!tpu.dma_semaphore, #tpu.memory_space<semaphore_mem>>)
    %scan3A_140 = arith.constant 0 : i32
    %scan3A_141 = arith.constant 128 : i32
    %scan3A_142 = arith.addi %scan3A_140, %scan3A_141 : i32
    %scan3A_143 = arith.constant 1 : i32
    %scan3A_144:16 = scf.for %scan3A_230 = %scan3A_140 to %scan3A_142 step %scan3A_143 iter_args(%scan3A_231 = %scan3A_110#0, %scan3A_232 = %scan3A_110#1, %scan3A_233 = %scan3A_110#2, %scan3A_234 = %scan3A_110#3, %scan3A_235 = %scan3A_110#4, %scan3A_236 = %scan3A_110#5, %scan3A_237 = %scan3A_110#6, %scan3A_238 = %scan3A_110#7, %scan3A_239 = %scan3A_110#8, %scan3A_240 = %scan3A_110#9, %scan3A_241 = %scan3A_110#10, %scan3A_242 = %scan3A_110#11, %scan3A_243 = %scan3A_110#12, %scan3A_244 = %scan3A_110#13, %scan3A_245 = %scan3A_110#14, %scan3A_246 = %scan3A_110#15) -> (vector<16xf32>, vector<16xf32>, vector<16xf32>, vector<16xf32>, vector<16xf32>, vector<16xf32>, vector<16xf32>, vector<16xf32>, vector<16xf32>, vector<16xf32>, vector<16xf32>, vector<16xf32>, vector<16xf32>, vector<16xf32>, vector<16xf32>, vector<16xf32>)  : i32 {
      %get3A = arith.constant 0 : i32
      %get3A_247 = arith.index_cast %get3A : i32 to index
      %get3A_248 = arith.index_cast %scan3A_230 : i32 to index
      %get3A_249 = arith.constant 0 : index
      %get3A_250 = tpu.vector_load %arg4[%get3A_247, %get3A_248, %get3A_249] {strides = array<i32>} : memref<2x128x256xf32, #tpu.memory_space<vmem>>, vector<16xf32>,
      %add3A_251 = arith.addf %scan3A_231, %get3A_250 : vector<16xf32>
      %get3A_252 = arith.constant 0 : i32
      %get3A_253 = arith.index_cast %get3A_252 : i32 to index
      %get3A_254 = arith.index_cast %scan3A_230 : i32 to index
      %get3A_255 = arith.constant 16 : index
      %get3A_256 = tpu.vector_load %arg4[%get3A_253, %get3A_254, %get3A_255] {strides = array<i32>} : memref<2x128x256xf32, #tpu.memory_space<vmem>>, vector<16xf32>,
      %add3A_257 = arith.addf %scan3A_232, %get3A_256 : vector<16xf32>
      %get3A_258 = arith.constant 0 : i32
      %get3A_259 = arith.index_cast %get3A_258 : i32 to index
      %get3A_260 = arith.index_cast %scan3A_230 : i32 to index
      %get3A_261 = arith.constant 32 : index
      %get3A_262 = tpu.vector_load %arg4[%get3A_259, %get3A_260, %get3A_261] {strides = array<i32>} : memref<2x128x256xf32, #tpu.memory_space<vmem>>, vector<16xf32>,
      %add3A_263 = arith.addf %scan3A_233, %get3A_262 : vector<16xf32>
      %get3A_264 = arith.constant 0 : i32
      %get3A_265 = arith.index_cast %get3A_264 : i32 to index
      %get3A_266 = arith.index_cast %scan3A_230 : i32 to index
      %get3A_267 = arith.constant 48 : index
      %get3A_268 = tpu.vector_load %arg4[%get3A_265, %get3A_266, %get3A_267] {strides = array<i32>} : memref<2x128x256xf32, #tpu.memory_space<vmem>>, vector<16xf32>,
      %add3A_269 = arith.addf %scan3A_234, %get3A_268 : vector<16xf32>
      %get3A_270 = arith.constant 0 : i32
      %get3A_271 = arith.index_cast %get3A_270 : i32 to index
      %get3A_272 = arith.index_cast %scan3A_230 : i32 to index
      %get3A_273 = arith.constant 64 : index
      %get3A_274 = tpu.vector_load %arg4[%get3A_271, %get3A_272, %get3A_273] {strides = array<i32>} : memref<2x128x256xf32, #tpu.memory_space<vmem>>, vector<16xf32>,
      %add3A_275 = arith.addf %scan3A_235, %get3A_274 : vector<16xf32>
      %get3A_276 = arith.constant 0 : i32
      %get3A_277 = arith.index_cast %get3A_276 : i32 to index
      %get3A_278 = arith.index_cast %scan3A_230 : i32 to index
      %get3A_279 = arith.constant 80 : index
      %get3A_280 = tpu.vector_load %arg4[%get3A_277, %get3A_278, %get3A_279] {strides = array<i32>} : memref<2x128x256xf32, #tpu.memory_space<vmem>>, vector<16xf32>,
      %add3A_281 = arith.addf %scan3A_236, %get3A_280 : vector<16xf32>
      %get3A_282 = arith.constant 0 : i32
      %get3A_283 = arith.index_cast %get3A_282 : i32 to index
      %get3A_284 = arith.index_cast %scan3A_230 : i32 to index
      %get3A_285 = arith.constant 96 : index
      %get3A_286 = tpu.vector_load %arg4[%get3A_283, %get3A_284, %get3A_285] {strides = array<i32>} : memref<2x128x256xf32, #tpu.memory_space<vmem>>, vector<16xf32>,
      %add3A_287 = arith.addf %scan3A_237, %get3A_286 : vector<16xf32>
      %get3A_288 = arith.constant 0 : i32
      %get3A_289 = arith.index_cast %get3A_288 : i32 to index
      %get3A_290 = arith.index_cast %scan3A_230 : i32 to index
      %get3A_291 = arith.constant 112 : index
      %get3A_292 = tpu.vector_load %arg4[%get3A_289, %get3A_290, %get3A_291] {strides = array<i32>} : memref<2x128x256xf32, #tpu.memory_space<vmem>>, vector<16xf32>,
      %add3A_293 = arith.addf %scan3A_238, %get3A_292 : vector<16xf32>
      %get3A_294 = arith.constant 0 : i32
      %get3A_295 = arith.index_cast %get3A_294 : i32 to index
      %get3A_296 = arith.index_cast %scan3A_230 : i32 to index
      %get3A_297 = arith.constant 128 : index
      %get3A_298 = tpu.vector_load %arg4[%get3A_295, %get3A_296, %get3A_297] {strides = array<i32>} : memref<2x128x256xf32, #tpu.memory_space<vmem>>, vector<16xf32>,
      %add3A_299 = arith.addf %scan3A_239, %get3A_298 : vector<16xf32>
      %get3A_300 = arith.constant 0 : i32
      %get3A_301 = arith.index_cast %get3A_300 : i32 to index
      %get3A_302 = arith.index_cast %scan3A_230 : i32 to index
      %get3A_303 = arith.constant 144 : index
      %get3A_304 = tpu.vector_load %arg4[%get3A_301, %get3A_302, %get3A_303] {strides = array<i32>} : memref<2x128x256xf32, #tpu.memory_space<vmem>>, vector<16xf32>,
      %add3A_305 = arith.addf %scan3A_240, %get3A_304 : vector<16xf32>
      %get3A_306 = arith.constant 0 : i32
      %get3A_307 = arith.index_cast %get3A_306 : i32 to index
      %get3A_308 = arith.index_cast %scan3A_230 : i32 to index
      %get3A_309 = arith.constant 160 : index
      %get3A_310 = tpu.vector_load %arg4[%get3A_307, %get3A_308, %get3A_309] {strides = array<i32>} : memref<2x128x256xf32, #tpu.memory_space<vmem>>, vector<16xf32>,
      %add3A_311 = arith.addf %scan3A_241, %get3A_310 : vector<16xf32>
      %get3A_312 = arith.constant 0 : i32
      %get3A_313 = arith.index_cast %get3A_312 : i32 to index
      %get3A_314 = arith.index_cast %scan3A_230 : i32 to index
      %get3A_315 = arith.constant 176 : index
      %get3A_316 = tpu.vector_load %arg4[%get3A_313, %get3A_314, %get3A_315] {strides = array<i32>} : memref<2x128x256xf32, #tpu.memory_space<vmem>>, vector<16xf32>,
      %add3A_317 = arith.addf %scan3A_242, %get3A_316 : vector<16xf32>
      %get3A_318 = arith.constant 0 : i32
      %get3A_319 = arith.index_cast %get3A_318 : i32 to index
      %get3A_320 = arith.index_cast %scan3A_230 : i32 to index
      %get3A_321 = arith.constant 192 : index
      %get3A_322 = tpu.vector_load %arg4[%get3A_319, %get3A_320, %get3A_321] {strides = array<i32>} : memref<2x128x256xf32, #tpu.memory_space<vmem>>, vector<16xf32>,
      %add3A_323 = arith.addf %scan3A_243, %get3A_322 : vector<16xf32>
      %get3A_324 = arith.constant 0 : i32
      %get3A_325 = arith.index_cast %get3A_324 : i32 to index
      %get3A_326 = arith.index_cast %scan3A_230 : i32 to index
      %get3A_327 = arith.constant 208 : index
      %get3A_328 = tpu.vector_load %arg4[%get3A_325, %get3A_326, %get3A_327] {strides = array<i32>} : memref<2x128x256xf32, #tpu.memory_space<vmem>>, vector<16xf32>,
      %add3A_329 = arith.addf %scan3A_244, %get3A_328 : vector<16xf32>
      %get3A_330 = arith.constant 0 : i32
      %get3A_331 = arith.index_cast %get3A_330 : i32 to index
      %get3A_332 = arith.index_cast %scan3A_230 : i32 to index
      %get3A_333 = arith.constant 224 : index
      %get3A_334 = tpu.vector_load %arg4[%get3A_331, %get3A_332, %get3A_333] {strides = array<i32>} : memref<2x128x256xf32, #tpu.memory_space<vmem>>, vector<16xf32>,
      %add3A_335 = arith.addf %scan3A_245, %get3A_334 : vector<16xf32>
      %get3A_336 = arith.constant 0 : i32
      %get3A_337 = arith.index_cast %get3A_336 : i32 to index
      %get3A_338 = arith.index_cast %scan3A_230 : i32 to index
      %get3A_339 = arith.constant 240 : index
      %get3A_340 = tpu.vector_load %arg4[%get3A_337, %get3A_338, %get3A_339] {strides = array<i32>} : memref<2x128x256xf32, #tpu.memory_space<vmem>>, vector<16xf32>,
      %add3A_341 = arith.addf %scan3A_246, %get3A_340 : vector<16xf32>
      scf.yield %add3A_251, %add3A_257, %add3A_263, %add3A_269, %add3A_275, %add3A_281, %add3A_287, %add3A_293, %add3A_299, %add3A_305, %add3A_311, %add3A_317, %add3A_323, %add3A_329, %add3A_335, %add3A_341 : vector<16xf32>, vector<16xf32>, vector<16xf32>, vector<16xf32>, vector<16xf32>, vector<16xf32>, vector<16xf32>, vector<16xf32>, vector<16xf32>, vector<16xf32>, vector<16xf32>, vector<16xf32>, vector<16xf32>, vector<16xf32>, vector<16xf32>, vector<16xf32>
    }
    %scan3A_145 = arith.constant 128 : i32
    %dma_wait3A_146 = arith.constant 1 : i32
    %dma_wait3A_147 = arith.constant 0 : i32
    %dma_wait3A_148 = arith.constant 0 : i32
    %dma_wait3A_149 = tpu.memref_slice %arg4[%dma_wait3A_146, %dma_wait3A_147, %dma_wait3A_148] : memref<2x128x256xf32, #tpu.memory_space<vmem>> -> memref<1x128x256xf32, #tpu.memory_space<vmem>>
    %dma_wait3A_150 = tpu.memref_squeeze %dma_wait3A_149 : memref<1x128x256xf32, #tpu.memory_space<vmem>> -> memref<128x256xf32, #tpu.memory_space<vmem>>
    %dma_wait3A_151 = arith.constant 0 : i32
    %dma_wait3A_152 = tpu.memref_slice %arg2[%add3A_126, %dma_wait3A_151] : memref<65536x256xf32, #tpu.memory_space<hbm>> -> memref<128x256xf32, #tpu.memory_space<hbm>>
    %dma_wait3A_153 = arith.constant 0 : i32
    %dma_wait3A_154 = arith.constant 0 : i32
    %dma_wait3A_155 = tpu.memref_slice %arg4[%dma_wait3A_146, %dma_wait3A_153, %dma_wait3A_154] : memref<2x128x256xf32, #tpu.memory_space<vmem>> -> memref<1x128x256xf32, #tpu.memory_space<vmem>>
    %dma_wait3A_156 = tpu.memref_squeeze %dma_wait3A_155 : memref<1x128x256xf32, #tpu.memory_space<vmem>> -> memref<128x256xf32, #tpu.memory_space<vmem>>
    %dma_wait3A_157 = arith.constant 0 : i32
    %dma_wait3A_158 = tpu.memref_slice %arg2[%add3A_126, %dma_wait3A_157] : memref<65536x256xf32, #tpu.memory_space<hbm>> -> memref<128x256xf32, #tpu.memory_space<hbm>>
    tpu.wait_dma2 semaphore(%arg7 : memref<!tpu.dma_semaphore, #tpu.memory_space<semaphore_mem>>) src(%dma_wait3A_158 : memref<128x256xf32, #tpu.memory_space<hbm>>) dst(%dma_wait3A_156 : memref<128x256xf32, #tpu.memory_space<vmem>>)
    %add3A_159 = arith.constant 512 : i32
    %add3A_160 = arith.addi %mul3A_2, %add3A_159 : i32
    %dma_start3A_161 = arith.constant 0 : i32
    %dma_start3A_162 = arith.constant 0 : i32
    %dma_start3A_163 = arith.constant 0 : i32
    %dma_start3A_164 = tpu.memref_slice %arg4[%dma_start3A_161, %dma_start3A_162, %dma_start3A_163] : memref<2x128x256xf32, #tpu.memory_space<vmem>> -> memref<1x128x256xf32, #tpu.memory_space<vmem>>
    %dma_start3A_165 = tpu.memref_squeeze %dma_start3A_164 : memref<1x128x256xf32, #tpu.memory_space<vmem>> -> memref<128x256xf32, #tpu.memory_space<vmem>>
    %dma_start3A_166 = arith.constant 0 : i32
    %dma_start3A_167 = tpu.memref_slice %arg2[%add3A_160, %dma_start3A_166] : memref<65536x256xf32, #tpu.memory_space<hbm>> -> memref<128x256xf32, #tpu.memory_space<hbm>>
    %dma_start3A_168 = arith.constant 0 : i32
    %dma_start3A_169 = arith.constant 0 : i32
    %dma_start3A_170 = tpu.memref_slice %arg4[%dma_start3A_161, %dma_start3A_168, %dma_start3A_169] : memref<2x128x256xf32, #tpu.memory_space<vmem>> -> memref<1x128x256xf32, #tpu.memory_space<vmem>>
    %dma_start3A_171 = tpu.memref_squeeze %dma_start3A_170 : memref<1x128x256xf32, #tpu.memory_space<vmem>> -> memref<128x256xf32, #tpu.memory_space<vmem>>
    %dma_start3A_172 = arith.constant 0 : i32
    %dma_start3A_173 = tpu.memref_slice %arg2[%add3A_160, %dma_start3A_172] : memref<65536x256xf32, #tpu.memory_space<hbm>> -> memref<128x256xf32, #tpu.memory_space<hbm>>
    tpu.enqueue_dma source(%dma_start3A_173 : memref<128x256xf32, #tpu.memory_space<hbm>>) target(%dma_start3A_171 : memref<128x256xf32, #tpu.memory_space<vmem>>) target_semaphore(%arg6 : memref<!tpu.dma_semaphore, #tpu.memory_space<semaphore_mem>>)
    %scan3A_174 = arith.constant 0 : i32
    %scan3A_175 = arith.constant 128 : i32
    %scan3A_176 = arith.addi %scan3A_174, %scan3A_175 : i32
    %scan3A_177 = arith.constant 1 : i32
    %scan3A_178:16 = scf.for %scan3A_230 = %scan3A_174 to %scan3A_176 step %scan3A_177 iter_args(%scan3A_231 = %scan3A_144#0, %scan3A_232 = %scan3A_144#1, %scan3A_233 = %scan3A_144#2, %scan3A_234 = %scan3A_144#3, %scan3A_235 = %scan3A_144#4, %scan3A_236 = %scan3A_144#5, %scan3A_237 = %scan3A_144#6, %scan3A_238 = %scan3A_144#7, %scan3A_239 = %scan3A_144#8, %scan3A_240 = %scan3A_144#9, %scan3A_241 = %scan3A_144#10, %scan3A_242 = %scan3A_144#11, %scan3A_243 = %scan3A_144#12, %scan3A_244 = %scan3A_144#13, %scan3A_245 = %scan3A_144#14, %scan3A_246 = %scan3A_144#15) -> (vector<16xf32>, vector<16xf32>, vector<16xf32>, vector<16xf32>, vector<16xf32>, vector<16xf32>, vector<16xf32>, vector<16xf32>, vector<16xf32>, vector<16xf32>, vector<16xf32>, vector<16xf32>, vector<16xf32>, vector<16xf32>, vector<16xf32>, vector<16xf32>)  : i32 {
      %get3A = arith.constant 1 : i32
      %get3A_247 = arith.index_cast %get3A : i32 to index
      %get3A_248 = arith.index_cast %scan3A_230 : i32 to index
      %get3A_249 = arith.constant 0 : index
      %get3A_250 = tpu.vector_load %arg4[%get3A_247, %get3A_248, %get3A_249] {strides = array<i32>} : memref<2x128x256xf32, #tpu.memory_space<vmem>>, vector<16xf32>,
      %add3A_251 = arith.addf %scan3A_231, %get3A_250 : vector<16xf32>
      %get3A_252 = arith.constant 1 : i32
      %get3A_253 = arith.index_cast %get3A_252 : i32 to index
      %get3A_254 = arith.index_cast %scan3A_230 : i32 to index
      %get3A_255 = arith.constant 16 : index
      %get3A_256 = tpu.vector_load %arg4[%get3A_253, %get3A_254, %get3A_255] {strides = array<i32>} : memref<2x128x256xf32, #tpu.memory_space<vmem>>, vector<16xf32>,
      %add3A_257 = arith.addf %scan3A_232, %get3A_256 : vector<16xf32>
      %get3A_258 = arith.constant 1 : i32
      %get3A_259 = arith.index_cast %get3A_258 : i32 to index
      %get3A_260 = arith.index_cast %scan3A_230 : i32 to index
      %get3A_261 = arith.constant 32 : index
      %get3A_262 = tpu.vector_load %arg4[%get3A_259, %get3A_260, %get3A_261] {strides = array<i32>} : memref<2x128x256xf32, #tpu.memory_space<vmem>>, vector<16xf32>,
      %add3A_263 = arith.addf %scan3A_233, %get3A_262 : vector<16xf32>
      %get3A_264 = arith.constant 1 : i32
      %get3A_265 = arith.index_cast %get3A_264 : i32 to index
      %get3A_266 = arith.index_cast %scan3A_230 : i32 to index
      %get3A_267 = arith.constant 48 : index
      %get3A_268 = tpu.vector_load %arg4[%get3A_265, %get3A_266, %get3A_267] {strides = array<i32>} : memref<2x128x256xf32, #tpu.memory_space<vmem>>, vector<16xf32>,
      %add3A_269 = arith.addf %scan3A_234, %get3A_268 : vector<16xf32>
      %get3A_270 = arith.constant 1 : i32
      %get3A_271 = arith.index_cast %get3A_270 : i32 to index
      %get3A_272 = arith.index_cast %scan3A_230 : i32 to index
      %get3A_273 = arith.constant 64 : index
      %get3A_274 = tpu.vector_load %arg4[%get3A_271, %get3A_272, %get3A_273] {strides = array<i32>} : memref<2x128x256xf32, #tpu.memory_space<vmem>>, vector<16xf32>,
      %add3A_275 = arith.addf %scan3A_235, %get3A_274 : vector<16xf32>
      %get3A_276 = arith.constant 1 : i32
      %get3A_277 = arith.index_cast %get3A_276 : i32 to index
      %get3A_278 = arith.index_cast %scan3A_230 : i32 to index
      %get3A_279 = arith.constant 80 : index
      %get3A_280 = tpu.vector_load %arg4[%get3A_277, %get3A_278, %get3A_279] {strides = array<i32>} : memref<2x128x256xf32, #tpu.memory_space<vmem>>, vector<16xf32>,
      %add3A_281 = arith.addf %scan3A_236, %get3A_280 : vector<16xf32>
      %get3A_282 = arith.constant 1 : i32
      %get3A_283 = arith.index_cast %get3A_282 : i32 to index
      %get3A_284 = arith.index_cast %scan3A_230 : i32 to index
      %get3A_285 = arith.constant 96 : index
      %get3A_286 = tpu.vector_load %arg4[%get3A_283, %get3A_284, %get3A_285] {strides = array<i32>} : memref<2x128x256xf32, #tpu.memory_space<vmem>>, vector<16xf32>,
      %add3A_287 = arith.addf %scan3A_237, %get3A_286 : vector<16xf32>
      %get3A_288 = arith.constant 1 : i32
      %get3A_289 = arith.index_cast %get3A_288 : i32 to index
      %get3A_290 = arith.index_cast %scan3A_230 : i32 to index
      %get3A_291 = arith.constant 112 : index
      %get3A_292 = tpu.vector_load %arg4[%get3A_289, %get3A_290, %get3A_291] {strides = array<i32>} : memref<2x128x256xf32, #tpu.memory_space<vmem>>, vector<16xf32>,
      %add3A_293 = arith.addf %scan3A_238, %get3A_292 : vector<16xf32>
      %get3A_294 = arith.constant 1 : i32
      %get3A_295 = arith.index_cast %get3A_294 : i32 to index
      %get3A_296 = arith.index_cast %scan3A_230 : i32 to index
      %get3A_297 = arith.constant 128 : index
      %get3A_298 = tpu.vector_load %arg4[%get3A_295, %get3A_296, %get3A_297] {strides = array<i32>} : memref<2x128x256xf32, #tpu.memory_space<vmem>>, vector<16xf32>,
      %add3A_299 = arith.addf %scan3A_239, %get3A_298 : vector<16xf32>
      %get3A_300 = arith.constant 1 : i32
      %get3A_301 = arith.index_cast %get3A_300 : i32 to index
      %get3A_302 = arith.index_cast %scan3A_230 : i32 to index
      %get3A_303 = arith.constant 144 : index
      %get3A_304 = tpu.vector_load %arg4[%get3A_301, %get3A_302, %get3A_303] {strides = array<i32>} : memref<2x128x256xf32, #tpu.memory_space<vmem>>, vector<16xf32>,
      %add3A_305 = arith.addf %scan3A_240, %get3A_304 : vector<16xf32>
      %get3A_306 = arith.constant 1 : i32
      %get3A_307 = arith.index_cast %get3A_306 : i32 to index
      %get3A_308 = arith.index_cast %scan3A_230 : i32 to index
      %get3A_309 = arith.constant 160 : index
      %get3A_310 = tpu.vector_load %arg4[%get3A_307, %get3A_308, %get3A_309] {strides = array<i32>} : memref<2x128x256xf32, #tpu.memory_space<vmem>>, vector<16xf32>,
      %add3A_311 = arith.addf %scan3A_241, %get3A_310 : vector<16xf32>
      %get3A_312 = arith.constant 1 : i32
      %get3A_313 = arith.index_cast %get3A_312 : i32 to index
      %get3A_314 = arith.index_cast %scan3A_230 : i32 to index
      %get3A_315 = arith.constant 176 : index
      %get3A_316 = tpu.vector_load %arg4[%get3A_313, %get3A_314, %get3A_315] {strides = array<i32>} : memref<2x128x256xf32, #tpu.memory_space<vmem>>, vector<16xf32>,
      %add3A_317 = arith.addf %scan3A_242, %get3A_316 : vector<16xf32>
      %get3A_318 = arith.constant 1 : i32
      %get3A_319 = arith.index_cast %get3A_318 : i32 to index
      %get3A_320 = arith.index_cast %scan3A_230 : i32 to index
      %get3A_321 = arith.constant 192 : index
      %get3A_322 = tpu.vector_load %arg4[%get3A_319, %get3A_320, %get3A_321] {strides = array<i32>} : memref<2x128x256xf32, #tpu.memory_space<vmem>>, vector<16xf32>,
      %add3A_323 = arith.addf %scan3A_243, %get3A_322 : vector<16xf32>
      %get3A_324 = arith.constant 1 : i32
      %get3A_325 = arith.index_cast %get3A_324 : i32 to index
      %get3A_326 = arith.index_cast %scan3A_230 : i32 to index
      %get3A_327 = arith.constant 208 : index
      %get3A_328 = tpu.vector_load %arg4[%get3A_325, %get3A_326, %get3A_327] {strides = array<i32>} : memref<2x128x256xf32, #tpu.memory_space<vmem>>, vector<16xf32>,
      %add3A_329 = arith.addf %scan3A_244, %get3A_328 : vector<16xf32>
      %get3A_330 = arith.constant 1 : i32
      %get3A_331 = arith.index_cast %get3A_330 : i32 to index
      %get3A_332 = arith.index_cast %scan3A_230 : i32 to index
      %get3A_333 = arith.constant 224 : index
      %get3A_334 = tpu.vector_load %arg4[%get3A_331, %get3A_332, %get3A_333] {strides = array<i32>} : memref<2x128x256xf32, #tpu.memory_space<vmem>>, vector<16xf32>,
      %add3A_335 = arith.addf %scan3A_245, %get3A_334 : vector<16xf32>
      %get3A_336 = arith.constant 1 : i32
      %get3A_337 = arith.index_cast %get3A_336 : i32 to index
      %get3A_338 = arith.index_cast %scan3A_230 : i32 to index
      %get3A_339 = arith.constant 240 : index
      %get3A_340 = tpu.vector_load %arg4[%get3A_337, %get3A_338, %get3A_339] {strides = array<i32>} : memref<2x128x256xf32, #tpu.memory_space<vmem>>, vector<16xf32>,
      %add3A_341 = arith.addf %scan3A_246, %get3A_340 : vector<16xf32>
      scf.yield %add3A_251, %add3A_257, %add3A_263, %add3A_269, %add3A_275, %add3A_281, %add3A_287, %add3A_293, %add3A_299, %add3A_305, %add3A_311, %add3A_317, %add3A_323, %add3A_329, %add3A_335, %add3A_341 : vector<16xf32>, vector<16xf32>, vector<16xf32>, vector<16xf32>, vector<16xf32>, vector<16xf32>, vector<16xf32>, vector<16xf32>, vector<16xf32>, vector<16xf32>, vector<16xf32>, vector<16xf32>, vector<16xf32>, vector<16xf32>, vector<16xf32>, vector<16xf32>
    }
    %scan3A_179 = arith.constant 128 : i32
    %dma_wait3A_180 = arith.constant 0 : i32
    %dma_wait3A_181 = arith.constant 0 : i32
    %dma_wait3A_182 = arith.constant 0 : i32
    %dma_wait3A_183 = tpu.memref_slice %arg4[%dma_wait3A_180, %dma_wait3A_181, %dma_wait3A_182] : memref<2x128x256xf32, #tpu.memory_space<vmem>> -> memref<1x128x256xf32, #tpu.memory_space<vmem>>
    %dma_wait3A_184 = tpu.memref_squeeze %dma_wait3A_183 : memref<1x128x256xf32, #tpu.memory_space<vmem>> -> memref<128x256xf32, #tpu.memory_space<vmem>>
    %dma_wait3A_185 = arith.constant 0 : i32
    %dma_wait3A_186 = tpu.memref_slice %arg2[%add3A_160, %dma_wait3A_185] : memref<65536x256xf32, #tpu.memory_space<hbm>> -> memref<128x256xf32, #tpu.memory_space<hbm>>
    %dma_wait3A_187 = arith.constant 0 : i32
    %dma_wait3A_188 = arith.constant 0 : i32
    %dma_wait3A_189 = tpu.memref_slice %arg4[%dma_wait3A_180, %dma_wait3A_187, %dma_wait3A_188] : memref<2x128x256xf32, #tpu.memory_space<vmem>> -> memref<1x128x256xf32, #tpu.memory_space<vmem>>
    %dma_wait3A_190 = tpu.memref_squeeze %dma_wait3A_189 : memref<1x128x256xf32, #tpu.memory_space<vmem>> -> memref<128x256xf32, #tpu.memory_space<vmem>>
    %dma_wait3A_191 = arith.constant 0 : i32
    %dma_wait3A_192 = tpu.memref_slice %arg2[%add3A_160, %dma_wait3A_191] : memref<65536x256xf32, #tpu.memory_space<hbm>> -> memref<128x256xf32, #tpu.memory_space<hbm>>
    tpu.wait_dma2 semaphore(%arg6 : memref<!tpu.dma_semaphore, #tpu.memory_space<semaphore_mem>>) src(%dma_wait3A_192 : memref<128x256xf32, #tpu.memory_space<hbm>>) dst(%dma_wait3A_190 : memref<128x256xf32, #tpu.memory_space<vmem>>)
    %scan3A_193 = arith.constant 0 : i32
    %scan3A_194 = arith.constant 128 : i32
    %scan3A_195 = arith.addi %scan3A_193, %scan3A_194 : i32
    %scan3A_196 = arith.constant 1 : i32
    %scan3A_197:16 = scf.for %scan3A_230 = %scan3A_193 to %scan3A_195 step %scan3A_196 iter_args(%scan3A_231 = %scan3A_178#0, %scan3A_232 = %scan3A_178#1, %scan3A_233 = %scan3A_178#2, %scan3A_234 = %scan3A_178#3, %scan3A_235 = %scan3A_178#4, %scan3A_236 = %scan3A_178#5, %scan3A_237 = %scan3A_178#6, %scan3A_238 = %scan3A_178#7, %scan3A_239 = %scan3A_178#8, %scan3A_240 = %scan3A_178#9, %scan3A_241 = %scan3A_178#10, %scan3A_242 = %scan3A_178#11, %scan3A_243 = %scan3A_178#12, %scan3A_244 = %scan3A_178#13, %scan3A_245 = %scan3A_178#14, %scan3A_246 = %scan3A_178#15) -> (vector<16xf32>, vector<16xf32>, vector<16xf32>, vector<16xf32>, vector<16xf32>, vector<16xf32>, vector<16xf32>, vector<16xf32>, vector<16xf32>, vector<16xf32>, vector<16xf32>, vector<16xf32>, vector<16xf32>, vector<16xf32>, vector<16xf32>, vector<16xf32>)  : i32 {
      %get3A = arith.constant 0 : i32
      %get3A_247 = arith.index_cast %get3A : i32 to index
      %get3A_248 = arith.index_cast %scan3A_230 : i32 to index
      %get3A_249 = arith.constant 0 : index
      %get3A_250 = tpu.vector_load %arg4[%get3A_247, %get3A_248, %get3A_249] {strides = array<i32>} : memref<2x128x256xf32, #tpu.memory_space<vmem>>, vector<16xf32>,
      %add3A_251 = arith.addf %scan3A_231, %get3A_250 : vector<16xf32>
      %get3A_252 = arith.constant 0 : i32
      %get3A_253 = arith.index_cast %get3A_252 : i32 to index
      %get3A_254 = arith.index_cast %scan3A_230 : i32 to index
      %get3A_255 = arith.constant 16 : index
      %get3A_256 = tpu.vector_load %arg4[%get3A_253, %get3A_254, %get3A_255] {strides = array<i32>} : memref<2x128x256xf32, #tpu.memory_space<vmem>>, vector<16xf32>,
      %add3A_257 = arith.addf %scan3A_232, %get3A_256 : vector<16xf32>
      %get3A_258 = arith.constant 0 : i32
      %get3A_259 = arith.index_cast %get3A_258 : i32 to index
      %get3A_260 = arith.index_cast %scan3A_230 : i32 to index
      %get3A_261 = arith.constant 32 : index
      %get3A_262 = tpu.vector_load %arg4[%get3A_259, %get3A_260, %get3A_261] {strides = array<i32>} : memref<2x128x256xf32, #tpu.memory_space<vmem>>, vector<16xf32>,
      %add3A_263 = arith.addf %scan3A_233, %get3A_262 : vector<16xf32>
      %get3A_264 = arith.constant 0 : i32
      %get3A_265 = arith.index_cast %get3A_264 : i32 to index
      %get3A_266 = arith.index_cast %scan3A_230 : i32 to index
      %get3A_267 = arith.constant 48 : index
      %get3A_268 = tpu.vector_load %arg4[%get3A_265, %get3A_266, %get3A_267] {strides = array<i32>} : memref<2x128x256xf32, #tpu.memory_space<vmem>>, vector<16xf32>,
      %add3A_269 = arith.addf %scan3A_234, %get3A_268 : vector<16xf32>
      %get3A_270 = arith.constant 0 : i32
      %get3A_271 = arith.index_cast %get3A_270 : i32 to index
      %get3A_272 = arith.index_cast %scan3A_230 : i32 to index
      %get3A_273 = arith.constant 64 : index
      %get3A_274 = tpu.vector_load %arg4[%get3A_271, %get3A_272, %get3A_273] {strides = array<i32>} : memref<2x128x256xf32, #tpu.memory_space<vmem>>, vector<16xf32>,
      %add3A_275 = arith.addf %scan3A_235, %get3A_274 : vector<16xf32>
      %get3A_276 = arith.constant 0 : i32
      %get3A_277 = arith.index_cast %get3A_276 : i32 to index
      %get3A_278 = arith.index_cast %scan3A_230 : i32 to index
      %get3A_279 = arith.constant 80 : index
      %get3A_280 = tpu.vector_load %arg4[%get3A_277, %get3A_278, %get3A_279] {strides = array<i32>} : memref<2x128x256xf32, #tpu.memory_space<vmem>>, vector<16xf32>,
      %add3A_281 = arith.addf %scan3A_236, %get3A_280 : vector<16xf32>
      %get3A_282 = arith.constant 0 : i32
      %get3A_283 = arith.index_cast %get3A_282 : i32 to index
      %get3A_284 = arith.index_cast %scan3A_230 : i32 to index
      %get3A_285 = arith.constant 96 : index
      %get3A_286 = tpu.vector_load %arg4[%get3A_283, %get3A_284, %get3A_285] {strides = array<i32>} : memref<2x128x256xf32, #tpu.memory_space<vmem>>, vector<16xf32>,
      %add3A_287 = arith.addf %scan3A_237, %get3A_286 : vector<16xf32>
      %get3A_288 = arith.constant 0 : i32
      %get3A_289 = arith.index_cast %get3A_288 : i32 to index
      %get3A_290 = arith.index_cast %scan3A_230 : i32 to index
      %get3A_291 = arith.constant 112 : index
      %get3A_292 = tpu.vector_load %arg4[%get3A_289, %get3A_290, %get3A_291] {strides = array<i32>} : memref<2x128x256xf32, #tpu.memory_space<vmem>>, vector<16xf32>,
      %add3A_293 = arith.addf %scan3A_238, %get3A_292 : vector<16xf32>
      %get3A_294 = arith.constant 0 : i32
      %get3A_295 = arith.index_cast %get3A_294 : i32 to index
      %get3A_296 = arith.index_cast %scan3A_230 : i32 to index
      %get3A_297 = arith.constant 128 : index
      %get3A_298 = tpu.vector_load %arg4[%get3A_295, %get3A_296, %get3A_297] {strides = array<i32>} : memref<2x128x256xf32, #tpu.memory_space<vmem>>, vector<16xf32>,
      %add3A_299 = arith.addf %scan3A_239, %get3A_298 : vector<16xf32>
      %get3A_300 = arith.constant 0 : i32
      %get3A_301 = arith.index_cast %get3A_300 : i32 to index
      %get3A_302 = arith.index_cast %scan3A_230 : i32 to index
      %get3A_303 = arith.constant 144 : index
      %get3A_304 = tpu.vector_load %arg4[%get3A_301, %get3A_302, %get3A_303] {strides = array<i32>} : memref<2x128x256xf32, #tpu.memory_space<vmem>>, vector<16xf32>,
      %add3A_305 = arith.addf %scan3A_240, %get3A_304 : vector<16xf32>
      %get3A_306 = arith.constant 0 : i32
      %get3A_307 = arith.index_cast %get3A_306 : i32 to index
      %get3A_308 = arith.index_cast %scan3A_230 : i32 to index
      %get3A_309 = arith.constant 160 : index
      %get3A_310 = tpu.vector_load %arg4[%get3A_307, %get3A_308, %get3A_309] {strides = array<i32>} : memref<2x128x256xf32, #tpu.memory_space<vmem>>, vector<16xf32>,
      %add3A_311 = arith.addf %scan3A_241, %get3A_310 : vector<16xf32>
      %get3A_312 = arith.constant 0 : i32
      %get3A_313 = arith.index_cast %get3A_312 : i32 to index
      %get3A_314 = arith.index_cast %scan3A_230 : i32 to index
      %get3A_315 = arith.constant 176 : index
      %get3A_316 = tpu.vector_load %arg4[%get3A_313, %get3A_314, %get3A_315] {strides = array<i32>} : memref<2x128x256xf32, #tpu.memory_space<vmem>>, vector<16xf32>,
      %add3A_317 = arith.addf %scan3A_242, %get3A_316 : vector<16xf32>
      %get3A_318 = arith.constant 0 : i32
      %get3A_319 = arith.index_cast %get3A_318 : i32 to index
      %get3A_320 = arith.index_cast %scan3A_230 : i32 to index
      %get3A_321 = arith.constant 192 : index
      %get3A_322 = tpu.vector_load %arg4[%get3A_319, %get3A_320, %get3A_321] {strides = array<i32>} : memref<2x128x256xf32, #tpu.memory_space<vmem>>, vector<16xf32>,
      %add3A_323 = arith.addf %scan3A_243, %get3A_322 : vector<16xf32>
      %get3A_324 = arith.constant 0 : i32
      %get3A_325 = arith.index_cast %get3A_324 : i32 to index
      %get3A_326 = arith.index_cast %scan3A_230 : i32 to index
      %get3A_327 = arith.constant 208 : index
      %get3A_328 = tpu.vector_load %arg4[%get3A_325, %get3A_326, %get3A_327] {strides = array<i32>} : memref<2x128x256xf32, #tpu.memory_space<vmem>>, vector<16xf32>,
      %add3A_329 = arith.addf %scan3A_244, %get3A_328 : vector<16xf32>
      %get3A_330 = arith.constant 0 : i32
      %get3A_331 = arith.index_cast %get3A_330 : i32 to index
      %get3A_332 = arith.index_cast %scan3A_230 : i32 to index
      %get3A_333 = arith.constant 224 : index
      %get3A_334 = tpu.vector_load %arg4[%get3A_331, %get3A_332, %get3A_333] {strides = array<i32>} : memref<2x128x256xf32, #tpu.memory_space<vmem>>, vector<16xf32>,
      %add3A_335 = arith.addf %scan3A_245, %get3A_334 : vector<16xf32>
      %get3A_336 = arith.constant 0 : i32
      %get3A_337 = arith.index_cast %get3A_336 : i32 to index
      %get3A_338 = arith.index_cast %scan3A_230 : i32 to index
      %get3A_339 = arith.constant 240 : index
      %get3A_340 = tpu.vector_load %arg4[%get3A_337, %get3A_338, %get3A_339] {strides = array<i32>} : memref<2x128x256xf32, #tpu.memory_space<vmem>>, vector<16xf32>,
      %add3A_341 = arith.addf %scan3A_246, %get3A_340 : vector<16xf32>
      scf.yield %add3A_251, %add3A_257, %add3A_263, %add3A_269, %add3A_275, %add3A_281, %add3A_287, %add3A_293, %add3A_299, %add3A_305, %add3A_311, %add3A_317, %add3A_323, %add3A_329, %add3A_335, %add3A_341 : vector<16xf32>, vector<16xf32>, vector<16xf32>, vector<16xf32>, vector<16xf32>, vector<16xf32>, vector<16xf32>, vector<16xf32>, vector<16xf32>, vector<16xf32>, vector<16xf32>, vector<16xf32>, vector<16xf32>, vector<16xf32>, vector<16xf32>, vector<16xf32>
    }
    %scan3A_198 = arith.constant 128 : i32
    %swap3A = arith.constant 0 : index
    %swap3A_199 = tpu.vector_load %arg5[%swap3A] {strides = array<i32>} : memref<256xf32, #tpu.memory_space<vmem>>, vector<16xf32>,
    tpu.vector_store %arg5[%swap3A], %scan3A_197#0 {strides = array<i32>} : memref<256xf32, #tpu.memory_space<vmem>>, vector<16xf32>,
    %swap3A_200 = arith.constant 16 : index
    %swap3A_201 = tpu.vector_load %arg5[%swap3A_200] {strides = array<i32>} : memref<256xf32, #tpu.memory_space<vmem>>, vector<16xf32>,
    tpu.vector_store %arg5[%swap3A_200], %scan3A_197#1 {strides = array<i32>} : memref<256xf32, #tpu.memory_space<vmem>>, vector<16xf32>,
    %swap3A_202 = arith.constant 32 : index
    %swap3A_203 = tpu.vector_load %arg5[%swap3A_202] {strides = array<i32>} : memref<256xf32, #tpu.memory_space<vmem>>, vector<16xf32>,
    tpu.vector_store %arg5[%swap3A_202], %scan3A_197#2 {strides = array<i32>} : memref<256xf32, #tpu.memory_space<vmem>>, vector<16xf32>,
    %swap3A_204 = arith.constant 48 : index
    %swap3A_205 = tpu.vector_load %arg5[%swap3A_204] {strides = array<i32>} : memref<256xf32, #tpu.memory_space<vmem>>, vector<16xf32>,
    tpu.vector_store %arg5[%swap3A_204], %scan3A_197#3 {strides = array<i32>} : memref<256xf32, #tpu.memory_space<vmem>>, vector<16xf32>,
    %swap3A_206 = arith.constant 64 : index
    %swap3A_207 = tpu.vector_load %arg5[%swap3A_206] {strides = array<i32>} : memref<256xf32, #tpu.memory_space<vmem>>, vector<16xf32>,
    tpu.vector_store %arg5[%swap3A_206], %scan3A_197#4 {strides = array<i32>} : memref<256xf32, #tpu.memory_space<vmem>>, vector<16xf32>,
    %swap3A_208 = arith.constant 80 : index
    %swap3A_209 = tpu.vector_load %arg5[%swap3A_208] {strides = array<i32>} : memref<256xf32, #tpu.memory_space<vmem>>, vector<16xf32>,
    tpu.vector_store %arg5[%swap3A_208], %scan3A_197#5 {strides = array<i32>} : memref<256xf32, #tpu.memory_space<vmem>>, vector<16xf32>,
    %swap3A_210 = arith.constant 96 : index
    %swap3A_211 = tpu.vector_load %arg5[%swap3A_210] {strides = array<i32>} : memref<256xf32, #tpu.memory_space<vmem>>, vector<16xf32>,
    tpu.vector_store %arg5[%swap3A_210], %scan3A_197#6 {strides = array<i32>} : memref<256xf32, #tpu.memory_space<vmem>>, vector<16xf32>,
    %swap3A_212 = arith.constant 112 : index
    %swap3A_213 = tpu.vector_load %arg5[%swap3A_212] {strides = array<i32>} : memref<256xf32, #tpu.memory_space<vmem>>, vector<16xf32>,
    tpu.vector_store %arg5[%swap3A_212], %scan3A_197#7 {strides = array<i32>} : memref<256xf32, #tpu.memory_space<vmem>>, vector<16xf32>,
    %swap3A_214 = arith.constant 128 : index
    %swap3A_215 = tpu.vector_load %arg5[%swap3A_214] {strides = array<i32>} : memref<256xf32, #tpu.memory_space<vmem>>, vector<16xf32>,
    tpu.vector_store %arg5[%swap3A_214], %scan3A_197#8 {strides = array<i32>} : memref<256xf32, #tpu.memory_space<vmem>>, vector<16xf32>,
    %swap3A_216 = arith.constant 144 : index
    %swap3A_217 = tpu.vector_load %arg5[%swap3A_216] {strides = array<i32>} : memref<256xf32, #tpu.memory_space<vmem>>, vector<16xf32>,
    tpu.vector_store %arg5[%swap3A_216], %scan3A_197#9 {strides = array<i32>} : memref<256xf32, #tpu.memory_space<vmem>>, vector<16xf32>,
    %swap3A_218 = arith.constant 160 : index
    %swap3A_219 = tpu.vector_load %arg5[%swap3A_218] {strides = array<i32>} : memref<256xf32, #tpu.memory_space<vmem>>, vector<16xf32>,
    tpu.vector_store %arg5[%swap3A_218], %scan3A_197#10 {strides = array<i32>} : memref<256xf32, #tpu.memory_space<vmem>>, vector<16xf32>,
    %swap3A_220 = arith.constant 176 : index
    %swap3A_221 = tpu.vector_load %arg5[%swap3A_220] {strides = array<i32>} : memref<256xf32, #tpu.memory_space<vmem>>, vector<16xf32>,
    tpu.vector_store %arg5[%swap3A_220], %scan3A_197#11 {strides = array<i32>} : memref<256xf32, #tpu.memory_space<vmem>>, vector<16xf32>,
    %swap3A_222 = arith.constant 192 : index
    %swap3A_223 = tpu.vector_load %arg5[%swap3A_222] {strides = array<i32>} : memref<256xf32, #tpu.memory_space<vmem>>, vector<16xf32>,
    tpu.vector_store %arg5[%swap3A_222], %scan3A_197#12 {strides = array<i32>} : memref<256xf32, #tpu.memory_space<vmem>>, vector<16xf32>,
    %swap3A_224 = arith.constant 208 : index
    %swap3A_225 = tpu.vector_load %arg5[%swap3A_224] {strides = array<i32>} : memref<256xf32, #tpu.memory_space<vmem>>, vector<16xf32>,
    tpu.vector_store %arg5[%swap3A_224], %scan3A_197#13 {strides = array<i32>} : memref<256xf32, #tpu.memory_space<vmem>>, vector<16xf32>,
    %swap3A_226 = arith.constant 224 : index
    %swap3A_227 = tpu.vector_load %arg5[%swap3A_226] {strides = array<i32>} : memref<256xf32, #tpu.memory_space<vmem>>, vector<16xf32>,
    tpu.vector_store %arg5[%swap3A_226], %scan3A_197#14 {strides = array<i32>} : memref<256xf32, #tpu.memory_space<vmem>>, vector<16xf32>,
    %swap3A_228 = arith.constant 240 : index
    %swap3A_229 = tpu.vector_load %arg5[%swap3A_228] {strides = array<i32>} : memref<256xf32, #tpu.memory_space<vmem>>, vector<16xf32>,
    tpu.vector_store %arg5[%swap3A_228], %scan3A_197#15 {strides = array<i32>} : memref<256xf32, #tpu.memory_space<vmem>>, vector<16xf32>,
    "tpu.region"() ({
      %run_scoped3A = tpu.sem_alloc : memref<!tpu.dma_semaphore, #tpu.memory_space<semaphore_mem>>
      %dma_start3A_230 = arith.constant 0 : i32
      %dma_start3A_231 = tpu.memref_slice %arg3[%add3A, %dma_start3A_230] : memref<32x256xf32, #tpu.memory_space<hbm>> -> memref<1x256xf32, #tpu.memory_space<hbm>>
      %dma_start3A_232 = tpu.memref_squeeze %dma_start3A_231 : memref<1x256xf32, #tpu.memory_space<hbm>> -> memref<256xf32, #tpu.memory_space<hbm>>
      %dma_start3A_233 = arith.constant 0 : i32
      %dma_start3A_234 = tpu.memref_slice %arg3[%add3A, %dma_start3A_233] : memref<32x256xf32, #tpu.memory_space<hbm>> -> memref<1x256xf32, #tpu.memory_space<hbm>>
      %dma_start3A_235 = tpu.memref_squeeze %dma_start3A_234 : memref<1x256xf32, #tpu.memory_space<hbm>> -> memref<256xf32, #tpu.memory_space<hbm>>
      tpu.enqueue_dma source(%arg5 : memref<256xf32, #tpu.memory_space<vmem>>) target(%dma_start3A_235 : memref<256xf32, #tpu.memory_space<hbm>>) target_semaphore(%run_scoped3A : memref<!tpu.dma_semaphore, #tpu.memory_space<semaphore_mem>>)
      %dma_wait3A_236 = arith.constant 0 : i32
      %dma_wait3A_237 = tpu.memref_slice %arg3[%add3A, %dma_wait3A_236] : memref<32x256xf32, #tpu.memory_space<hbm>> -> memref<1x256xf32, #tpu.memory_space<hbm>>
      %dma_wait3A_238 = tpu.memref_squeeze %dma_wait3A_237 : memref<1x256xf32, #tpu.memory_space<hbm>> -> memref<256xf32, #tpu.memory_space<hbm>>
      %dma_wait3A_239 = arith.constant 0 : i32
      %dma_wait3A_240 = tpu.memref_slice %arg3[%add3A, %dma_wait3A_239] : memref<32x256xf32, #tpu.memory_space<hbm>> -> memref<1x256xf32, #tpu.memory_space<hbm>>
      %dma_wait3A_241 = tpu.memref_squeeze %dma_wait3A_240 : memref<1x256xf32, #tpu.memory_space<hbm>> -> memref<256xf32, #tpu.memory_space<hbm>>
      tpu.wait_dma2 semaphore(%run_scoped3A : memref<!tpu.dma_semaphore, #tpu.memory_space<semaphore_mem>>) src(%arg5 : memref<256xf32, #tpu.memory_space<vmem>>) dst(%dma_wait3A_241 : memref<256xf32, #tpu.memory_space<hbm>>)
      tpu.yield
    }) : () -> ()
    return
  }
}

module attributes {stable_mosaic.version = 14 : i64} {
  func.func @_tc_loss_body(%arg0: memref<32x256xf32, #tpu.memory_space<vmem>>, %arg1: memref<8x256xf32, #tpu.memory_space<vmem>>, %arg2: memref<1x256xf32, #tpu.memory_space<vmem>>, %arg3: memref<1x1xf32, #tpu.memory_space<vmem>>) attributes {dimension_semantics = [], scalar_prefetch = 0 : i64, scratch_operands = 0 : i64, tpu.core_type = #tpu.core_type<tc>} {
    %get3A = arith.constant 0 : index
    %get3A_0 = arith.constant 0 : index
    %get3A_1 = vector.load %arg0[%get3A, %get3A_0] : memref<32x256xf32, #tpu.memory_space<vmem>>, vector<32x256xf32>
    %reduce_sum3A = arith.constant dense<0.000000e+00> : vector<256xf32>
    %reduce_sum3A_2 = vector.multi_reduction <add>, %get3A_1, %reduce_sum3A [0] : vector<32x256xf32> to vector<256xf32>
    %broadcast_in_dim3A = vector.shape_cast %reduce_sum3A_2 : vector<256xf32> to vector<1x256xf32>
    %get3A_3 = arith.constant 0 : index
    %get3A_4 = arith.constant 0 : index
    %get3A_5 = vector.load %arg1[%get3A_3, %get3A_4] : memref<8x256xf32, #tpu.memory_space<vmem>>, vector<8x256xf32>
    %reduce_sum3A_6 = arith.constant dense<0.000000e+00> : vector<256xf32>
    %reduce_sum3A_7 = vector.multi_reduction <add>, %get3A_5, %reduce_sum3A_6 [0] : vector<8x256xf32> to vector<256xf32>
    %broadcast_in_dim3A_8 = vector.shape_cast %reduce_sum3A_7 : vector<256xf32> to vector<1x256xf32>
    %add3A = arith.addf %broadcast_in_dim3A, %broadcast_in_dim3A_8 : vector<1x256xf32>
    %mul3A = arith.constant 1.52587891E-5 : f32
    %mul3A_9 = vector.broadcast %mul3A : f32 to vector<1x256xf32>
    %mul3A_10 = arith.mulf %add3A, %mul3A_9 : vector<1x256xf32>
    %broadcast_in_dim3A_11 = vector.shape_cast %mul3A_10 : vector<1x256xf32> to vector<1x256xf32>
    %broadcast_in_dim3A_12 = vector.broadcast %broadcast_in_dim3A_11 : vector<1x256xf32> to vector<256x256xf32>
    %iota3A = tpu.iota {dimensions = array<i32: 0>} : vector<256x256xi32>
    %iota3A_13 = tpu.iota {dimensions = array<i32: 1>} : vector<256x256xi32>
    %eq3A = arith.cmpi eq, %iota3A, %iota3A_13 : vector<256x256xi32>
    %jit3A = arith.constant 0.000000e+00 : f32
    %broadcast_in_dim3A_14 = vector.broadcast %jit3A : f32 to vector<256x256xf32>
    %select_n3A = arith.select %eq3A, %broadcast_in_dim3A_12, %broadcast_in_dim3A_14 : vector<256x256xi1>, vector<256x256xf32>
    %reduce_sum3A_15 = arith.constant dense<0.000000e+00> : vector<256xf32>
    %reduce_sum3A_16 = vector.multi_reduction <add>, %select_n3A, %reduce_sum3A_15 [1] : vector<256x256xf32> to vector<256xf32>
    %broadcast_in_dim3A_17 = vector.shape_cast %reduce_sum3A_16 : vector<256xf32> to vector<256x1xf32>
    %broadcast_in_dim3A_18 = vector.shape_cast %broadcast_in_dim3A_17 : vector<256x1xf32> to vector<256x1xf32>
    %broadcast_in_dim3A_19 = vector.broadcast %broadcast_in_dim3A_18 : vector<256x1xf32> to vector<256x256xf32>
    %lt3A = arith.cmpf olt, %broadcast_in_dim3A_12, %broadcast_in_dim3A_19 : vector<256x256xf32>
    %eq3A_20 = arith.cmpf oeq, %broadcast_in_dim3A_12, %broadcast_in_dim3A_19 : vector<256x256xf32>
    %lt3A_21 = arith.cmpi slt, %iota3A_13, %iota3A : vector<256x256xi32>
    %and3A = arith.andi %eq3A_20, %lt3A_21 : vector<256x256xi1>
    %or3A = arith.ori %lt3A, %and3A : vector<256x256xi1>
    %convert_element_type3A = arith.extui %or3A : vector<256x256xi1> to vector<256x256xi32>
    %reduce_sum3A_22 = arith.constant dense<0> : vector<256xi32>
    %reduce_sum3A_23 = vector.multi_reduction <add>, %convert_element_type3A, %reduce_sum3A_22 [1] : vector<256x256xi32> to vector<256xi32>
    %broadcast_in_dim3A_24 = vector.shape_cast %reduce_sum3A_23 : vector<256xi32> to vector<256x1xi32>
    %get3A_25 = arith.constant 0 : index
    %get3A_26 = arith.constant 0 : index
    %get3A_27 = vector.load %arg2[%get3A_25, %get3A_26] : memref<1x256xf32, #tpu.memory_space<vmem>>, vector<1x256xf32>
    %broadcast_in_dim3A_28 = vector.shape_cast %get3A_27 : vector<1x256xf32> to vector<1x256xf32>
    %broadcast_in_dim3A_29 = vector.broadcast %broadcast_in_dim3A_28 : vector<1x256xf32> to vector<256x256xf32>
    %eq3A_30 = vector.broadcast %broadcast_in_dim3A_24 : vector<256x1xi32> to vector<256x256xi32>
    %eq3A_31 = arith.cmpi eq, %iota3A_13, %eq3A_30 : vector<256x256xi32>
    %jit3A_32 = arith.constant 0.000000e+00 : f32
    %broadcast_in_dim3A_33 = vector.broadcast %jit3A_32 : f32 to vector<256x256xf32>
    %select_n3A_34 = arith.select %eq3A_31, %broadcast_in_dim3A_29, %broadcast_in_dim3A_33 : vector<256x256xi1>, vector<256x256xf32>
    %reduce_sum3A_35 = arith.constant dense<0.000000e+00> : vector<256xf32>
    %reduce_sum3A_36 = vector.multi_reduction <add>, %select_n3A_34, %reduce_sum3A_35 [1] : vector<256x256xf32> to vector<256xf32>
    %broadcast_in_dim3A_37 = vector.shape_cast %reduce_sum3A_36 : vector<256xf32> to vector<256x1xf32>
    %convert_element_type3A_38 = arith.sitofp %broadcast_in_dim3A_24 : vector<256x1xi32> to vector<256x1xf32>
    %add3A_39 = arith.constant 1.000000e+00 : f32
    %add3A_40 = vector.broadcast %add3A_39 : f32 to vector<256x1xf32>
    %add3A_41 = arith.addf %convert_element_type3A_38, %add3A_40 : vector<256x1xf32>
    %mul3A_42 = arith.constant 3.906250e-03 : f32
    %mul3A_43 = vector.broadcast %mul3A_42 : f32 to vector<256x1xf32>
    %mul3A_44 = arith.mulf %add3A_41, %mul3A_43 : vector<256x1xf32>
    %sub3A = arith.subf %broadcast_in_dim3A_17, %broadcast_in_dim3A_37 : vector<256x1xf32>
    %le3A = arith.constant 0.000000e+00 : f32
    %le3A_45 = vector.broadcast %le3A : f32 to vector<256x1xf32>
    %le3A_46 = arith.cmpf ole, %sub3A, %le3A_45 : vector<256x1xf32>
    %convert_element_type3A_47 = arith.extui %le3A_46 : vector<256x1xi1> to vector<256x1xi32>
    %convert_element_type3A_48 = arith.sitofp %convert_element_type3A_47 : vector<256x1xi32> to vector<256x1xf32>
    %sub3A_49 = arith.subf %mul3A_44, %convert_element_type3A_48 : vector<256x1xf32>
    %abs3A = math.absf %sub3A_49 : vector<256x1xf32>
    %abs3A_50 = math.absf %sub3A : vector<256x1xf32>
    %mul3A_51 = arith.constant 2.500000e+02 : f32
    %mul3A_52 = vector.broadcast %mul3A_51 : f32 to vector<256x1xf32>
    %mul3A_53 = arith.mulf %mul3A_52, %sub3A : vector<256x1xf32>
    %mul3A_54 = arith.mulf %mul3A_53, %sub3A : vector<256x1xf32>
    %sub3A_55 = arith.constant 1.000000e-03 : f32
    %sub3A_56 = vector.broadcast %sub3A_55 : f32 to vector<256x1xf32>
    %sub3A_57 = arith.subf %abs3A_50, %sub3A_56 : vector<256x1xf32>
    %le3A_58 = arith.constant 2.000000e-03 : f32
    %le3A_59 = vector.broadcast %le3A_58 : f32 to vector<256x1xf32>
    %le3A_60 = arith.cmpf ole, %abs3A_50, %le3A_59 : vector<256x1xf32>
    %mul3A_61 = arith.mulf %abs3A, %mul3A_54 : vector<256x1xf32>
    %mul3A_62 = arith.mulf %abs3A, %sub3A_57 : vector<256x1xf32>
    %select_n3A_63 = arith.select %le3A_60, %mul3A_61, %mul3A_62 : vector<256x1xi1>, vector<256x1xf32>
    %reduce_sum3A_64 = vector.shape_cast %select_n3A_63 : vector<256x1xf32> to vector<1x256x1xf32>
    %reduce_sum3A_65 = arith.constant dense<0.000000e+00> : vector<1xf32>
    %reduce_sum3A_66 = vector.multi_reduction <add>, %reduce_sum3A_64, %reduce_sum3A_65 [1, 2] : vector<1x256x1xf32> to vector<1xf32>
    %reduce_sum3A_67 = vector.shape_cast %reduce_sum3A_66 : vector<1xf32> to vector<1x1x1xf32>
    %reduce_sum3A_68 = vector.extract %reduce_sum3A_67[0, 0, 0] : f32 from vector<1x1x1xf32>
    %reshape3A = vector.broadcast %reduce_sum3A_68 : f32 to vector<1x1xf32>
    %mul3A_69 = arith.constant 3.906250e-03 : f32
    %mul3A_70 = vector.broadcast %mul3A_69 : f32 to vector<1x1xf32>
    %mul3A_71 = arith.mulf %reshape3A, %mul3A_70 : vector<1x1xf32>
    %swap3A = arith.constant 0 : index
    %swap3A_72 = arith.constant 0 : index
    %swap3A_73 = vector.load %arg3[%swap3A, %swap3A_72] : memref<1x1xf32, #tpu.memory_space<vmem>>, vector<1x1xf32>
    tpu.vector_store %arg3[%swap3A, %swap3A_72], %mul3A_71 {strides = array<i32>} : memref<1x1xf32, #tpu.memory_space<vmem>>, vector<1x1xf32>,
    return
  }
}

module attributes {stable_mosaic.version = 14 : i64} {
  func.func @_tc_sum_body(%arg0: i32, %arg1: memref<4096x256xf32, #tpu.memory_space<vmem>>, %arg2: memref<8x256xf32, #tpu.memory_space<vmem>>) attributes {dimension_semantics = [#tpu.dimension_semantics<arbitrary>], iteration_bounds = array<i64: 11>, scalar_prefetch = 0 : i64, scratch_operands = 0 : i64, tpu.core_type = #tpu.core_type<tc>, window_params = [{transform_indices = @transform_0, window_bounds = array<i64: 4096, 256>}, {pipeline_mode = #tpu.pipeline_mode<synchronous>, transform_indices = @transform_1, window_bounds = array<i64: 8, 256>}]} {
    %eq3A = arith.constant 0 : i32
    %eq3A_0 = arith.cmpi eq, %arg0, %eq3A : i32
    %convert_element_type3A = arith.extui %eq3A_0 : i1 to i32
    %cond3A = arith.constant 0 : i32
    %cond3A_1 = arith.cmpi ne, %convert_element_type3A, %cond3A : i32
    scf.if %cond3A_1 {
      %broadcast_in_dim3A = arith.constant 0.000000e+00 : f32
      %broadcast_in_dim3A_2053 = vector.broadcast %broadcast_in_dim3A : f32 to vector<8x256xf32>
      %swap3A_2054 = arith.constant 0 : index
      %swap3A_2055 = arith.constant 0 : index
      %swap3A_2056 = vector.load %arg2[%swap3A_2054, %swap3A_2055] : memref<8x256xf32, #tpu.memory_space<vmem>>, vector<8x256xf32>
      tpu.vector_store %arg2[%swap3A_2054, %swap3A_2055], %broadcast_in_dim3A_2053 {strides = array<i32>} : memref<8x256xf32, #tpu.memory_space<vmem>>, vector<8x256xf32>,
    } else {
    }
    %get3A = arith.constant 0 : index
    %get3A_2 = arith.constant 0 : index
    %get3A_3 = vector.load %arg1[%get3A, %get3A_2] : memref<4096x256xf32, #tpu.memory_space<vmem>>, vector<8x256xf32>
    %get3A_4 = arith.constant 8 : index
    %get3A_5 = arith.constant 0 : index
    %get3A_6 = vector.load %arg1[%get3A_4, %get3A_5] : memref<4096x256xf32, #tpu.memory_space<vmem>>, vector<8x256xf32>
    %add3A = arith.addf %get3A_3, %get3A_6 : vector<8x256xf32>
    %get3A_7 = arith.constant 16 : index
    %get3A_8 = arith.constant 0 : index
    %get3A_9 = vector.load %arg1[%get3A_7, %get3A_8] : memref<4096x256xf32, #tpu.memory_space<vmem>>, vector<8x256xf32>
    %add3A_10 = arith.addf %add3A, %get3A_9 : vector<8x256xf32>
    %get3A_11 = arith.constant 24 : index
    %get3A_12 = arith.constant 0 : index
    %get3A_13 = vector.load %arg1[%get3A_11, %get3A_12] : memref<4096x256xf32, #tpu.memory_space<vmem>>, vector<8x256xf32>
    %add3A_14 = arith.addf %add3A_10, %get3A_13 : vector<8x256xf32>
    %get3A_15 = arith.constant 32 : index
    %get3A_16 = arith.constant 0 : index
    %get3A_17 = vector.load %arg1[%get3A_15, %get3A_16] : memref<4096x256xf32, #tpu.memory_space<vmem>>, vector<8x256xf32>
    %add3A_18 = arith.addf %add3A_14, %get3A_17 : vector<8x256xf32>
    %get3A_19 = arith.constant 40 : index
    %get3A_20 = arith.constant 0 : index
    %get3A_21 = vector.load %arg1[%get3A_19, %get3A_20] : memref<4096x256xf32, #tpu.memory_space<vmem>>, vector<8x256xf32>
    %add3A_22 = arith.addf %add3A_18, %get3A_21 : vector<8x256xf32>
    %get3A_23 = arith.constant 48 : index
    %get3A_24 = arith.constant 0 : index
    %get3A_25 = vector.load %arg1[%get3A_23, %get3A_24] : memref<4096x256xf32, #tpu.memory_space<vmem>>, vector<8x256xf32>
    %add3A_26 = arith.addf %add3A_22, %get3A_25 : vector<8x256xf32>
    %get3A_27 = arith.constant 56 : index
    %get3A_28 = arith.constant 0 : index
    %get3A_29 = vector.load %arg1[%get3A_27, %get3A_28] : memref<4096x256xf32, #tpu.memory_space<vmem>>, vector<8x256xf32>
    %add3A_30 = arith.addf %add3A_26, %get3A_29 : vector<8x256xf32>
    %get3A_31 = arith.constant 64 : index
    %get3A_32 = arith.constant 0 : index
    %get3A_33 = vector.load %arg1[%get3A_31, %get3A_32] : memref<4096x256xf32, #tpu.memory_space<vmem>>, vector<8x256xf32>
    %add3A_34 = arith.addf %add3A_30, %get3A_33 : vector<8x256xf32>
    %get3A_35 = arith.constant 72 : index
    %get3A_36 = arith.constant 0 : index
    %get3A_37 = vector.load %arg1[%get3A_35, %get3A_36] : memref<4096x256xf32, #tpu.memory_space<vmem>>, vector<8x256xf32>
    %add3A_38 = arith.addf %add3A_34, %get3A_37 : vector<8x256xf32>
    %get3A_39 = arith.constant 80 : index
    %get3A_40 = arith.constant 0 : index
    %get3A_41 = vector.load %arg1[%get3A_39, %get3A_40] : memref<4096x256xf32, #tpu.memory_space<vmem>>, vector<8x256xf32>
    %add3A_42 = arith.addf %add3A_38, %get3A_41 : vector<8x256xf32>
    %get3A_43 = arith.constant 88 : index
    %get3A_44 = arith.constant 0 : index
    %get3A_45 = vector.load %arg1[%get3A_43, %get3A_44] : memref<4096x256xf32, #tpu.memory_space<vmem>>, vector<8x256xf32>
    %add3A_46 = arith.addf %add3A_42, %get3A_45 : vector<8x256xf32>
    %get3A_47 = arith.constant 96 : index
    %get3A_48 = arith.constant 0 : index
    %get3A_49 = vector.load %arg1[%get3A_47, %get3A_48] : memref<4096x256xf32, #tpu.memory_space<vmem>>, vector<8x256xf32>
    %add3A_50 = arith.addf %add3A_46, %get3A_49 : vector<8x256xf32>
    %get3A_51 = arith.constant 104 : index
    %get3A_52 = arith.constant 0 : index
    %get3A_53 = vector.load %arg1[%get3A_51, %get3A_52] : memref<4096x256xf32, #tpu.memory_space<vmem>>, vector<8x256xf32>
    %add3A_54 = arith.addf %add3A_50, %get3A_53 : vector<8x256xf32>
    %get3A_55 = arith.constant 112 : index
    %get3A_56 = arith.constant 0 : index
    %get3A_57 = vector.load %arg1[%get3A_55, %get3A_56] : memref<4096x256xf32, #tpu.memory_space<vmem>>, vector<8x256xf32>
    %add3A_58 = arith.addf %add3A_54, %get3A_57 : vector<8x256xf32>
    %get3A_59 = arith.constant 120 : index
    %get3A_60 = arith.constant 0 : index
    %get3A_61 = vector.load %arg1[%get3A_59, %get3A_60] : memref<4096x256xf32, #tpu.memory_space<vmem>>, vector<8x256xf32>
    %add3A_62 = arith.addf %add3A_58, %get3A_61 : vector<8x256xf32>
    %get3A_63 = arith.constant 128 : index
    %get3A_64 = arith.constant 0 : index
    %get3A_65 = vector.load %arg1[%get3A_63, %get3A_64] : memref<4096x256xf32, #tpu.memory_space<vmem>>, vector<8x256xf32>
    %add3A_66 = arith.addf %add3A_62, %get3A_65 : vector<8x256xf32>
    %get3A_67 = arith.constant 136 : index
    %get3A_68 = arith.constant 0 : index
    %get3A_69 = vector.load %arg1[%get3A_67, %get3A_68] : memref<4096x256xf32, #tpu.memory_space<vmem>>, vector<8x256xf32>
    %add3A_70 = arith.addf %add3A_66, %get3A_69 : vector<8x256xf32>
    %get3A_71 = arith.constant 144 : index
    %get3A_72 = arith.constant 0 : index
    %get3A_73 = vector.load %arg1[%get3A_71, %get3A_72] : memref<4096x256xf32, #tpu.memory_space<vmem>>, vector<8x256xf32>
    %add3A_74 = arith.addf %add3A_70, %get3A_73 : vector<8x256xf32>
    %get3A_75 = arith.constant 152 : index
    %get3A_76 = arith.constant 0 : index
    %get3A_77 = vector.load %arg1[%get3A_75, %get3A_76] : memref<4096x256xf32, #tpu.memory_space<vmem>>, vector<8x256xf32>
    %add3A_78 = arith.addf %add3A_74, %get3A_77 : vector<8x256xf32>
    %get3A_79 = arith.constant 160 : index
    %get3A_80 = arith.constant 0 : index
    %get3A_81 = vector.load %arg1[%get3A_79, %get3A_80] : memref<4096x256xf32, #tpu.memory_space<vmem>>, vector<8x256xf32>
    %add3A_82 = arith.addf %add3A_78, %get3A_81 : vector<8x256xf32>
    %get3A_83 = arith.constant 168 : index
    %get3A_84 = arith.constant 0 : index
    %get3A_85 = vector.load %arg1[%get3A_83, %get3A_84] : memref<4096x256xf32, #tpu.memory_space<vmem>>, vector<8x256xf32>
    %add3A_86 = arith.addf %add3A_82, %get3A_85 : vector<8x256xf32>
    %get3A_87 = arith.constant 176 : index
    %get3A_88 = arith.constant 0 : index
    %get3A_89 = vector.load %arg1[%get3A_87, %get3A_88] : memref<4096x256xf32, #tpu.memory_space<vmem>>, vector<8x256xf32>
    %add3A_90 = arith.addf %add3A_86, %get3A_89 : vector<8x256xf32>
    %get3A_91 = arith.constant 184 : index
    %get3A_92 = arith.constant 0 : index
    %get3A_93 = vector.load %arg1[%get3A_91, %get3A_92] : memref<4096x256xf32, #tpu.memory_space<vmem>>, vector<8x256xf32>
    %add3A_94 = arith.addf %add3A_90, %get3A_93 : vector<8x256xf32>
    %get3A_95 = arith.constant 192 : index
    %get3A_96 = arith.constant 0 : index
    %get3A_97 = vector.load %arg1[%get3A_95, %get3A_96] : memref<4096x256xf32, #tpu.memory_space<vmem>>, vector<8x256xf32>
    %add3A_98 = arith.addf %add3A_94, %get3A_97 : vector<8x256xf32>
    %get3A_99 = arith.constant 200 : index
    %get3A_100 = arith.constant 0 : index
    %get3A_101 = vector.load %arg1[%get3A_99, %get3A_100] : memref<4096x256xf32, #tpu.memory_space<vmem>>, vector<8x256xf32>
    %add3A_102 = arith.addf %add3A_98, %get3A_101 : vector<8x256xf32>
    %get3A_103 = arith.constant 208 : index
    %get3A_104 = arith.constant 0 : index
    %get3A_105 = vector.load %arg1[%get3A_103, %get3A_104] : memref<4096x256xf32, #tpu.memory_space<vmem>>, vector<8x256xf32>
    %add3A_106 = arith.addf %add3A_102, %get3A_105 : vector<8x256xf32>
    %get3A_107 = arith.constant 216 : index
    %get3A_108 = arith.constant 0 : index
    %get3A_109 = vector.load %arg1[%get3A_107, %get3A_108] : memref<4096x256xf32, #tpu.memory_space<vmem>>, vector<8x256xf32>
    %add3A_110 = arith.addf %add3A_106, %get3A_109 : vector<8x256xf32>
    %get3A_111 = arith.constant 224 : index
    %get3A_112 = arith.constant 0 : index
    %get3A_113 = vector.load %arg1[%get3A_111, %get3A_112] : memref<4096x256xf32, #tpu.memory_space<vmem>>, vector<8x256xf32>
    %add3A_114 = arith.addf %add3A_110, %get3A_113 : vector<8x256xf32>
    %get3A_115 = arith.constant 232 : index
    %get3A_116 = arith.constant 0 : index
    %get3A_117 = vector.load %arg1[%get3A_115, %get3A_116] : memref<4096x256xf32, #tpu.memory_space<vmem>>, vector<8x256xf32>
    %add3A_118 = arith.addf %add3A_114, %get3A_117 : vector<8x256xf32>
    %get3A_119 = arith.constant 240 : index
    %get3A_120 = arith.constant 0 : index
    %get3A_121 = vector.load %arg1[%get3A_119, %get3A_120] : memref<4096x256xf32, #tpu.memory_space<vmem>>, vector<8x256xf32>
    %add3A_122 = arith.addf %add3A_118, %get3A_121 : vector<8x256xf32>
    %get3A_123 = arith.constant 248 : index
    %get3A_124 = arith.constant 0 : index
    %get3A_125 = vector.load %arg1[%get3A_123, %get3A_124] : memref<4096x256xf32, #tpu.memory_space<vmem>>, vector<8x256xf32>
    %add3A_126 = arith.addf %add3A_122, %get3A_125 : vector<8x256xf32>
    %get3A_127 = arith.constant 256 : index
    %get3A_128 = arith.constant 0 : index
    %get3A_129 = vector.load %arg1[%get3A_127, %get3A_128] : memref<4096x256xf32, #tpu.memory_space<vmem>>, vector<8x256xf32>
    %add3A_130 = arith.addf %add3A_126, %get3A_129 : vector<8x256xf32>
    %get3A_131 = arith.constant 264 : index
    %get3A_132 = arith.constant 0 : index
    %get3A_133 = vector.load %arg1[%get3A_131, %get3A_132] : memref<4096x256xf32, #tpu.memory_space<vmem>>, vector<8x256xf32>
    %add3A_134 = arith.addf %add3A_130, %get3A_133 : vector<8x256xf32>
    %get3A_135 = arith.constant 272 : index
    %get3A_136 = arith.constant 0 : index
    %get3A_137 = vector.load %arg1[%get3A_135, %get3A_136] : memref<4096x256xf32, #tpu.memory_space<vmem>>, vector<8x256xf32>
    %add3A_138 = arith.addf %add3A_134, %get3A_137 : vector<8x256xf32>
    %get3A_139 = arith.constant 280 : index
    %get3A_140 = arith.constant 0 : index
    %get3A_141 = vector.load %arg1[%get3A_139, %get3A_140] : memref<4096x256xf32, #tpu.memory_space<vmem>>, vector<8x256xf32>
    %add3A_142 = arith.addf %add3A_138, %get3A_141 : vector<8x256xf32>
    %get3A_143 = arith.constant 288 : index
    %get3A_144 = arith.constant 0 : index
    %get3A_145 = vector.load %arg1[%get3A_143, %get3A_144] : memref<4096x256xf32, #tpu.memory_space<vmem>>, vector<8x256xf32>
    %add3A_146 = arith.addf %add3A_142, %get3A_145 : vector<8x256xf32>
    %get3A_147 = arith.constant 296 : index
    %get3A_148 = arith.constant 0 : index
    %get3A_149 = vector.load %arg1[%get3A_147, %get3A_148] : memref<4096x256xf32, #tpu.memory_space<vmem>>, vector<8x256xf32>
    %add3A_150 = arith.addf %add3A_146, %get3A_149 : vector<8x256xf32>
    %get3A_151 = arith.constant 304 : index
    %get3A_152 = arith.constant 0 : index
    %get3A_153 = vector.load %arg1[%get3A_151, %get3A_152] : memref<4096x256xf32, #tpu.memory_space<vmem>>, vector<8x256xf32>
    %add3A_154 = arith.addf %add3A_150, %get3A_153 : vector<8x256xf32>
    %get3A_155 = arith.constant 312 : index
    %get3A_156 = arith.constant 0 : index
    %get3A_157 = vector.load %arg1[%get3A_155, %get3A_156] : memref<4096x256xf32, #tpu.memory_space<vmem>>, vector<8x256xf32>
    %add3A_158 = arith.addf %add3A_154, %get3A_157 : vector<8x256xf32>
    %get3A_159 = arith.constant 320 : index
    %get3A_160 = arith.constant 0 : index
    %get3A_161 = vector.load %arg1[%get3A_159, %get3A_160] : memref<4096x256xf32, #tpu.memory_space<vmem>>, vector<8x256xf32>
    %add3A_162 = arith.addf %add3A_158, %get3A_161 : vector<8x256xf32>
    %get3A_163 = arith.constant 328 : index
    %get3A_164 = arith.constant 0 : index
    %get3A_165 = vector.load %arg1[%get3A_163, %get3A_164] : memref<4096x256xf32, #tpu.memory_space<vmem>>, vector<8x256xf32>
    %add3A_166 = arith.addf %add3A_162, %get3A_165 : vector<8x256xf32>
    %get3A_167 = arith.constant 336 : index
    %get3A_168 = arith.constant 0 : index
    %get3A_169 = vector.load %arg1[%get3A_167, %get3A_168] : memref<4096x256xf32, #tpu.memory_space<vmem>>, vector<8x256xf32>
    %add3A_170 = arith.addf %add3A_166, %get3A_169 : vector<8x256xf32>
    %get3A_171 = arith.constant 344 : index
    %get3A_172 = arith.constant 0 : index
    %get3A_173 = vector.load %arg1[%get3A_171, %get3A_172] : memref<4096x256xf32, #tpu.memory_space<vmem>>, vector<8x256xf32>
    %add3A_174 = arith.addf %add3A_170, %get3A_173 : vector<8x256xf32>
    %get3A_175 = arith.constant 352 : index
    %get3A_176 = arith.constant 0 : index
    %get3A_177 = vector.load %arg1[%get3A_175, %get3A_176] : memref<4096x256xf32, #tpu.memory_space<vmem>>, vector<8x256xf32>
    %add3A_178 = arith.addf %add3A_174, %get3A_177 : vector<8x256xf32>
    %get3A_179 = arith.constant 360 : index
    %get3A_180 = arith.constant 0 : index
    %get3A_181 = vector.load %arg1[%get3A_179, %get3A_180] : memref<4096x256xf32, #tpu.memory_space<vmem>>, vector<8x256xf32>
    %add3A_182 = arith.addf %add3A_178, %get3A_181 : vector<8x256xf32>
    %get3A_183 = arith.constant 368 : index
    %get3A_184 = arith.constant 0 : index
    %get3A_185 = vector.load %arg1[%get3A_183, %get3A_184] : memref<4096x256xf32, #tpu.memory_space<vmem>>, vector<8x256xf32>
    %add3A_186 = arith.addf %add3A_182, %get3A_185 : vector<8x256xf32>
    %get3A_187 = arith.constant 376 : index
    %get3A_188 = arith.constant 0 : index
    %get3A_189 = vector.load %arg1[%get3A_187, %get3A_188] : memref<4096x256xf32, #tpu.memory_space<vmem>>, vector<8x256xf32>
    %add3A_190 = arith.addf %add3A_186, %get3A_189 : vector<8x256xf32>
    %get3A_191 = arith.constant 384 : index
    %get3A_192 = arith.constant 0 : index
    %get3A_193 = vector.load %arg1[%get3A_191, %get3A_192] : memref<4096x256xf32, #tpu.memory_space<vmem>>, vector<8x256xf32>
    %add3A_194 = arith.addf %add3A_190, %get3A_193 : vector<8x256xf32>
    %get3A_195 = arith.constant 392 : index
    %get3A_196 = arith.constant 0 : index
    %get3A_197 = vector.load %arg1[%get3A_195, %get3A_196] : memref<4096x256xf32, #tpu.memory_space<vmem>>, vector<8x256xf32>
    %add3A_198 = arith.addf %add3A_194, %get3A_197 : vector<8x256xf32>
    %get3A_199 = arith.constant 400 : index
    %get3A_200 = arith.constant 0 : index
    %get3A_201 = vector.load %arg1[%get3A_199, %get3A_200] : memref<4096x256xf32, #tpu.memory_space<vmem>>, vector<8x256xf32>
    %add3A_202 = arith.addf %add3A_198, %get3A_201 : vector<8x256xf32>
    %get3A_203 = arith.constant 408 : index
    %get3A_204 = arith.constant 0 : index
    %get3A_205 = vector.load %arg1[%get3A_203, %get3A_204] : memref<4096x256xf32, #tpu.memory_space<vmem>>, vector<8x256xf32>
    %add3A_206 = arith.addf %add3A_202, %get3A_205 : vector<8x256xf32>
    %get3A_207 = arith.constant 416 : index
    %get3A_208 = arith.constant 0 : index
    %get3A_209 = vector.load %arg1[%get3A_207, %get3A_208] : memref<4096x256xf32, #tpu.memory_space<vmem>>, vector<8x256xf32>
    %add3A_210 = arith.addf %add3A_206, %get3A_209 : vector<8x256xf32>
    %get3A_211 = arith.constant 424 : index
    %get3A_212 = arith.constant 0 : index
    %get3A_213 = vector.load %arg1[%get3A_211, %get3A_212] : memref<4096x256xf32, #tpu.memory_space<vmem>>, vector<8x256xf32>
    %add3A_214 = arith.addf %add3A_210, %get3A_213 : vector<8x256xf32>
    %get3A_215 = arith.constant 432 : index
    %get3A_216 = arith.constant 0 : index
    %get3A_217 = vector.load %arg1[%get3A_215, %get3A_216] : memref<4096x256xf32, #tpu.memory_space<vmem>>, vector<8x256xf32>
    %add3A_218 = arith.addf %add3A_214, %get3A_217 : vector<8x256xf32>
    %get3A_219 = arith.constant 440 : index
    %get3A_220 = arith.constant 0 : index
    %get3A_221 = vector.load %arg1[%get3A_219, %get3A_220] : memref<4096x256xf32, #tpu.memory_space<vmem>>, vector<8x256xf32>
    %add3A_222 = arith.addf %add3A_218, %get3A_221 : vector<8x256xf32>
    %get3A_223 = arith.constant 448 : index
    %get3A_224 = arith.constant 0 : index
    %get3A_225 = vector.load %arg1[%get3A_223, %get3A_224] : memref<4096x256xf32, #tpu.memory_space<vmem>>, vector<8x256xf32>
    %add3A_226 = arith.addf %add3A_222, %get3A_225 : vector<8x256xf32>
    %get3A_227 = arith.constant 456 : index
    %get3A_228 = arith.constant 0 : index
    %get3A_229 = vector.load %arg1[%get3A_227, %get3A_228] : memref<4096x256xf32, #tpu.memory_space<vmem>>, vector<8x256xf32>
    %add3A_230 = arith.addf %add3A_226, %get3A_229 : vector<8x256xf32>
    %get3A_231 = arith.constant 464 : index
    %get3A_232 = arith.constant 0 : index
    %get3A_233 = vector.load %arg1[%get3A_231, %get3A_232] : memref<4096x256xf32, #tpu.memory_space<vmem>>, vector<8x256xf32>
    %add3A_234 = arith.addf %add3A_230, %get3A_233 : vector<8x256xf32>
    %get3A_235 = arith.constant 472 : index
    %get3A_236 = arith.constant 0 : index
    %get3A_237 = vector.load %arg1[%get3A_235, %get3A_236] : memref<4096x256xf32, #tpu.memory_space<vmem>>, vector<8x256xf32>
    %add3A_238 = arith.addf %add3A_234, %get3A_237 : vector<8x256xf32>
    %get3A_239 = arith.constant 480 : index
    %get3A_240 = arith.constant 0 : index
    %get3A_241 = vector.load %arg1[%get3A_239, %get3A_240] : memref<4096x256xf32, #tpu.memory_space<vmem>>, vector<8x256xf32>
    %add3A_242 = arith.addf %add3A_238, %get3A_241 : vector<8x256xf32>
    %get3A_243 = arith.constant 488 : index
    %get3A_244 = arith.constant 0 : index
    %get3A_245 = vector.load %arg1[%get3A_243, %get3A_244] : memref<4096x256xf32, #tpu.memory_space<vmem>>, vector<8x256xf32>
    %add3A_246 = arith.addf %add3A_242, %get3A_245 : vector<8x256xf32>
    %get3A_247 = arith.constant 496 : index
    %get3A_248 = arith.constant 0 : index
    %get3A_249 = vector.load %arg1[%get3A_247, %get3A_248] : memref<4096x256xf32, #tpu.memory_space<vmem>>, vector<8x256xf32>
    %add3A_250 = arith.addf %add3A_246, %get3A_249 : vector<8x256xf32>
    %get3A_251 = arith.constant 504 : index
    %get3A_252 = arith.constant 0 : index
    %get3A_253 = vector.load %arg1[%get3A_251, %get3A_252] : memref<4096x256xf32, #tpu.memory_space<vmem>>, vector<8x256xf32>
    %add3A_254 = arith.addf %add3A_250, %get3A_253 : vector<8x256xf32>
    %get3A_255 = arith.constant 512 : index
    %get3A_256 = arith.constant 0 : index
    %get3A_257 = vector.load %arg1[%get3A_255, %get3A_256] : memref<4096x256xf32, #tpu.memory_space<vmem>>, vector<8x256xf32>
    %get3A_258 = arith.constant 520 : index
    %get3A_259 = arith.constant 0 : index
    %get3A_260 = vector.load %arg1[%get3A_258, %get3A_259] : memref<4096x256xf32, #tpu.memory_space<vmem>>, vector<8x256xf32>
    %add3A_261 = arith.addf %get3A_257, %get3A_260 : vector<8x256xf32>
    %get3A_262 = arith.constant 528 : index
    %get3A_263 = arith.constant 0 : index
    %get3A_264 = vector.load %arg1[%get3A_262, %get3A_263] : memref<4096x256xf32, #tpu.memory_space<vmem>>, vector<8x256xf32>
    %add3A_265 = arith.addf %add3A_261, %get3A_264 : vector<8x256xf32>
    %get3A_266 = arith.constant 536 : index
    %get3A_267 = arith.constant 0 : index
    %get3A_268 = vector.load %arg1[%get3A_266, %get3A_267] : memref<4096x256xf32, #tpu.memory_space<vmem>>, vector<8x256xf32>
    %add3A_269 = arith.addf %add3A_265, %get3A_268 : vector<8x256xf32>
    %get3A_270 = arith.constant 544 : index
    %get3A_271 = arith.constant 0 : index
    %get3A_272 = vector.load %arg1[%get3A_270, %get3A_271] : memref<4096x256xf32, #tpu.memory_space<vmem>>, vector<8x256xf32>
    %add3A_273 = arith.addf %add3A_269, %get3A_272 : vector<8x256xf32>
    %get3A_274 = arith.constant 552 : index
    %get3A_275 = arith.constant 0 : index
    %get3A_276 = vector.load %arg1[%get3A_274, %get3A_275] : memref<4096x256xf32, #tpu.memory_space<vmem>>, vector<8x256xf32>
    %add3A_277 = arith.addf %add3A_273, %get3A_276 : vector<8x256xf32>
    %get3A_278 = arith.constant 560 : index
    %get3A_279 = arith.constant 0 : index
    %get3A_280 = vector.load %arg1[%get3A_278, %get3A_279] : memref<4096x256xf32, #tpu.memory_space<vmem>>, vector<8x256xf32>
    %add3A_281 = arith.addf %add3A_277, %get3A_280 : vector<8x256xf32>
    %get3A_282 = arith.constant 568 : index
    %get3A_283 = arith.constant 0 : index
    %get3A_284 = vector.load %arg1[%get3A_282, %get3A_283] : memref<4096x256xf32, #tpu.memory_space<vmem>>, vector<8x256xf32>
    %add3A_285 = arith.addf %add3A_281, %get3A_284 : vector<8x256xf32>
    %get3A_286 = arith.constant 576 : index
    %get3A_287 = arith.constant 0 : index
    %get3A_288 = vector.load %arg1[%get3A_286, %get3A_287] : memref<4096x256xf32, #tpu.memory_space<vmem>>, vector<8x256xf32>
    %add3A_289 = arith.addf %add3A_285, %get3A_288 : vector<8x256xf32>
    %get3A_290 = arith.constant 584 : index
    %get3A_291 = arith.constant 0 : index
    %get3A_292 = vector.load %arg1[%get3A_290, %get3A_291] : memref<4096x256xf32, #tpu.memory_space<vmem>>, vector<8x256xf32>
    %add3A_293 = arith.addf %add3A_289, %get3A_292 : vector<8x256xf32>
    %get3A_294 = arith.constant 592 : index
    %get3A_295 = arith.constant 0 : index
    %get3A_296 = vector.load %arg1[%get3A_294, %get3A_295] : memref<4096x256xf32, #tpu.memory_space<vmem>>, vector<8x256xf32>
    %add3A_297 = arith.addf %add3A_293, %get3A_296 : vector<8x256xf32>
    %get3A_298 = arith.constant 600 : index
    %get3A_299 = arith.constant 0 : index
    %get3A_300 = vector.load %arg1[%get3A_298, %get3A_299] : memref<4096x256xf32, #tpu.memory_space<vmem>>, vector<8x256xf32>
    %add3A_301 = arith.addf %add3A_297, %get3A_300 : vector<8x256xf32>
    %get3A_302 = arith.constant 608 : index
    %get3A_303 = arith.constant 0 : index
    %get3A_304 = vector.load %arg1[%get3A_302, %get3A_303] : memref<4096x256xf32, #tpu.memory_space<vmem>>, vector<8x256xf32>
    %add3A_305 = arith.addf %add3A_301, %get3A_304 : vector<8x256xf32>
    %get3A_306 = arith.constant 616 : index
    %get3A_307 = arith.constant 0 : index
    %get3A_308 = vector.load %arg1[%get3A_306, %get3A_307] : memref<4096x256xf32, #tpu.memory_space<vmem>>, vector<8x256xf32>
    %add3A_309 = arith.addf %add3A_305, %get3A_308 : vector<8x256xf32>
    %get3A_310 = arith.constant 624 : index
    %get3A_311 = arith.constant 0 : index
    %get3A_312 = vector.load %arg1[%get3A_310, %get3A_311] : memref<4096x256xf32, #tpu.memory_space<vmem>>, vector<8x256xf32>
    %add3A_313 = arith.addf %add3A_309, %get3A_312 : vector<8x256xf32>
    %get3A_314 = arith.constant 632 : index
    %get3A_315 = arith.constant 0 : index
    %get3A_316 = vector.load %arg1[%get3A_314, %get3A_315] : memref<4096x256xf32, #tpu.memory_space<vmem>>, vector<8x256xf32>
    %add3A_317 = arith.addf %add3A_313, %get3A_316 : vector<8x256xf32>
    %get3A_318 = arith.constant 640 : index
    %get3A_319 = arith.constant 0 : index
    %get3A_320 = vector.load %arg1[%get3A_318, %get3A_319] : memref<4096x256xf32, #tpu.memory_space<vmem>>, vector<8x256xf32>
    %add3A_321 = arith.addf %add3A_317, %get3A_320 : vector<8x256xf32>
    %get3A_322 = arith.constant 648 : index
    %get3A_323 = arith.constant 0 : index
    %get3A_324 = vector.load %arg1[%get3A_322, %get3A_323] : memref<4096x256xf32, #tpu.memory_space<vmem>>, vector<8x256xf32>
    %add3A_325 = arith.addf %add3A_321, %get3A_324 : vector<8x256xf32>
    %get3A_326 = arith.constant 656 : index
    %get3A_327 = arith.constant 0 : index
    %get3A_328 = vector.load %arg1[%get3A_326, %get3A_327] : memref<4096x256xf32, #tpu.memory_space<vmem>>, vector<8x256xf32>
    %add3A_329 = arith.addf %add3A_325, %get3A_328 : vector<8x256xf32>
    %get3A_330 = arith.constant 664 : index
    %get3A_331 = arith.constant 0 : index
    %get3A_332 = vector.load %arg1[%get3A_330, %get3A_331] : memref<4096x256xf32, #tpu.memory_space<vmem>>, vector<8x256xf32>
    %add3A_333 = arith.addf %add3A_329, %get3A_332 : vector<8x256xf32>
    %get3A_334 = arith.constant 672 : index
    %get3A_335 = arith.constant 0 : index
    %get3A_336 = vector.load %arg1[%get3A_334, %get3A_335] : memref<4096x256xf32, #tpu.memory_space<vmem>>, vector<8x256xf32>
    %add3A_337 = arith.addf %add3A_333, %get3A_336 : vector<8x256xf32>
    %get3A_338 = arith.constant 680 : index
    %get3A_339 = arith.constant 0 : index
    %get3A_340 = vector.load %arg1[%get3A_338, %get3A_339] : memref<4096x256xf32, #tpu.memory_space<vmem>>, vector<8x256xf32>
    %add3A_341 = arith.addf %add3A_337, %get3A_340 : vector<8x256xf32>
    %get3A_342 = arith.constant 688 : index
    %get3A_343 = arith.constant 0 : index
    %get3A_344 = vector.load %arg1[%get3A_342, %get3A_343] : memref<4096x256xf32, #tpu.memory_space<vmem>>, vector<8x256xf32>
    %add3A_345 = arith.addf %add3A_341, %get3A_344 : vector<8x256xf32>
    %get3A_346 = arith.constant 696 : index
    %get3A_347 = arith.constant 0 : index
    %get3A_348 = vector.load %arg1[%get3A_346, %get3A_347] : memref<4096x256xf32, #tpu.memory_space<vmem>>, vector<8x256xf32>
    %add3A_349 = arith.addf %add3A_345, %get3A_348 : vector<8x256xf32>
    %get3A_350 = arith.constant 704 : index
    %get3A_351 = arith.constant 0 : index
    %get3A_352 = vector.load %arg1[%get3A_350, %get3A_351] : memref<4096x256xf32, #tpu.memory_space<vmem>>, vector<8x256xf32>
    %add3A_353 = arith.addf %add3A_349, %get3A_352 : vector<8x256xf32>
    %get3A_354 = arith.constant 712 : index
    %get3A_355 = arith.constant 0 : index
    %get3A_356 = vector.load %arg1[%get3A_354, %get3A_355] : memref<4096x256xf32, #tpu.memory_space<vmem>>, vector<8x256xf32>
    %add3A_357 = arith.addf %add3A_353, %get3A_356 : vector<8x256xf32>
    %get3A_358 = arith.constant 720 : index
    %get3A_359 = arith.constant 0 : index
    %get3A_360 = vector.load %arg1[%get3A_358, %get3A_359] : memref<4096x256xf32, #tpu.memory_space<vmem>>, vector<8x256xf32>
    %add3A_361 = arith.addf %add3A_357, %get3A_360 : vector<8x256xf32>
    %get3A_362 = arith.constant 728 : index
    %get3A_363 = arith.constant 0 : index
    %get3A_364 = vector.load %arg1[%get3A_362, %get3A_363] : memref<4096x256xf32, #tpu.memory_space<vmem>>, vector<8x256xf32>
    %add3A_365 = arith.addf %add3A_361, %get3A_364 : vector<8x256xf32>
    %get3A_366 = arith.constant 736 : index
    %get3A_367 = arith.constant 0 : index
    %get3A_368 = vector.load %arg1[%get3A_366, %get3A_367] : memref<4096x256xf32, #tpu.memory_space<vmem>>, vector<8x256xf32>
    %add3A_369 = arith.addf %add3A_365, %get3A_368 : vector<8x256xf32>
    %get3A_370 = arith.constant 744 : index
    %get3A_371 = arith.constant 0 : index
    %get3A_372 = vector.load %arg1[%get3A_370, %get3A_371] : memref<4096x256xf32, #tpu.memory_space<vmem>>, vector<8x256xf32>
    %add3A_373 = arith.addf %add3A_369, %get3A_372 : vector<8x256xf32>
    %get3A_374 = arith.constant 752 : index
    %get3A_375 = arith.constant 0 : index
    %get3A_376 = vector.load %arg1[%get3A_374, %get3A_375] : memref<4096x256xf32, #tpu.memory_space<vmem>>, vector<8x256xf32>
    %add3A_377 = arith.addf %add3A_373, %get3A_376 : vector<8x256xf32>
    %get3A_378 = arith.constant 760 : index
    %get3A_379 = arith.constant 0 : index
    %get3A_380 = vector.load %arg1[%get3A_378, %get3A_379] : memref<4096x256xf32, #tpu.memory_space<vmem>>, vector<8x256xf32>
    %add3A_381 = arith.addf %add3A_377, %get3A_380 : vector<8x256xf32>
    %get3A_382 = arith.constant 768 : index
    %get3A_383 = arith.constant 0 : index
    %get3A_384 = vector.load %arg1[%get3A_382, %get3A_383] : memref<4096x256xf32, #tpu.memory_space<vmem>>, vector<8x256xf32>
    %add3A_385 = arith.addf %add3A_381, %get3A_384 : vector<8x256xf32>
    %get3A_386 = arith.constant 776 : index
    %get3A_387 = arith.constant 0 : index
    %get3A_388 = vector.load %arg1[%get3A_386, %get3A_387] : memref<4096x256xf32, #tpu.memory_space<vmem>>, vector<8x256xf32>
    %add3A_389 = arith.addf %add3A_385, %get3A_388 : vector<8x256xf32>
    %get3A_390 = arith.constant 784 : index
    %get3A_391 = arith.constant 0 : index
    %get3A_392 = vector.load %arg1[%get3A_390, %get3A_391] : memref<4096x256xf32, #tpu.memory_space<vmem>>, vector<8x256xf32>
    %add3A_393 = arith.addf %add3A_389, %get3A_392 : vector<8x256xf32>
    %get3A_394 = arith.constant 792 : index
    %get3A_395 = arith.constant 0 : index
    %get3A_396 = vector.load %arg1[%get3A_394, %get3A_395] : memref<4096x256xf32, #tpu.memory_space<vmem>>, vector<8x256xf32>
    %add3A_397 = arith.addf %add3A_393, %get3A_396 : vector<8x256xf32>
    %get3A_398 = arith.constant 800 : index
    %get3A_399 = arith.constant 0 : index
    %get3A_400 = vector.load %arg1[%get3A_398, %get3A_399] : memref<4096x256xf32, #tpu.memory_space<vmem>>, vector<8x256xf32>
    %add3A_401 = arith.addf %add3A_397, %get3A_400 : vector<8x256xf32>
    %get3A_402 = arith.constant 808 : index
    %get3A_403 = arith.constant 0 : index
    %get3A_404 = vector.load %arg1[%get3A_402, %get3A_403] : memref<4096x256xf32, #tpu.memory_space<vmem>>, vector<8x256xf32>
    %add3A_405 = arith.addf %add3A_401, %get3A_404 : vector<8x256xf32>
    %get3A_406 = arith.constant 816 : index
    %get3A_407 = arith.constant 0 : index
    %get3A_408 = vector.load %arg1[%get3A_406, %get3A_407] : memref<4096x256xf32, #tpu.memory_space<vmem>>, vector<8x256xf32>
    %add3A_409 = arith.addf %add3A_405, %get3A_408 : vector<8x256xf32>
    %get3A_410 = arith.constant 824 : index
    %get3A_411 = arith.constant 0 : index
    %get3A_412 = vector.load %arg1[%get3A_410, %get3A_411] : memref<4096x256xf32, #tpu.memory_space<vmem>>, vector<8x256xf32>
    %add3A_413 = arith.addf %add3A_409, %get3A_412 : vector<8x256xf32>
    %get3A_414 = arith.constant 832 : index
    %get3A_415 = arith.constant 0 : index
    %get3A_416 = vector.load %arg1[%get3A_414, %get3A_415] : memref<4096x256xf32, #tpu.memory_space<vmem>>, vector<8x256xf32>
    %add3A_417 = arith.addf %add3A_413, %get3A_416 : vector<8x256xf32>
    %get3A_418 = arith.constant 840 : index
    %get3A_419 = arith.constant 0 : index
    %get3A_420 = vector.load %arg1[%get3A_418, %get3A_419] : memref<4096x256xf32, #tpu.memory_space<vmem>>, vector<8x256xf32>
    %add3A_421 = arith.addf %add3A_417, %get3A_420 : vector<8x256xf32>
    %get3A_422 = arith.constant 848 : index
    %get3A_423 = arith.constant 0 : index
    %get3A_424 = vector.load %arg1[%get3A_422, %get3A_423] : memref<4096x256xf32, #tpu.memory_space<vmem>>, vector<8x256xf32>
    %add3A_425 = arith.addf %add3A_421, %get3A_424 : vector<8x256xf32>
    %get3A_426 = arith.constant 856 : index
    %get3A_427 = arith.constant 0 : index
    %get3A_428 = vector.load %arg1[%get3A_426, %get3A_427] : memref<4096x256xf32, #tpu.memory_space<vmem>>, vector<8x256xf32>
    %add3A_429 = arith.addf %add3A_425, %get3A_428 : vector<8x256xf32>
    %get3A_430 = arith.constant 864 : index
    %get3A_431 = arith.constant 0 : index
    %get3A_432 = vector.load %arg1[%get3A_430, %get3A_431] : memref<4096x256xf32, #tpu.memory_space<vmem>>, vector<8x256xf32>
    %add3A_433 = arith.addf %add3A_429, %get3A_432 : vector<8x256xf32>
    %get3A_434 = arith.constant 872 : index
    %get3A_435 = arith.constant 0 : index
    %get3A_436 = vector.load %arg1[%get3A_434, %get3A_435] : memref<4096x256xf32, #tpu.memory_space<vmem>>, vector<8x256xf32>
    %add3A_437 = arith.addf %add3A_433, %get3A_436 : vector<8x256xf32>
    %get3A_438 = arith.constant 880 : index
    %get3A_439 = arith.constant 0 : index
    %get3A_440 = vector.load %arg1[%get3A_438, %get3A_439] : memref<4096x256xf32, #tpu.memory_space<vmem>>, vector<8x256xf32>
    %add3A_441 = arith.addf %add3A_437, %get3A_440 : vector<8x256xf32>
    %get3A_442 = arith.constant 888 : index
    %get3A_443 = arith.constant 0 : index
    %get3A_444 = vector.load %arg1[%get3A_442, %get3A_443] : memref<4096x256xf32, #tpu.memory_space<vmem>>, vector<8x256xf32>
    %add3A_445 = arith.addf %add3A_441, %get3A_444 : vector<8x256xf32>
    %get3A_446 = arith.constant 896 : index
    %get3A_447 = arith.constant 0 : index
    %get3A_448 = vector.load %arg1[%get3A_446, %get3A_447] : memref<4096x256xf32, #tpu.memory_space<vmem>>, vector<8x256xf32>
    %add3A_449 = arith.addf %add3A_445, %get3A_448 : vector<8x256xf32>
    %get3A_450 = arith.constant 904 : index
    %get3A_451 = arith.constant 0 : index
    %get3A_452 = vector.load %arg1[%get3A_450, %get3A_451] : memref<4096x256xf32, #tpu.memory_space<vmem>>, vector<8x256xf32>
    %add3A_453 = arith.addf %add3A_449, %get3A_452 : vector<8x256xf32>
    %get3A_454 = arith.constant 912 : index
    %get3A_455 = arith.constant 0 : index
    %get3A_456 = vector.load %arg1[%get3A_454, %get3A_455] : memref<4096x256xf32, #tpu.memory_space<vmem>>, vector<8x256xf32>
    %add3A_457 = arith.addf %add3A_453, %get3A_456 : vector<8x256xf32>
    %get3A_458 = arith.constant 920 : index
    %get3A_459 = arith.constant 0 : index
    %get3A_460 = vector.load %arg1[%get3A_458, %get3A_459] : memref<4096x256xf32, #tpu.memory_space<vmem>>, vector<8x256xf32>
    %add3A_461 = arith.addf %add3A_457, %get3A_460 : vector<8x256xf32>
    %get3A_462 = arith.constant 928 : index
    %get3A_463 = arith.constant 0 : index
    %get3A_464 = vector.load %arg1[%get3A_462, %get3A_463] : memref<4096x256xf32, #tpu.memory_space<vmem>>, vector<8x256xf32>
    %add3A_465 = arith.addf %add3A_461, %get3A_464 : vector<8x256xf32>
    %get3A_466 = arith.constant 936 : index
    %get3A_467 = arith.constant 0 : index
    %get3A_468 = vector.load %arg1[%get3A_466, %get3A_467] : memref<4096x256xf32, #tpu.memory_space<vmem>>, vector<8x256xf32>
    %add3A_469 = arith.addf %add3A_465, %get3A_468 : vector<8x256xf32>
    %get3A_470 = arith.constant 944 : index
    %get3A_471 = arith.constant 0 : index
    %get3A_472 = vector.load %arg1[%get3A_470, %get3A_471] : memref<4096x256xf32, #tpu.memory_space<vmem>>, vector<8x256xf32>
    %add3A_473 = arith.addf %add3A_469, %get3A_472 : vector<8x256xf32>
    %get3A_474 = arith.constant 952 : index
    %get3A_475 = arith.constant 0 : index
    %get3A_476 = vector.load %arg1[%get3A_474, %get3A_475] : memref<4096x256xf32, #tpu.memory_space<vmem>>, vector<8x256xf32>
    %add3A_477 = arith.addf %add3A_473, %get3A_476 : vector<8x256xf32>
    %get3A_478 = arith.constant 960 : index
    %get3A_479 = arith.constant 0 : index
    %get3A_480 = vector.load %arg1[%get3A_478, %get3A_479] : memref<4096x256xf32, #tpu.memory_space<vmem>>, vector<8x256xf32>
    %add3A_481 = arith.addf %add3A_477, %get3A_480 : vector<8x256xf32>
    %get3A_482 = arith.constant 968 : index
    %get3A_483 = arith.constant 0 : index
    %get3A_484 = vector.load %arg1[%get3A_482, %get3A_483] : memref<4096x256xf32, #tpu.memory_space<vmem>>, vector<8x256xf32>
    %add3A_485 = arith.addf %add3A_481, %get3A_484 : vector<8x256xf32>
    %get3A_486 = arith.constant 976 : index
    %get3A_487 = arith.constant 0 : index
    %get3A_488 = vector.load %arg1[%get3A_486, %get3A_487] : memref<4096x256xf32, #tpu.memory_space<vmem>>, vector<8x256xf32>
    %add3A_489 = arith.addf %add3A_485, %get3A_488 : vector<8x256xf32>
    %get3A_490 = arith.constant 984 : index
    %get3A_491 = arith.constant 0 : index
    %get3A_492 = vector.load %arg1[%get3A_490, %get3A_491] : memref<4096x256xf32, #tpu.memory_space<vmem>>, vector<8x256xf32>
    %add3A_493 = arith.addf %add3A_489, %get3A_492 : vector<8x256xf32>
    %get3A_494 = arith.constant 992 : index
    %get3A_495 = arith.constant 0 : index
    %get3A_496 = vector.load %arg1[%get3A_494, %get3A_495] : memref<4096x256xf32, #tpu.memory_space<vmem>>, vector<8x256xf32>
    %add3A_497 = arith.addf %add3A_493, %get3A_496 : vector<8x256xf32>
    %get3A_498 = arith.constant 1000 : index
    %get3A_499 = arith.constant 0 : index
    %get3A_500 = vector.load %arg1[%get3A_498, %get3A_499] : memref<4096x256xf32, #tpu.memory_space<vmem>>, vector<8x256xf32>
    %add3A_501 = arith.addf %add3A_497, %get3A_500 : vector<8x256xf32>
    %get3A_502 = arith.constant 1008 : index
    %get3A_503 = arith.constant 0 : index
    %get3A_504 = vector.load %arg1[%get3A_502, %get3A_503] : memref<4096x256xf32, #tpu.memory_space<vmem>>, vector<8x256xf32>
    %add3A_505 = arith.addf %add3A_501, %get3A_504 : vector<8x256xf32>
    %get3A_506 = arith.constant 1016 : index
    %get3A_507 = arith.constant 0 : index
    %get3A_508 = vector.load %arg1[%get3A_506, %get3A_507] : memref<4096x256xf32, #tpu.memory_space<vmem>>, vector<8x256xf32>
    %add3A_509 = arith.addf %add3A_505, %get3A_508 : vector<8x256xf32>
    %get3A_510 = arith.constant 1024 : index
    %get3A_511 = arith.constant 0 : index
    %get3A_512 = vector.load %arg1[%get3A_510, %get3A_511] : memref<4096x256xf32, #tpu.memory_space<vmem>>, vector<8x256xf32>
    %get3A_513 = arith.constant 1032 : index
    %get3A_514 = arith.constant 0 : index
    %get3A_515 = vector.load %arg1[%get3A_513, %get3A_514] : memref<4096x256xf32, #tpu.memory_space<vmem>>, vector<8x256xf32>
    %add3A_516 = arith.addf %get3A_512, %get3A_515 : vector<8x256xf32>
    %get3A_517 = arith.constant 1040 : index
    %get3A_518 = arith.constant 0 : index
    %get3A_519 = vector.load %arg1[%get3A_517, %get3A_518] : memref<4096x256xf32, #tpu.memory_space<vmem>>, vector<8x256xf32>
    %add3A_520 = arith.addf %add3A_516, %get3A_519 : vector<8x256xf32>
    %get3A_521 = arith.constant 1048 : index
    %get3A_522 = arith.constant 0 : index
    %get3A_523 = vector.load %arg1[%get3A_521, %get3A_522] : memref<4096x256xf32, #tpu.memory_space<vmem>>, vector<8x256xf32>
    %add3A_524 = arith.addf %add3A_520, %get3A_523 : vector<8x256xf32>
    %get3A_525 = arith.constant 1056 : index
    %get3A_526 = arith.constant 0 : index
    %get3A_527 = vector.load %arg1[%get3A_525, %get3A_526] : memref<4096x256xf32, #tpu.memory_space<vmem>>, vector<8x256xf32>
    %add3A_528 = arith.addf %add3A_524, %get3A_527 : vector<8x256xf32>
    %get3A_529 = arith.constant 1064 : index
    %get3A_530 = arith.constant 0 : index
    %get3A_531 = vector.load %arg1[%get3A_529, %get3A_530] : memref<4096x256xf32, #tpu.memory_space<vmem>>, vector<8x256xf32>
    %add3A_532 = arith.addf %add3A_528, %get3A_531 : vector<8x256xf32>
    %get3A_533 = arith.constant 1072 : index
    %get3A_534 = arith.constant 0 : index
    %get3A_535 = vector.load %arg1[%get3A_533, %get3A_534] : memref<4096x256xf32, #tpu.memory_space<vmem>>, vector<8x256xf32>
    %add3A_536 = arith.addf %add3A_532, %get3A_535 : vector<8x256xf32>
    %get3A_537 = arith.constant 1080 : index
    %get3A_538 = arith.constant 0 : index
    %get3A_539 = vector.load %arg1[%get3A_537, %get3A_538] : memref<4096x256xf32, #tpu.memory_space<vmem>>, vector<8x256xf32>
    %add3A_540 = arith.addf %add3A_536, %get3A_539 : vector<8x256xf32>
    %get3A_541 = arith.constant 1088 : index
    %get3A_542 = arith.constant 0 : index
    %get3A_543 = vector.load %arg1[%get3A_541, %get3A_542] : memref<4096x256xf32, #tpu.memory_space<vmem>>, vector<8x256xf32>
    %add3A_544 = arith.addf %add3A_540, %get3A_543 : vector<8x256xf32>
    %get3A_545 = arith.constant 1096 : index
    %get3A_546 = arith.constant 0 : index
    %get3A_547 = vector.load %arg1[%get3A_545, %get3A_546] : memref<4096x256xf32, #tpu.memory_space<vmem>>, vector<8x256xf32>
    %add3A_548 = arith.addf %add3A_544, %get3A_547 : vector<8x256xf32>
    %get3A_549 = arith.constant 1104 : index
    %get3A_550 = arith.constant 0 : index
    %get3A_551 = vector.load %arg1[%get3A_549, %get3A_550] : memref<4096x256xf32, #tpu.memory_space<vmem>>, vector<8x256xf32>
    %add3A_552 = arith.addf %add3A_548, %get3A_551 : vector<8x256xf32>
    %get3A_553 = arith.constant 1112 : index
    %get3A_554 = arith.constant 0 : index
    %get3A_555 = vector.load %arg1[%get3A_553, %get3A_554] : memref<4096x256xf32, #tpu.memory_space<vmem>>, vector<8x256xf32>
    %add3A_556 = arith.addf %add3A_552, %get3A_555 : vector<8x256xf32>
    %get3A_557 = arith.constant 1120 : index
    %get3A_558 = arith.constant 0 : index
    %get3A_559 = vector.load %arg1[%get3A_557, %get3A_558] : memref<4096x256xf32, #tpu.memory_space<vmem>>, vector<8x256xf32>
    %add3A_560 = arith.addf %add3A_556, %get3A_559 : vector<8x256xf32>
    %get3A_561 = arith.constant 1128 : index
    %get3A_562 = arith.constant 0 : index
    %get3A_563 = vector.load %arg1[%get3A_561, %get3A_562] : memref<4096x256xf32, #tpu.memory_space<vmem>>, vector<8x256xf32>
    %add3A_564 = arith.addf %add3A_560, %get3A_563 : vector<8x256xf32>
    %get3A_565 = arith.constant 1136 : index
    %get3A_566 = arith.constant 0 : index
    %get3A_567 = vector.load %arg1[%get3A_565, %get3A_566] : memref<4096x256xf32, #tpu.memory_space<vmem>>, vector<8x256xf32>
    %add3A_568 = arith.addf %add3A_564, %get3A_567 : vector<8x256xf32>
    %get3A_569 = arith.constant 1144 : index
    %get3A_570 = arith.constant 0 : index
    %get3A_571 = vector.load %arg1[%get3A_569, %get3A_570] : memref<4096x256xf32, #tpu.memory_space<vmem>>, vector<8x256xf32>
    %add3A_572 = arith.addf %add3A_568, %get3A_571 : vector<8x256xf32>
    %get3A_573 = arith.constant 1152 : index
    %get3A_574 = arith.constant 0 : index
    %get3A_575 = vector.load %arg1[%get3A_573, %get3A_574] : memref<4096x256xf32, #tpu.memory_space<vmem>>, vector<8x256xf32>
    %add3A_576 = arith.addf %add3A_572, %get3A_575 : vector<8x256xf32>
    %get3A_577 = arith.constant 1160 : index
    %get3A_578 = arith.constant 0 : index
    %get3A_579 = vector.load %arg1[%get3A_577, %get3A_578] : memref<4096x256xf32, #tpu.memory_space<vmem>>, vector<8x256xf32>
    %add3A_580 = arith.addf %add3A_576, %get3A_579 : vector<8x256xf32>
    %get3A_581 = arith.constant 1168 : index
    %get3A_582 = arith.constant 0 : index
    %get3A_583 = vector.load %arg1[%get3A_581, %get3A_582] : memref<4096x256xf32, #tpu.memory_space<vmem>>, vector<8x256xf32>
    %add3A_584 = arith.addf %add3A_580, %get3A_583 : vector<8x256xf32>
    %get3A_585 = arith.constant 1176 : index
    %get3A_586 = arith.constant 0 : index
    %get3A_587 = vector.load %arg1[%get3A_585, %get3A_586] : memref<4096x256xf32, #tpu.memory_space<vmem>>, vector<8x256xf32>
    %add3A_588 = arith.addf %add3A_584, %get3A_587 : vector<8x256xf32>
    %get3A_589 = arith.constant 1184 : index
    %get3A_590 = arith.constant 0 : index
    %get3A_591 = vector.load %arg1[%get3A_589, %get3A_590] : memref<4096x256xf32, #tpu.memory_space<vmem>>, vector<8x256xf32>
    %add3A_592 = arith.addf %add3A_588, %get3A_591 : vector<8x256xf32>
    %get3A_593 = arith.constant 1192 : index
    %get3A_594 = arith.constant 0 : index
    %get3A_595 = vector.load %arg1[%get3A_593, %get3A_594] : memref<4096x256xf32, #tpu.memory_space<vmem>>, vector<8x256xf32>
    %add3A_596 = arith.addf %add3A_592, %get3A_595 : vector<8x256xf32>
    %get3A_597 = arith.constant 1200 : index
    %get3A_598 = arith.constant 0 : index
    %get3A_599 = vector.load %arg1[%get3A_597, %get3A_598] : memref<4096x256xf32, #tpu.memory_space<vmem>>, vector<8x256xf32>
    %add3A_600 = arith.addf %add3A_596, %get3A_599 : vector<8x256xf32>
    %get3A_601 = arith.constant 1208 : index
    %get3A_602 = arith.constant 0 : index
    %get3A_603 = vector.load %arg1[%get3A_601, %get3A_602] : memref<4096x256xf32, #tpu.memory_space<vmem>>, vector<8x256xf32>
    %add3A_604 = arith.addf %add3A_600, %get3A_603 : vector<8x256xf32>
    %get3A_605 = arith.constant 1216 : index
    %get3A_606 = arith.constant 0 : index
    %get3A_607 = vector.load %arg1[%get3A_605, %get3A_606] : memref<4096x256xf32, #tpu.memory_space<vmem>>, vector<8x256xf32>
    %add3A_608 = arith.addf %add3A_604, %get3A_607 : vector<8x256xf32>
    %get3A_609 = arith.constant 1224 : index
    %get3A_610 = arith.constant 0 : index
    %get3A_611 = vector.load %arg1[%get3A_609, %get3A_610] : memref<4096x256xf32, #tpu.memory_space<vmem>>, vector<8x256xf32>
    %add3A_612 = arith.addf %add3A_608, %get3A_611 : vector<8x256xf32>
    %get3A_613 = arith.constant 1232 : index
    %get3A_614 = arith.constant 0 : index
    %get3A_615 = vector.load %arg1[%get3A_613, %get3A_614] : memref<4096x256xf32, #tpu.memory_space<vmem>>, vector<8x256xf32>
    %add3A_616 = arith.addf %add3A_612, %get3A_615 : vector<8x256xf32>
    %get3A_617 = arith.constant 1240 : index
    %get3A_618 = arith.constant 0 : index
    %get3A_619 = vector.load %arg1[%get3A_617, %get3A_618] : memref<4096x256xf32, #tpu.memory_space<vmem>>, vector<8x256xf32>
    %add3A_620 = arith.addf %add3A_616, %get3A_619 : vector<8x256xf32>
    %get3A_621 = arith.constant 1248 : index
    %get3A_622 = arith.constant 0 : index
    %get3A_623 = vector.load %arg1[%get3A_621, %get3A_622] : memref<4096x256xf32, #tpu.memory_space<vmem>>, vector<8x256xf32>
    %add3A_624 = arith.addf %add3A_620, %get3A_623 : vector<8x256xf32>
    %get3A_625 = arith.constant 1256 : index
    %get3A_626 = arith.constant 0 : index
    %get3A_627 = vector.load %arg1[%get3A_625, %get3A_626] : memref<4096x256xf32, #tpu.memory_space<vmem>>, vector<8x256xf32>
    %add3A_628 = arith.addf %add3A_624, %get3A_627 : vector<8x256xf32>
    %get3A_629 = arith.constant 1264 : index
    %get3A_630 = arith.constant 0 : index
    %get3A_631 = vector.load %arg1[%get3A_629, %get3A_630] : memref<4096x256xf32, #tpu.memory_space<vmem>>, vector<8x256xf32>
    %add3A_632 = arith.addf %add3A_628, %get3A_631 : vector<8x256xf32>
    %get3A_633 = arith.constant 1272 : index
    %get3A_634 = arith.constant 0 : index
    %get3A_635 = vector.load %arg1[%get3A_633, %get3A_634] : memref<4096x256xf32, #tpu.memory_space<vmem>>, vector<8x256xf32>
    %add3A_636 = arith.addf %add3A_632, %get3A_635 : vector<8x256xf32>
    %get3A_637 = arith.constant 1280 : index
    %get3A_638 = arith.constant 0 : index
    %get3A_639 = vector.load %arg1[%get3A_637, %get3A_638] : memref<4096x256xf32, #tpu.memory_space<vmem>>, vector<8x256xf32>
    %add3A_640 = arith.addf %add3A_636, %get3A_639 : vector<8x256xf32>
    %get3A_641 = arith.constant 1288 : index
    %get3A_642 = arith.constant 0 : index
    %get3A_643 = vector.load %arg1[%get3A_641, %get3A_642] : memref<4096x256xf32, #tpu.memory_space<vmem>>, vector<8x256xf32>
    %add3A_644 = arith.addf %add3A_640, %get3A_643 : vector<8x256xf32>
    %get3A_645 = arith.constant 1296 : index
    %get3A_646 = arith.constant 0 : index
    %get3A_647 = vector.load %arg1[%get3A_645, %get3A_646] : memref<4096x256xf32, #tpu.memory_space<vmem>>, vector<8x256xf32>
    %add3A_648 = arith.addf %add3A_644, %get3A_647 : vector<8x256xf32>
    %get3A_649 = arith.constant 1304 : index
    %get3A_650 = arith.constant 0 : index
    %get3A_651 = vector.load %arg1[%get3A_649, %get3A_650] : memref<4096x256xf32, #tpu.memory_space<vmem>>, vector<8x256xf32>
    %add3A_652 = arith.addf %add3A_648, %get3A_651 : vector<8x256xf32>
    %get3A_653 = arith.constant 1312 : index
    %get3A_654 = arith.constant 0 : index
    %get3A_655 = vector.load %arg1[%get3A_653, %get3A_654] : memref<4096x256xf32, #tpu.memory_space<vmem>>, vector<8x256xf32>
    %add3A_656 = arith.addf %add3A_652, %get3A_655 : vector<8x256xf32>
    %get3A_657 = arith.constant 1320 : index
    %get3A_658 = arith.constant 0 : index
    %get3A_659 = vector.load %arg1[%get3A_657, %get3A_658] : memref<4096x256xf32, #tpu.memory_space<vmem>>, vector<8x256xf32>
    %add3A_660 = arith.addf %add3A_656, %get3A_659 : vector<8x256xf32>
    %get3A_661 = arith.constant 1328 : index
    %get3A_662 = arith.constant 0 : index
    %get3A_663 = vector.load %arg1[%get3A_661, %get3A_662] : memref<4096x256xf32, #tpu.memory_space<vmem>>, vector<8x256xf32>
    %add3A_664 = arith.addf %add3A_660, %get3A_663 : vector<8x256xf32>
    %get3A_665 = arith.constant 1336 : index
    %get3A_666 = arith.constant 0 : index
    %get3A_667 = vector.load %arg1[%get3A_665, %get3A_666] : memref<4096x256xf32, #tpu.memory_space<vmem>>, vector<8x256xf32>
    %add3A_668 = arith.addf %add3A_664, %get3A_667 : vector<8x256xf32>
    %get3A_669 = arith.constant 1344 : index
    %get3A_670 = arith.constant 0 : index
    %get3A_671 = vector.load %arg1[%get3A_669, %get3A_670] : memref<4096x256xf32, #tpu.memory_space<vmem>>, vector<8x256xf32>
    %add3A_672 = arith.addf %add3A_668, %get3A_671 : vector<8x256xf32>
    %get3A_673 = arith.constant 1352 : index
    %get3A_674 = arith.constant 0 : index
    %get3A_675 = vector.load %arg1[%get3A_673, %get3A_674] : memref<4096x256xf32, #tpu.memory_space<vmem>>, vector<8x256xf32>
    %add3A_676 = arith.addf %add3A_672, %get3A_675 : vector<8x256xf32>
    %get3A_677 = arith.constant 1360 : index
    %get3A_678 = arith.constant 0 : index
    %get3A_679 = vector.load %arg1[%get3A_677, %get3A_678] : memref<4096x256xf32, #tpu.memory_space<vmem>>, vector<8x256xf32>
    %add3A_680 = arith.addf %add3A_676, %get3A_679 : vector<8x256xf32>
    %get3A_681 = arith.constant 1368 : index
    %get3A_682 = arith.constant 0 : index
    %get3A_683 = vector.load %arg1[%get3A_681, %get3A_682] : memref<4096x256xf32, #tpu.memory_space<vmem>>, vector<8x256xf32>
    %add3A_684 = arith.addf %add3A_680, %get3A_683 : vector<8x256xf32>
    %get3A_685 = arith.constant 1376 : index
    %get3A_686 = arith.constant 0 : index
    %get3A_687 = vector.load %arg1[%get3A_685, %get3A_686] : memref<4096x256xf32, #tpu.memory_space<vmem>>, vector<8x256xf32>
    %add3A_688 = arith.addf %add3A_684, %get3A_687 : vector<8x256xf32>
    %get3A_689 = arith.constant 1384 : index
    %get3A_690 = arith.constant 0 : index
    %get3A_691 = vector.load %arg1[%get3A_689, %get3A_690] : memref<4096x256xf32, #tpu.memory_space<vmem>>, vector<8x256xf32>
    %add3A_692 = arith.addf %add3A_688, %get3A_691 : vector<8x256xf32>
    %get3A_693 = arith.constant 1392 : index
    %get3A_694 = arith.constant 0 : index
    %get3A_695 = vector.load %arg1[%get3A_693, %get3A_694] : memref<4096x256xf32, #tpu.memory_space<vmem>>, vector<8x256xf32>
    %add3A_696 = arith.addf %add3A_692, %get3A_695 : vector<8x256xf32>
    %get3A_697 = arith.constant 1400 : index
    %get3A_698 = arith.constant 0 : index
    %get3A_699 = vector.load %arg1[%get3A_697, %get3A_698] : memref<4096x256xf32, #tpu.memory_space<vmem>>, vector<8x256xf32>
    %add3A_700 = arith.addf %add3A_696, %get3A_699 : vector<8x256xf32>
    %get3A_701 = arith.constant 1408 : index
    %get3A_702 = arith.constant 0 : index
    %get3A_703 = vector.load %arg1[%get3A_701, %get3A_702] : memref<4096x256xf32, #tpu.memory_space<vmem>>, vector<8x256xf32>
    %add3A_704 = arith.addf %add3A_700, %get3A_703 : vector<8x256xf32>
    %get3A_705 = arith.constant 1416 : index
    %get3A_706 = arith.constant 0 : index
    %get3A_707 = vector.load %arg1[%get3A_705, %get3A_706] : memref<4096x256xf32, #tpu.memory_space<vmem>>, vector<8x256xf32>
    %add3A_708 = arith.addf %add3A_704, %get3A_707 : vector<8x256xf32>
    %get3A_709 = arith.constant 1424 : index
    %get3A_710 = arith.constant 0 : index
    %get3A_711 = vector.load %arg1[%get3A_709, %get3A_710] : memref<4096x256xf32, #tpu.memory_space<vmem>>, vector<8x256xf32>
    %add3A_712 = arith.addf %add3A_708, %get3A_711 : vector<8x256xf32>
    %get3A_713 = arith.constant 1432 : index
    %get3A_714 = arith.constant 0 : index
    %get3A_715 = vector.load %arg1[%get3A_713, %get3A_714] : memref<4096x256xf32, #tpu.memory_space<vmem>>, vector<8x256xf32>
    %add3A_716 = arith.addf %add3A_712, %get3A_715 : vector<8x256xf32>
    %get3A_717 = arith.constant 1440 : index
    %get3A_718 = arith.constant 0 : index
    %get3A_719 = vector.load %arg1[%get3A_717, %get3A_718] : memref<4096x256xf32, #tpu.memory_space<vmem>>, vector<8x256xf32>
    %add3A_720 = arith.addf %add3A_716, %get3A_719 : vector<8x256xf32>
    %get3A_721 = arith.constant 1448 : index
    %get3A_722 = arith.constant 0 : index
    %get3A_723 = vector.load %arg1[%get3A_721, %get3A_722] : memref<4096x256xf32, #tpu.memory_space<vmem>>, vector<8x256xf32>
    %add3A_724 = arith.addf %add3A_720, %get3A_723 : vector<8x256xf32>
    %get3A_725 = arith.constant 1456 : index
    %get3A_726 = arith.constant 0 : index
    %get3A_727 = vector.load %arg1[%get3A_725, %get3A_726] : memref<4096x256xf32, #tpu.memory_space<vmem>>, vector<8x256xf32>
    %add3A_728 = arith.addf %add3A_724, %get3A_727 : vector<8x256xf32>
    %get3A_729 = arith.constant 1464 : index
    %get3A_730 = arith.constant 0 : index
    %get3A_731 = vector.load %arg1[%get3A_729, %get3A_730] : memref<4096x256xf32, #tpu.memory_space<vmem>>, vector<8x256xf32>
    %add3A_732 = arith.addf %add3A_728, %get3A_731 : vector<8x256xf32>
    %get3A_733 = arith.constant 1472 : index
    %get3A_734 = arith.constant 0 : index
    %get3A_735 = vector.load %arg1[%get3A_733, %get3A_734] : memref<4096x256xf32, #tpu.memory_space<vmem>>, vector<8x256xf32>
    %add3A_736 = arith.addf %add3A_732, %get3A_735 : vector<8x256xf32>
    %get3A_737 = arith.constant 1480 : index
    %get3A_738 = arith.constant 0 : index
    %get3A_739 = vector.load %arg1[%get3A_737, %get3A_738] : memref<4096x256xf32, #tpu.memory_space<vmem>>, vector<8x256xf32>
    %add3A_740 = arith.addf %add3A_736, %get3A_739 : vector<8x256xf32>
    %get3A_741 = arith.constant 1488 : index
    %get3A_742 = arith.constant 0 : index
    %get3A_743 = vector.load %arg1[%get3A_741, %get3A_742] : memref<4096x256xf32, #tpu.memory_space<vmem>>, vector<8x256xf32>
    %add3A_744 = arith.addf %add3A_740, %get3A_743 : vector<8x256xf32>
    %get3A_745 = arith.constant 1496 : index
    %get3A_746 = arith.constant 0 : index
    %get3A_747 = vector.load %arg1[%get3A_745, %get3A_746] : memref<4096x256xf32, #tpu.memory_space<vmem>>, vector<8x256xf32>
    %add3A_748 = arith.addf %add3A_744, %get3A_747 : vector<8x256xf32>
    %get3A_749 = arith.constant 1504 : index
    %get3A_750 = arith.constant 0 : index
    %get3A_751 = vector.load %arg1[%get3A_749, %get3A_750] : memref<4096x256xf32, #tpu.memory_space<vmem>>, vector<8x256xf32>
    %add3A_752 = arith.addf %add3A_748, %get3A_751 : vector<8x256xf32>
    %get3A_753 = arith.constant 1512 : index
    %get3A_754 = arith.constant 0 : index
    %get3A_755 = vector.load %arg1[%get3A_753, %get3A_754] : memref<4096x256xf32, #tpu.memory_space<vmem>>, vector<8x256xf32>
    %add3A_756 = arith.addf %add3A_752, %get3A_755 : vector<8x256xf32>
    %get3A_757 = arith.constant 1520 : index
    %get3A_758 = arith.constant 0 : index
    %get3A_759 = vector.load %arg1[%get3A_757, %get3A_758] : memref<4096x256xf32, #tpu.memory_space<vmem>>, vector<8x256xf32>
    %add3A_760 = arith.addf %add3A_756, %get3A_759 : vector<8x256xf32>
    %get3A_761 = arith.constant 1528 : index
    %get3A_762 = arith.constant 0 : index
    %get3A_763 = vector.load %arg1[%get3A_761, %get3A_762] : memref<4096x256xf32, #tpu.memory_space<vmem>>, vector<8x256xf32>
    %add3A_764 = arith.addf %add3A_760, %get3A_763 : vector<8x256xf32>
    %get3A_765 = arith.constant 1536 : index
    %get3A_766 = arith.constant 0 : index
    %get3A_767 = vector.load %arg1[%get3A_765, %get3A_766] : memref<4096x256xf32, #tpu.memory_space<vmem>>, vector<8x256xf32>
    %get3A_768 = arith.constant 1544 : index
    %get3A_769 = arith.constant 0 : index
    %get3A_770 = vector.load %arg1[%get3A_768, %get3A_769] : memref<4096x256xf32, #tpu.memory_space<vmem>>, vector<8x256xf32>
    %add3A_771 = arith.addf %get3A_767, %get3A_770 : vector<8x256xf32>
    %get3A_772 = arith.constant 1552 : index
    %get3A_773 = arith.constant 0 : index
    %get3A_774 = vector.load %arg1[%get3A_772, %get3A_773] : memref<4096x256xf32, #tpu.memory_space<vmem>>, vector<8x256xf32>
    %add3A_775 = arith.addf %add3A_771, %get3A_774 : vector<8x256xf32>
    %get3A_776 = arith.constant 1560 : index
    %get3A_777 = arith.constant 0 : index
    %get3A_778 = vector.load %arg1[%get3A_776, %get3A_777] : memref<4096x256xf32, #tpu.memory_space<vmem>>, vector<8x256xf32>
    %add3A_779 = arith.addf %add3A_775, %get3A_778 : vector<8x256xf32>
    %get3A_780 = arith.constant 1568 : index
    %get3A_781 = arith.constant 0 : index
    %get3A_782 = vector.load %arg1[%get3A_780, %get3A_781] : memref<4096x256xf32, #tpu.memory_space<vmem>>, vector<8x256xf32>
    %add3A_783 = arith.addf %add3A_779, %get3A_782 : vector<8x256xf32>
    %get3A_784 = arith.constant 1576 : index
    %get3A_785 = arith.constant 0 : index
    %get3A_786 = vector.load %arg1[%get3A_784, %get3A_785] : memref<4096x256xf32, #tpu.memory_space<vmem>>, vector<8x256xf32>
    %add3A_787 = arith.addf %add3A_783, %get3A_786 : vector<8x256xf32>
    %get3A_788 = arith.constant 1584 : index
    %get3A_789 = arith.constant 0 : index
    %get3A_790 = vector.load %arg1[%get3A_788, %get3A_789] : memref<4096x256xf32, #tpu.memory_space<vmem>>, vector<8x256xf32>
    %add3A_791 = arith.addf %add3A_787, %get3A_790 : vector<8x256xf32>
    %get3A_792 = arith.constant 1592 : index
    %get3A_793 = arith.constant 0 : index
    %get3A_794 = vector.load %arg1[%get3A_792, %get3A_793] : memref<4096x256xf32, #tpu.memory_space<vmem>>, vector<8x256xf32>
    %add3A_795 = arith.addf %add3A_791, %get3A_794 : vector<8x256xf32>
    %get3A_796 = arith.constant 1600 : index
    %get3A_797 = arith.constant 0 : index
    %get3A_798 = vector.load %arg1[%get3A_796, %get3A_797] : memref<4096x256xf32, #tpu.memory_space<vmem>>, vector<8x256xf32>
    %add3A_799 = arith.addf %add3A_795, %get3A_798 : vector<8x256xf32>
    %get3A_800 = arith.constant 1608 : index
    %get3A_801 = arith.constant 0 : index
    %get3A_802 = vector.load %arg1[%get3A_800, %get3A_801] : memref<4096x256xf32, #tpu.memory_space<vmem>>, vector<8x256xf32>
    %add3A_803 = arith.addf %add3A_799, %get3A_802 : vector<8x256xf32>
    %get3A_804 = arith.constant 1616 : index
    %get3A_805 = arith.constant 0 : index
    %get3A_806 = vector.load %arg1[%get3A_804, %get3A_805] : memref<4096x256xf32, #tpu.memory_space<vmem>>, vector<8x256xf32>
    %add3A_807 = arith.addf %add3A_803, %get3A_806 : vector<8x256xf32>
    %get3A_808 = arith.constant 1624 : index
    %get3A_809 = arith.constant 0 : index
    %get3A_810 = vector.load %arg1[%get3A_808, %get3A_809] : memref<4096x256xf32, #tpu.memory_space<vmem>>, vector<8x256xf32>
    %add3A_811 = arith.addf %add3A_807, %get3A_810 : vector<8x256xf32>
    %get3A_812 = arith.constant 1632 : index
    %get3A_813 = arith.constant 0 : index
    %get3A_814 = vector.load %arg1[%get3A_812, %get3A_813] : memref<4096x256xf32, #tpu.memory_space<vmem>>, vector<8x256xf32>
    %add3A_815 = arith.addf %add3A_811, %get3A_814 : vector<8x256xf32>
    %get3A_816 = arith.constant 1640 : index
    %get3A_817 = arith.constant 0 : index
    %get3A_818 = vector.load %arg1[%get3A_816, %get3A_817] : memref<4096x256xf32, #tpu.memory_space<vmem>>, vector<8x256xf32>
    %add3A_819 = arith.addf %add3A_815, %get3A_818 : vector<8x256xf32>
    %get3A_820 = arith.constant 1648 : index
    %get3A_821 = arith.constant 0 : index
    %get3A_822 = vector.load %arg1[%get3A_820, %get3A_821] : memref<4096x256xf32, #tpu.memory_space<vmem>>, vector<8x256xf32>
    %add3A_823 = arith.addf %add3A_819, %get3A_822 : vector<8x256xf32>
    %get3A_824 = arith.constant 1656 : index
    %get3A_825 = arith.constant 0 : index
    %get3A_826 = vector.load %arg1[%get3A_824, %get3A_825] : memref<4096x256xf32, #tpu.memory_space<vmem>>, vector<8x256xf32>
    %add3A_827 = arith.addf %add3A_823, %get3A_826 : vector<8x256xf32>
    %get3A_828 = arith.constant 1664 : index
    %get3A_829 = arith.constant 0 : index
    %get3A_830 = vector.load %arg1[%get3A_828, %get3A_829] : memref<4096x256xf32, #tpu.memory_space<vmem>>, vector<8x256xf32>
    %add3A_831 = arith.addf %add3A_827, %get3A_830 : vector<8x256xf32>
    %get3A_832 = arith.constant 1672 : index
    %get3A_833 = arith.constant 0 : index
    %get3A_834 = vector.load %arg1[%get3A_832, %get3A_833] : memref<4096x256xf32, #tpu.memory_space<vmem>>, vector<8x256xf32>
    %add3A_835 = arith.addf %add3A_831, %get3A_834 : vector<8x256xf32>
    %get3A_836 = arith.constant 1680 : index
    %get3A_837 = arith.constant 0 : index
    %get3A_838 = vector.load %arg1[%get3A_836, %get3A_837] : memref<4096x256xf32, #tpu.memory_space<vmem>>, vector<8x256xf32>
    %add3A_839 = arith.addf %add3A_835, %get3A_838 : vector<8x256xf32>
    %get3A_840 = arith.constant 1688 : index
    %get3A_841 = arith.constant 0 : index
    %get3A_842 = vector.load %arg1[%get3A_840, %get3A_841] : memref<4096x256xf32, #tpu.memory_space<vmem>>, vector<8x256xf32>
    %add3A_843 = arith.addf %add3A_839, %get3A_842 : vector<8x256xf32>
    %get3A_844 = arith.constant 1696 : index
    %get3A_845 = arith.constant 0 : index
    %get3A_846 = vector.load %arg1[%get3A_844, %get3A_845] : memref<4096x256xf32, #tpu.memory_space<vmem>>, vector<8x256xf32>
    %add3A_847 = arith.addf %add3A_843, %get3A_846 : vector<8x256xf32>
    %get3A_848 = arith.constant 1704 : index
    %get3A_849 = arith.constant 0 : index
    %get3A_850 = vector.load %arg1[%get3A_848, %get3A_849] : memref<4096x256xf32, #tpu.memory_space<vmem>>, vector<8x256xf32>
    %add3A_851 = arith.addf %add3A_847, %get3A_850 : vector<8x256xf32>
    %get3A_852 = arith.constant 1712 : index
    %get3A_853 = arith.constant 0 : index
    %get3A_854 = vector.load %arg1[%get3A_852, %get3A_853] : memref<4096x256xf32, #tpu.memory_space<vmem>>, vector<8x256xf32>
    %add3A_855 = arith.addf %add3A_851, %get3A_854 : vector<8x256xf32>
    %get3A_856 = arith.constant 1720 : index
    %get3A_857 = arith.constant 0 : index
    %get3A_858 = vector.load %arg1[%get3A_856, %get3A_857] : memref<4096x256xf32, #tpu.memory_space<vmem>>, vector<8x256xf32>
    %add3A_859 = arith.addf %add3A_855, %get3A_858 : vector<8x256xf32>
    %get3A_860 = arith.constant 1728 : index
    %get3A_861 = arith.constant 0 : index
    %get3A_862 = vector.load %arg1[%get3A_860, %get3A_861] : memref<4096x256xf32, #tpu.memory_space<vmem>>, vector<8x256xf32>
    %add3A_863 = arith.addf %add3A_859, %get3A_862 : vector<8x256xf32>
    %get3A_864 = arith.constant 1736 : index
    %get3A_865 = arith.constant 0 : index
    %get3A_866 = vector.load %arg1[%get3A_864, %get3A_865] : memref<4096x256xf32, #tpu.memory_space<vmem>>, vector<8x256xf32>
    %add3A_867 = arith.addf %add3A_863, %get3A_866 : vector<8x256xf32>
    %get3A_868 = arith.constant 1744 : index
    %get3A_869 = arith.constant 0 : index
    %get3A_870 = vector.load %arg1[%get3A_868, %get3A_869] : memref<4096x256xf32, #tpu.memory_space<vmem>>, vector<8x256xf32>
    %add3A_871 = arith.addf %add3A_867, %get3A_870 : vector<8x256xf32>
    %get3A_872 = arith.constant 1752 : index
    %get3A_873 = arith.constant 0 : index
    %get3A_874 = vector.load %arg1[%get3A_872, %get3A_873] : memref<4096x256xf32, #tpu.memory_space<vmem>>, vector<8x256xf32>
    %add3A_875 = arith.addf %add3A_871, %get3A_874 : vector<8x256xf32>
    %get3A_876 = arith.constant 1760 : index
    %get3A_877 = arith.constant 0 : index
    %get3A_878 = vector.load %arg1[%get3A_876, %get3A_877] : memref<4096x256xf32, #tpu.memory_space<vmem>>, vector<8x256xf32>
    %add3A_879 = arith.addf %add3A_875, %get3A_878 : vector<8x256xf32>
    %get3A_880 = arith.constant 1768 : index
    %get3A_881 = arith.constant 0 : index
    %get3A_882 = vector.load %arg1[%get3A_880, %get3A_881] : memref<4096x256xf32, #tpu.memory_space<vmem>>, vector<8x256xf32>
    %add3A_883 = arith.addf %add3A_879, %get3A_882 : vector<8x256xf32>
    %get3A_884 = arith.constant 1776 : index
    %get3A_885 = arith.constant 0 : index
    %get3A_886 = vector.load %arg1[%get3A_884, %get3A_885] : memref<4096x256xf32, #tpu.memory_space<vmem>>, vector<8x256xf32>
    %add3A_887 = arith.addf %add3A_883, %get3A_886 : vector<8x256xf32>
    %get3A_888 = arith.constant 1784 : index
    %get3A_889 = arith.constant 0 : index
    %get3A_890 = vector.load %arg1[%get3A_888, %get3A_889] : memref<4096x256xf32, #tpu.memory_space<vmem>>, vector<8x256xf32>
    %add3A_891 = arith.addf %add3A_887, %get3A_890 : vector<8x256xf32>
    %get3A_892 = arith.constant 1792 : index
    %get3A_893 = arith.constant 0 : index
    %get3A_894 = vector.load %arg1[%get3A_892, %get3A_893] : memref<4096x256xf32, #tpu.memory_space<vmem>>, vector<8x256xf32>
    %add3A_895 = arith.addf %add3A_891, %get3A_894 : vector<8x256xf32>
    %get3A_896 = arith.constant 1800 : index
    %get3A_897 = arith.constant 0 : index
    %get3A_898 = vector.load %arg1[%get3A_896, %get3A_897] : memref<4096x256xf32, #tpu.memory_space<vmem>>, vector<8x256xf32>
    %add3A_899 = arith.addf %add3A_895, %get3A_898 : vector<8x256xf32>
    %get3A_900 = arith.constant 1808 : index
    %get3A_901 = arith.constant 0 : index
    %get3A_902 = vector.load %arg1[%get3A_900, %get3A_901] : memref<4096x256xf32, #tpu.memory_space<vmem>>, vector<8x256xf32>
    %add3A_903 = arith.addf %add3A_899, %get3A_902 : vector<8x256xf32>
    %get3A_904 = arith.constant 1816 : index
    %get3A_905 = arith.constant 0 : index
    %get3A_906 = vector.load %arg1[%get3A_904, %get3A_905] : memref<4096x256xf32, #tpu.memory_space<vmem>>, vector<8x256xf32>
    %add3A_907 = arith.addf %add3A_903, %get3A_906 : vector<8x256xf32>
    %get3A_908 = arith.constant 1824 : index
    %get3A_909 = arith.constant 0 : index
    %get3A_910 = vector.load %arg1[%get3A_908, %get3A_909] : memref<4096x256xf32, #tpu.memory_space<vmem>>, vector<8x256xf32>
    %add3A_911 = arith.addf %add3A_907, %get3A_910 : vector<8x256xf32>
    %get3A_912 = arith.constant 1832 : index
    %get3A_913 = arith.constant 0 : index
    %get3A_914 = vector.load %arg1[%get3A_912, %get3A_913] : memref<4096x256xf32, #tpu.memory_space<vmem>>, vector<8x256xf32>
    %add3A_915 = arith.addf %add3A_911, %get3A_914 : vector<8x256xf32>
    %get3A_916 = arith.constant 1840 : index
    %get3A_917 = arith.constant 0 : index
    %get3A_918 = vector.load %arg1[%get3A_916, %get3A_917] : memref<4096x256xf32, #tpu.memory_space<vmem>>, vector<8x256xf32>
    %add3A_919 = arith.addf %add3A_915, %get3A_918 : vector<8x256xf32>
    %get3A_920 = arith.constant 1848 : index
    %get3A_921 = arith.constant 0 : index
    %get3A_922 = vector.load %arg1[%get3A_920, %get3A_921] : memref<4096x256xf32, #tpu.memory_space<vmem>>, vector<8x256xf32>
    %add3A_923 = arith.addf %add3A_919, %get3A_922 : vector<8x256xf32>
    %get3A_924 = arith.constant 1856 : index
    %get3A_925 = arith.constant 0 : index
    %get3A_926 = vector.load %arg1[%get3A_924, %get3A_925] : memref<4096x256xf32, #tpu.memory_space<vmem>>, vector<8x256xf32>
    %add3A_927 = arith.addf %add3A_923, %get3A_926 : vector<8x256xf32>
    %get3A_928 = arith.constant 1864 : index
    %get3A_929 = arith.constant 0 : index
    %get3A_930 = vector.load %arg1[%get3A_928, %get3A_929] : memref<4096x256xf32, #tpu.memory_space<vmem>>, vector<8x256xf32>
    %add3A_931 = arith.addf %add3A_927, %get3A_930 : vector<8x256xf32>
    %get3A_932 = arith.constant 1872 : index
    %get3A_933 = arith.constant 0 : index
    %get3A_934 = vector.load %arg1[%get3A_932, %get3A_933] : memref<4096x256xf32, #tpu.memory_space<vmem>>, vector<8x256xf32>
    %add3A_935 = arith.addf %add3A_931, %get3A_934 : vector<8x256xf32>
    %get3A_936 = arith.constant 1880 : index
    %get3A_937 = arith.constant 0 : index
    %get3A_938 = vector.load %arg1[%get3A_936, %get3A_937] : memref<4096x256xf32, #tpu.memory_space<vmem>>, vector<8x256xf32>
    %add3A_939 = arith.addf %add3A_935, %get3A_938 : vector<8x256xf32>
    %get3A_940 = arith.constant 1888 : index
    %get3A_941 = arith.constant 0 : index
    %get3A_942 = vector.load %arg1[%get3A_940, %get3A_941] : memref<4096x256xf32, #tpu.memory_space<vmem>>, vector<8x256xf32>
    %add3A_943 = arith.addf %add3A_939, %get3A_942 : vector<8x256xf32>
    %get3A_944 = arith.constant 1896 : index
    %get3A_945 = arith.constant 0 : index
    %get3A_946 = vector.load %arg1[%get3A_944, %get3A_945] : memref<4096x256xf32, #tpu.memory_space<vmem>>, vector<8x256xf32>
    %add3A_947 = arith.addf %add3A_943, %get3A_946 : vector<8x256xf32>
    %get3A_948 = arith.constant 1904 : index
    %get3A_949 = arith.constant 0 : index
    %get3A_950 = vector.load %arg1[%get3A_948, %get3A_949] : memref<4096x256xf32, #tpu.memory_space<vmem>>, vector<8x256xf32>
    %add3A_951 = arith.addf %add3A_947, %get3A_950 : vector<8x256xf32>
    %get3A_952 = arith.constant 1912 : index
    %get3A_953 = arith.constant 0 : index
    %get3A_954 = vector.load %arg1[%get3A_952, %get3A_953] : memref<4096x256xf32, #tpu.memory_space<vmem>>, vector<8x256xf32>
    %add3A_955 = arith.addf %add3A_951, %get3A_954 : vector<8x256xf32>
    %get3A_956 = arith.constant 1920 : index
    %get3A_957 = arith.constant 0 : index
    %get3A_958 = vector.load %arg1[%get3A_956, %get3A_957] : memref<4096x256xf32, #tpu.memory_space<vmem>>, vector<8x256xf32>
    %add3A_959 = arith.addf %add3A_955, %get3A_958 : vector<8x256xf32>
    %get3A_960 = arith.constant 1928 : index
    %get3A_961 = arith.constant 0 : index
    %get3A_962 = vector.load %arg1[%get3A_960, %get3A_961] : memref<4096x256xf32, #tpu.memory_space<vmem>>, vector<8x256xf32>
    %add3A_963 = arith.addf %add3A_959, %get3A_962 : vector<8x256xf32>
    %get3A_964 = arith.constant 1936 : index
    %get3A_965 = arith.constant 0 : index
    %get3A_966 = vector.load %arg1[%get3A_964, %get3A_965] : memref<4096x256xf32, #tpu.memory_space<vmem>>, vector<8x256xf32>
    %add3A_967 = arith.addf %add3A_963, %get3A_966 : vector<8x256xf32>
    %get3A_968 = arith.constant 1944 : index
    %get3A_969 = arith.constant 0 : index
    %get3A_970 = vector.load %arg1[%get3A_968, %get3A_969] : memref<4096x256xf32, #tpu.memory_space<vmem>>, vector<8x256xf32>
    %add3A_971 = arith.addf %add3A_967, %get3A_970 : vector<8x256xf32>
    %get3A_972 = arith.constant 1952 : index
    %get3A_973 = arith.constant 0 : index
    %get3A_974 = vector.load %arg1[%get3A_972, %get3A_973] : memref<4096x256xf32, #tpu.memory_space<vmem>>, vector<8x256xf32>
    %add3A_975 = arith.addf %add3A_971, %get3A_974 : vector<8x256xf32>
    %get3A_976 = arith.constant 1960 : index
    %get3A_977 = arith.constant 0 : index
    %get3A_978 = vector.load %arg1[%get3A_976, %get3A_977] : memref<4096x256xf32, #tpu.memory_space<vmem>>, vector<8x256xf32>
    %add3A_979 = arith.addf %add3A_975, %get3A_978 : vector<8x256xf32>
    %get3A_980 = arith.constant 1968 : index
    %get3A_981 = arith.constant 0 : index
    %get3A_982 = vector.load %arg1[%get3A_980, %get3A_981] : memref<4096x256xf32, #tpu.memory_space<vmem>>, vector<8x256xf32>
    %add3A_983 = arith.addf %add3A_979, %get3A_982 : vector<8x256xf32>
    %get3A_984 = arith.constant 1976 : index
    %get3A_985 = arith.constant 0 : index
    %get3A_986 = vector.load %arg1[%get3A_984, %get3A_985] : memref<4096x256xf32, #tpu.memory_space<vmem>>, vector<8x256xf32>
    %add3A_987 = arith.addf %add3A_983, %get3A_986 : vector<8x256xf32>
    %get3A_988 = arith.constant 1984 : index
    %get3A_989 = arith.constant 0 : index
    %get3A_990 = vector.load %arg1[%get3A_988, %get3A_989] : memref<4096x256xf32, #tpu.memory_space<vmem>>, vector<8x256xf32>
    %add3A_991 = arith.addf %add3A_987, %get3A_990 : vector<8x256xf32>
    %get3A_992 = arith.constant 1992 : index
    %get3A_993 = arith.constant 0 : index
    %get3A_994 = vector.load %arg1[%get3A_992, %get3A_993] : memref<4096x256xf32, #tpu.memory_space<vmem>>, vector<8x256xf32>
    %add3A_995 = arith.addf %add3A_991, %get3A_994 : vector<8x256xf32>
    %get3A_996 = arith.constant 2000 : index
    %get3A_997 = arith.constant 0 : index
    %get3A_998 = vector.load %arg1[%get3A_996, %get3A_997] : memref<4096x256xf32, #tpu.memory_space<vmem>>, vector<8x256xf32>
    %add3A_999 = arith.addf %add3A_995, %get3A_998 : vector<8x256xf32>
    %get3A_1000 = arith.constant 2008 : index
    %get3A_1001 = arith.constant 0 : index
    %get3A_1002 = vector.load %arg1[%get3A_1000, %get3A_1001] : memref<4096x256xf32, #tpu.memory_space<vmem>>, vector<8x256xf32>
    %add3A_1003 = arith.addf %add3A_999, %get3A_1002 : vector<8x256xf32>
    %get3A_1004 = arith.constant 2016 : index
    %get3A_1005 = arith.constant 0 : index
    %get3A_1006 = vector.load %arg1[%get3A_1004, %get3A_1005] : memref<4096x256xf32, #tpu.memory_space<vmem>>, vector<8x256xf32>
    %add3A_1007 = arith.addf %add3A_1003, %get3A_1006 : vector<8x256xf32>
    %get3A_1008 = arith.constant 2024 : index
    %get3A_1009 = arith.constant 0 : index
    %get3A_1010 = vector.load %arg1[%get3A_1008, %get3A_1009] : memref<4096x256xf32, #tpu.memory_space<vmem>>, vector<8x256xf32>
    %add3A_1011 = arith.addf %add3A_1007, %get3A_1010 : vector<8x256xf32>
    %get3A_1012 = arith.constant 2032 : index
    %get3A_1013 = arith.constant 0 : index
    %get3A_1014 = vector.load %arg1[%get3A_1012, %get3A_1013] : memref<4096x256xf32, #tpu.memory_space<vmem>>, vector<8x256xf32>
    %add3A_1015 = arith.addf %add3A_1011, %get3A_1014 : vector<8x256xf32>
    %get3A_1016 = arith.constant 2040 : index
    %get3A_1017 = arith.constant 0 : index
    %get3A_1018 = vector.load %arg1[%get3A_1016, %get3A_1017] : memref<4096x256xf32, #tpu.memory_space<vmem>>, vector<8x256xf32>
    %add3A_1019 = arith.addf %add3A_1015, %get3A_1018 : vector<8x256xf32>
    %get3A_1020 = arith.constant 2048 : index
    %get3A_1021 = arith.constant 0 : index
    %get3A_1022 = vector.load %arg1[%get3A_1020, %get3A_1021] : memref<4096x256xf32, #tpu.memory_space<vmem>>, vector<8x256xf32>
    %get3A_1023 = arith.constant 2056 : index
    %get3A_1024 = arith.constant 0 : index
    %get3A_1025 = vector.load %arg1[%get3A_1023, %get3A_1024] : memref<4096x256xf32, #tpu.memory_space<vmem>>, vector<8x256xf32>
    %add3A_1026 = arith.addf %get3A_1022, %get3A_1025 : vector<8x256xf32>
    %get3A_1027 = arith.constant 2064 : index
    %get3A_1028 = arith.constant 0 : index
    %get3A_1029 = vector.load %arg1[%get3A_1027, %get3A_1028] : memref<4096x256xf32, #tpu.memory_space<vmem>>, vector<8x256xf32>
    %add3A_1030 = arith.addf %add3A_1026, %get3A_1029 : vector<8x256xf32>
    %get3A_1031 = arith.constant 2072 : index
    %get3A_1032 = arith.constant 0 : index
    %get3A_1033 = vector.load %arg1[%get3A_1031, %get3A_1032] : memref<4096x256xf32, #tpu.memory_space<vmem>>, vector<8x256xf32>
    %add3A_1034 = arith.addf %add3A_1030, %get3A_1033 : vector<8x256xf32>
    %get3A_1035 = arith.constant 2080 : index
    %get3A_1036 = arith.constant 0 : index
    %get3A_1037 = vector.load %arg1[%get3A_1035, %get3A_1036] : memref<4096x256xf32, #tpu.memory_space<vmem>>, vector<8x256xf32>
    %add3A_1038 = arith.addf %add3A_1034, %get3A_1037 : vector<8x256xf32>
    %get3A_1039 = arith.constant 2088 : index
    %get3A_1040 = arith.constant 0 : index
    %get3A_1041 = vector.load %arg1[%get3A_1039, %get3A_1040] : memref<4096x256xf32, #tpu.memory_space<vmem>>, vector<8x256xf32>
    %add3A_1042 = arith.addf %add3A_1038, %get3A_1041 : vector<8x256xf32>
    %get3A_1043 = arith.constant 2096 : index
    %get3A_1044 = arith.constant 0 : index
    %get3A_1045 = vector.load %arg1[%get3A_1043, %get3A_1044] : memref<4096x256xf32, #tpu.memory_space<vmem>>, vector<8x256xf32>
    %add3A_1046 = arith.addf %add3A_1042, %get3A_1045 : vector<8x256xf32>
    %get3A_1047 = arith.constant 2104 : index
    %get3A_1048 = arith.constant 0 : index
    %get3A_1049 = vector.load %arg1[%get3A_1047, %get3A_1048] : memref<4096x256xf32, #tpu.memory_space<vmem>>, vector<8x256xf32>
    %add3A_1050 = arith.addf %add3A_1046, %get3A_1049 : vector<8x256xf32>
    %get3A_1051 = arith.constant 2112 : index
    %get3A_1052 = arith.constant 0 : index
    %get3A_1053 = vector.load %arg1[%get3A_1051, %get3A_1052] : memref<4096x256xf32, #tpu.memory_space<vmem>>, vector<8x256xf32>
    %add3A_1054 = arith.addf %add3A_1050, %get3A_1053 : vector<8x256xf32>
    %get3A_1055 = arith.constant 2120 : index
    %get3A_1056 = arith.constant 0 : index
    %get3A_1057 = vector.load %arg1[%get3A_1055, %get3A_1056] : memref<4096x256xf32, #tpu.memory_space<vmem>>, vector<8x256xf32>
    %add3A_1058 = arith.addf %add3A_1054, %get3A_1057 : vector<8x256xf32>
    %get3A_1059 = arith.constant 2128 : index
    %get3A_1060 = arith.constant 0 : index
    %get3A_1061 = vector.load %arg1[%get3A_1059, %get3A_1060] : memref<4096x256xf32, #tpu.memory_space<vmem>>, vector<8x256xf32>
    %add3A_1062 = arith.addf %add3A_1058, %get3A_1061 : vector<8x256xf32>
    %get3A_1063 = arith.constant 2136 : index
    %get3A_1064 = arith.constant 0 : index
    %get3A_1065 = vector.load %arg1[%get3A_1063, %get3A_1064] : memref<4096x256xf32, #tpu.memory_space<vmem>>, vector<8x256xf32>
    %add3A_1066 = arith.addf %add3A_1062, %get3A_1065 : vector<8x256xf32>
    %get3A_1067 = arith.constant 2144 : index
    %get3A_1068 = arith.constant 0 : index
    %get3A_1069 = vector.load %arg1[%get3A_1067, %get3A_1068] : memref<4096x256xf32, #tpu.memory_space<vmem>>, vector<8x256xf32>
    %add3A_1070 = arith.addf %add3A_1066, %get3A_1069 : vector<8x256xf32>
    %get3A_1071 = arith.constant 2152 : index
    %get3A_1072 = arith.constant 0 : index
    %get3A_1073 = vector.load %arg1[%get3A_1071, %get3A_1072] : memref<4096x256xf32, #tpu.memory_space<vmem>>, vector<8x256xf32>
    %add3A_1074 = arith.addf %add3A_1070, %get3A_1073 : vector<8x256xf32>
    %get3A_1075 = arith.constant 2160 : index
    %get3A_1076 = arith.constant 0 : index
    %get3A_1077 = vector.load %arg1[%get3A_1075, %get3A_1076] : memref<4096x256xf32, #tpu.memory_space<vmem>>, vector<8x256xf32>
    %add3A_1078 = arith.addf %add3A_1074, %get3A_1077 : vector<8x256xf32>
    %get3A_1079 = arith.constant 2168 : index
    %get3A_1080 = arith.constant 0 : index
    %get3A_1081 = vector.load %arg1[%get3A_1079, %get3A_1080] : memref<4096x256xf32, #tpu.memory_space<vmem>>, vector<8x256xf32>
    %add3A_1082 = arith.addf %add3A_1078, %get3A_1081 : vector<8x256xf32>
    %get3A_1083 = arith.constant 2176 : index
    %get3A_1084 = arith.constant 0 : index
    %get3A_1085 = vector.load %arg1[%get3A_1083, %get3A_1084] : memref<4096x256xf32, #tpu.memory_space<vmem>>, vector<8x256xf32>
    %add3A_1086 = arith.addf %add3A_1082, %get3A_1085 : vector<8x256xf32>
    %get3A_1087 = arith.constant 2184 : index
    %get3A_1088 = arith.constant 0 : index
    %get3A_1089 = vector.load %arg1[%get3A_1087, %get3A_1088] : memref<4096x256xf32, #tpu.memory_space<vmem>>, vector<8x256xf32>
    %add3A_1090 = arith.addf %add3A_1086, %get3A_1089 : vector<8x256xf32>
    %get3A_1091 = arith.constant 2192 : index
    %get3A_1092 = arith.constant 0 : index
    %get3A_1093 = vector.load %arg1[%get3A_1091, %get3A_1092] : memref<4096x256xf32, #tpu.memory_space<vmem>>, vector<8x256xf32>
    %add3A_1094 = arith.addf %add3A_1090, %get3A_1093 : vector<8x256xf32>
    %get3A_1095 = arith.constant 2200 : index
    %get3A_1096 = arith.constant 0 : index
    %get3A_1097 = vector.load %arg1[%get3A_1095, %get3A_1096] : memref<4096x256xf32, #tpu.memory_space<vmem>>, vector<8x256xf32>
    %add3A_1098 = arith.addf %add3A_1094, %get3A_1097 : vector<8x256xf32>
    %get3A_1099 = arith.constant 2208 : index
    %get3A_1100 = arith.constant 0 : index
    %get3A_1101 = vector.load %arg1[%get3A_1099, %get3A_1100] : memref<4096x256xf32, #tpu.memory_space<vmem>>, vector<8x256xf32>
    %add3A_1102 = arith.addf %add3A_1098, %get3A_1101 : vector<8x256xf32>
    %get3A_1103 = arith.constant 2216 : index
    %get3A_1104 = arith.constant 0 : index
    %get3A_1105 = vector.load %arg1[%get3A_1103, %get3A_1104] : memref<4096x256xf32, #tpu.memory_space<vmem>>, vector<8x256xf32>
    %add3A_1106 = arith.addf %add3A_1102, %get3A_1105 : vector<8x256xf32>
    %get3A_1107 = arith.constant 2224 : index
    %get3A_1108 = arith.constant 0 : index
    %get3A_1109 = vector.load %arg1[%get3A_1107, %get3A_1108] : memref<4096x256xf32, #tpu.memory_space<vmem>>, vector<8x256xf32>
    %add3A_1110 = arith.addf %add3A_1106, %get3A_1109 : vector<8x256xf32>
    %get3A_1111 = arith.constant 2232 : index
    %get3A_1112 = arith.constant 0 : index
    %get3A_1113 = vector.load %arg1[%get3A_1111, %get3A_1112] : memref<4096x256xf32, #tpu.memory_space<vmem>>, vector<8x256xf32>
    %add3A_1114 = arith.addf %add3A_1110, %get3A_1113 : vector<8x256xf32>
    %get3A_1115 = arith.constant 2240 : index
    %get3A_1116 = arith.constant 0 : index
    %get3A_1117 = vector.load %arg1[%get3A_1115, %get3A_1116] : memref<4096x256xf32, #tpu.memory_space<vmem>>, vector<8x256xf32>
    %add3A_1118 = arith.addf %add3A_1114, %get3A_1117 : vector<8x256xf32>
    %get3A_1119 = arith.constant 2248 : index
    %get3A_1120 = arith.constant 0 : index
    %get3A_1121 = vector.load %arg1[%get3A_1119, %get3A_1120] : memref<4096x256xf32, #tpu.memory_space<vmem>>, vector<8x256xf32>
    %add3A_1122 = arith.addf %add3A_1118, %get3A_1121 : vector<8x256xf32>
    %get3A_1123 = arith.constant 2256 : index
    %get3A_1124 = arith.constant 0 : index
    %get3A_1125 = vector.load %arg1[%get3A_1123, %get3A_1124] : memref<4096x256xf32, #tpu.memory_space<vmem>>, vector<8x256xf32>
    %add3A_1126 = arith.addf %add3A_1122, %get3A_1125 : vector<8x256xf32>
    %get3A_1127 = arith.constant 2264 : index
    %get3A_1128 = arith.constant 0 : index
    %get3A_1129 = vector.load %arg1[%get3A_1127, %get3A_1128] : memref<4096x256xf32, #tpu.memory_space<vmem>>, vector<8x256xf32>
    %add3A_1130 = arith.addf %add3A_1126, %get3A_1129 : vector<8x256xf32>
    %get3A_1131 = arith.constant 2272 : index
    %get3A_1132 = arith.constant 0 : index
    %get3A_1133 = vector.load %arg1[%get3A_1131, %get3A_1132] : memref<4096x256xf32, #tpu.memory_space<vmem>>, vector<8x256xf32>
    %add3A_1134 = arith.addf %add3A_1130, %get3A_1133 : vector<8x256xf32>
    %get3A_1135 = arith.constant 2280 : index
    %get3A_1136 = arith.constant 0 : index
    %get3A_1137 = vector.load %arg1[%get3A_1135, %get3A_1136] : memref<4096x256xf32, #tpu.memory_space<vmem>>, vector<8x256xf32>
    %add3A_1138 = arith.addf %add3A_1134, %get3A_1137 : vector<8x256xf32>
    %get3A_1139 = arith.constant 2288 : index
    %get3A_1140 = arith.constant 0 : index
    %get3A_1141 = vector.load %arg1[%get3A_1139, %get3A_1140] : memref<4096x256xf32, #tpu.memory_space<vmem>>, vector<8x256xf32>
    %add3A_1142 = arith.addf %add3A_1138, %get3A_1141 : vector<8x256xf32>
    %get3A_1143 = arith.constant 2296 : index
    %get3A_1144 = arith.constant 0 : index
    %get3A_1145 = vector.load %arg1[%get3A_1143, %get3A_1144] : memref<4096x256xf32, #tpu.memory_space<vmem>>, vector<8x256xf32>
    %add3A_1146 = arith.addf %add3A_1142, %get3A_1145 : vector<8x256xf32>
    %get3A_1147 = arith.constant 2304 : index
    %get3A_1148 = arith.constant 0 : index
    %get3A_1149 = vector.load %arg1[%get3A_1147, %get3A_1148] : memref<4096x256xf32, #tpu.memory_space<vmem>>, vector<8x256xf32>
    %add3A_1150 = arith.addf %add3A_1146, %get3A_1149 : vector<8x256xf32>
    %get3A_1151 = arith.constant 2312 : index
    %get3A_1152 = arith.constant 0 : index
    %get3A_1153 = vector.load %arg1[%get3A_1151, %get3A_1152] : memref<4096x256xf32, #tpu.memory_space<vmem>>, vector<8x256xf32>
    %add3A_1154 = arith.addf %add3A_1150, %get3A_1153 : vector<8x256xf32>
    %get3A_1155 = arith.constant 2320 : index
    %get3A_1156 = arith.constant 0 : index
    %get3A_1157 = vector.load %arg1[%get3A_1155, %get3A_1156] : memref<4096x256xf32, #tpu.memory_space<vmem>>, vector<8x256xf32>
    %add3A_1158 = arith.addf %add3A_1154, %get3A_1157 : vector<8x256xf32>
    %get3A_1159 = arith.constant 2328 : index
    %get3A_1160 = arith.constant 0 : index
    %get3A_1161 = vector.load %arg1[%get3A_1159, %get3A_1160] : memref<4096x256xf32, #tpu.memory_space<vmem>>, vector<8x256xf32>
    %add3A_1162 = arith.addf %add3A_1158, %get3A_1161 : vector<8x256xf32>
    %get3A_1163 = arith.constant 2336 : index
    %get3A_1164 = arith.constant 0 : index
    %get3A_1165 = vector.load %arg1[%get3A_1163, %get3A_1164] : memref<4096x256xf32, #tpu.memory_space<vmem>>, vector<8x256xf32>
    %add3A_1166 = arith.addf %add3A_1162, %get3A_1165 : vector<8x256xf32>
    %get3A_1167 = arith.constant 2344 : index
    %get3A_1168 = arith.constant 0 : index
    %get3A_1169 = vector.load %arg1[%get3A_1167, %get3A_1168] : memref<4096x256xf32, #tpu.memory_space<vmem>>, vector<8x256xf32>
    %add3A_1170 = arith.addf %add3A_1166, %get3A_1169 : vector<8x256xf32>
    %get3A_1171 = arith.constant 2352 : index
    %get3A_1172 = arith.constant 0 : index
    %get3A_1173 = vector.load %arg1[%get3A_1171, %get3A_1172] : memref<4096x256xf32, #tpu.memory_space<vmem>>, vector<8x256xf32>
    %add3A_1174 = arith.addf %add3A_1170, %get3A_1173 : vector<8x256xf32>
    %get3A_1175 = arith.constant 2360 : index
    %get3A_1176 = arith.constant 0 : index
    %get3A_1177 = vector.load %arg1[%get3A_1175, %get3A_1176] : memref<4096x256xf32, #tpu.memory_space<vmem>>, vector<8x256xf32>
    %add3A_1178 = arith.addf %add3A_1174, %get3A_1177 : vector<8x256xf32>
    %get3A_1179 = arith.constant 2368 : index
    %get3A_1180 = arith.constant 0 : index
    %get3A_1181 = vector.load %arg1[%get3A_1179, %get3A_1180] : memref<4096x256xf32, #tpu.memory_space<vmem>>, vector<8x256xf32>
    %add3A_1182 = arith.addf %add3A_1178, %get3A_1181 : vector<8x256xf32>
    %get3A_1183 = arith.constant 2376 : index
    %get3A_1184 = arith.constant 0 : index
    %get3A_1185 = vector.load %arg1[%get3A_1183, %get3A_1184] : memref<4096x256xf32, #tpu.memory_space<vmem>>, vector<8x256xf32>
    %add3A_1186 = arith.addf %add3A_1182, %get3A_1185 : vector<8x256xf32>
    %get3A_1187 = arith.constant 2384 : index
    %get3A_1188 = arith.constant 0 : index
    %get3A_1189 = vector.load %arg1[%get3A_1187, %get3A_1188] : memref<4096x256xf32, #tpu.memory_space<vmem>>, vector<8x256xf32>
    %add3A_1190 = arith.addf %add3A_1186, %get3A_1189 : vector<8x256xf32>
    %get3A_1191 = arith.constant 2392 : index
    %get3A_1192 = arith.constant 0 : index
    %get3A_1193 = vector.load %arg1[%get3A_1191, %get3A_1192] : memref<4096x256xf32, #tpu.memory_space<vmem>>, vector<8x256xf32>
    %add3A_1194 = arith.addf %add3A_1190, %get3A_1193 : vector<8x256xf32>
    %get3A_1195 = arith.constant 2400 : index
    %get3A_1196 = arith.constant 0 : index
    %get3A_1197 = vector.load %arg1[%get3A_1195, %get3A_1196] : memref<4096x256xf32, #tpu.memory_space<vmem>>, vector<8x256xf32>
    %add3A_1198 = arith.addf %add3A_1194, %get3A_1197 : vector<8x256xf32>
    %get3A_1199 = arith.constant 2408 : index
    %get3A_1200 = arith.constant 0 : index
    %get3A_1201 = vector.load %arg1[%get3A_1199, %get3A_1200] : memref<4096x256xf32, #tpu.memory_space<vmem>>, vector<8x256xf32>
    %add3A_1202 = arith.addf %add3A_1198, %get3A_1201 : vector<8x256xf32>
    %get3A_1203 = arith.constant 2416 : index
    %get3A_1204 = arith.constant 0 : index
    %get3A_1205 = vector.load %arg1[%get3A_1203, %get3A_1204] : memref<4096x256xf32, #tpu.memory_space<vmem>>, vector<8x256xf32>
    %add3A_1206 = arith.addf %add3A_1202, %get3A_1205 : vector<8x256xf32>
    %get3A_1207 = arith.constant 2424 : index
    %get3A_1208 = arith.constant 0 : index
    %get3A_1209 = vector.load %arg1[%get3A_1207, %get3A_1208] : memref<4096x256xf32, #tpu.memory_space<vmem>>, vector<8x256xf32>
    %add3A_1210 = arith.addf %add3A_1206, %get3A_1209 : vector<8x256xf32>
    %get3A_1211 = arith.constant 2432 : index
    %get3A_1212 = arith.constant 0 : index
    %get3A_1213 = vector.load %arg1[%get3A_1211, %get3A_1212] : memref<4096x256xf32, #tpu.memory_space<vmem>>, vector<8x256xf32>
    %add3A_1214 = arith.addf %add3A_1210, %get3A_1213 : vector<8x256xf32>
    %get3A_1215 = arith.constant 2440 : index
    %get3A_1216 = arith.constant 0 : index
    %get3A_1217 = vector.load %arg1[%get3A_1215, %get3A_1216] : memref<4096x256xf32, #tpu.memory_space<vmem>>, vector<8x256xf32>
    %add3A_1218 = arith.addf %add3A_1214, %get3A_1217 : vector<8x256xf32>
    %get3A_1219 = arith.constant 2448 : index
    %get3A_1220 = arith.constant 0 : index
    %get3A_1221 = vector.load %arg1[%get3A_1219, %get3A_1220] : memref<4096x256xf32, #tpu.memory_space<vmem>>, vector<8x256xf32>
    %add3A_1222 = arith.addf %add3A_1218, %get3A_1221 : vector<8x256xf32>
    %get3A_1223 = arith.constant 2456 : index
    %get3A_1224 = arith.constant 0 : index
    %get3A_1225 = vector.load %arg1[%get3A_1223, %get3A_1224] : memref<4096x256xf32, #tpu.memory_space<vmem>>, vector<8x256xf32>
    %add3A_1226 = arith.addf %add3A_1222, %get3A_1225 : vector<8x256xf32>
    %get3A_1227 = arith.constant 2464 : index
    %get3A_1228 = arith.constant 0 : index
    %get3A_1229 = vector.load %arg1[%get3A_1227, %get3A_1228] : memref<4096x256xf32, #tpu.memory_space<vmem>>, vector<8x256xf32>
    %add3A_1230 = arith.addf %add3A_1226, %get3A_1229 : vector<8x256xf32>
    %get3A_1231 = arith.constant 2472 : index
    %get3A_1232 = arith.constant 0 : index
    %get3A_1233 = vector.load %arg1[%get3A_1231, %get3A_1232] : memref<4096x256xf32, #tpu.memory_space<vmem>>, vector<8x256xf32>
    %add3A_1234 = arith.addf %add3A_1230, %get3A_1233 : vector<8x256xf32>
    %get3A_1235 = arith.constant 2480 : index
    %get3A_1236 = arith.constant 0 : index
    %get3A_1237 = vector.load %arg1[%get3A_1235, %get3A_1236] : memref<4096x256xf32, #tpu.memory_space<vmem>>, vector<8x256xf32>
    %add3A_1238 = arith.addf %add3A_1234, %get3A_1237 : vector<8x256xf32>
    %get3A_1239 = arith.constant 2488 : index
    %get3A_1240 = arith.constant 0 : index
    %get3A_1241 = vector.load %arg1[%get3A_1239, %get3A_1240] : memref<4096x256xf32, #tpu.memory_space<vmem>>, vector<8x256xf32>
    %add3A_1242 = arith.addf %add3A_1238, %get3A_1241 : vector<8x256xf32>
    %get3A_1243 = arith.constant 2496 : index
    %get3A_1244 = arith.constant 0 : index
    %get3A_1245 = vector.load %arg1[%get3A_1243, %get3A_1244] : memref<4096x256xf32, #tpu.memory_space<vmem>>, vector<8x256xf32>
    %add3A_1246 = arith.addf %add3A_1242, %get3A_1245 : vector<8x256xf32>
    %get3A_1247 = arith.constant 2504 : index
    %get3A_1248 = arith.constant 0 : index
    %get3A_1249 = vector.load %arg1[%get3A_1247, %get3A_1248] : memref<4096x256xf32, #tpu.memory_space<vmem>>, vector<8x256xf32>
    %add3A_1250 = arith.addf %add3A_1246, %get3A_1249 : vector<8x256xf32>
    %get3A_1251 = arith.constant 2512 : index
    %get3A_1252 = arith.constant 0 : index
    %get3A_1253 = vector.load %arg1[%get3A_1251, %get3A_1252] : memref<4096x256xf32, #tpu.memory_space<vmem>>, vector<8x256xf32>
    %add3A_1254 = arith.addf %add3A_1250, %get3A_1253 : vector<8x256xf32>
    %get3A_1255 = arith.constant 2520 : index
    %get3A_1256 = arith.constant 0 : index
    %get3A_1257 = vector.load %arg1[%get3A_1255, %get3A_1256] : memref<4096x256xf32, #tpu.memory_space<vmem>>, vector<8x256xf32>
    %add3A_1258 = arith.addf %add3A_1254, %get3A_1257 : vector<8x256xf32>
    %get3A_1259 = arith.constant 2528 : index
    %get3A_1260 = arith.constant 0 : index
    %get3A_1261 = vector.load %arg1[%get3A_1259, %get3A_1260] : memref<4096x256xf32, #tpu.memory_space<vmem>>, vector<8x256xf32>
    %add3A_1262 = arith.addf %add3A_1258, %get3A_1261 : vector<8x256xf32>
    %get3A_1263 = arith.constant 2536 : index
    %get3A_1264 = arith.constant 0 : index
    %get3A_1265 = vector.load %arg1[%get3A_1263, %get3A_1264] : memref<4096x256xf32, #tpu.memory_space<vmem>>, vector<8x256xf32>
    %add3A_1266 = arith.addf %add3A_1262, %get3A_1265 : vector<8x256xf32>
    %get3A_1267 = arith.constant 2544 : index
    %get3A_1268 = arith.constant 0 : index
    %get3A_1269 = vector.load %arg1[%get3A_1267, %get3A_1268] : memref<4096x256xf32, #tpu.memory_space<vmem>>, vector<8x256xf32>
    %add3A_1270 = arith.addf %add3A_1266, %get3A_1269 : vector<8x256xf32>
    %get3A_1271 = arith.constant 2552 : index
    %get3A_1272 = arith.constant 0 : index
    %get3A_1273 = vector.load %arg1[%get3A_1271, %get3A_1272] : memref<4096x256xf32, #tpu.memory_space<vmem>>, vector<8x256xf32>
    %add3A_1274 = arith.addf %add3A_1270, %get3A_1273 : vector<8x256xf32>
    %get3A_1275 = arith.constant 2560 : index
    %get3A_1276 = arith.constant 0 : index
    %get3A_1277 = vector.load %arg1[%get3A_1275, %get3A_1276] : memref<4096x256xf32, #tpu.memory_space<vmem>>, vector<8x256xf32>
    %get3A_1278 = arith.constant 2568 : index
    %get3A_1279 = arith.constant 0 : index
    %get3A_1280 = vector.load %arg1[%get3A_1278, %get3A_1279] : memref<4096x256xf32, #tpu.memory_space<vmem>>, vector<8x256xf32>
    %add3A_1281 = arith.addf %get3A_1277, %get3A_1280 : vector<8x256xf32>
    %get3A_1282 = arith.constant 2576 : index
    %get3A_1283 = arith.constant 0 : index
    %get3A_1284 = vector.load %arg1[%get3A_1282, %get3A_1283] : memref<4096x256xf32, #tpu.memory_space<vmem>>, vector<8x256xf32>
    %add3A_1285 = arith.addf %add3A_1281, %get3A_1284 : vector<8x256xf32>
    %get3A_1286 = arith.constant 2584 : index
    %get3A_1287 = arith.constant 0 : index
    %get3A_1288 = vector.load %arg1[%get3A_1286, %get3A_1287] : memref<4096x256xf32, #tpu.memory_space<vmem>>, vector<8x256xf32>
    %add3A_1289 = arith.addf %add3A_1285, %get3A_1288 : vector<8x256xf32>
    %get3A_1290 = arith.constant 2592 : index
    %get3A_1291 = arith.constant 0 : index
    %get3A_1292 = vector.load %arg1[%get3A_1290, %get3A_1291] : memref<4096x256xf32, #tpu.memory_space<vmem>>, vector<8x256xf32>
    %add3A_1293 = arith.addf %add3A_1289, %get3A_1292 : vector<8x256xf32>
    %get3A_1294 = arith.constant 2600 : index
    %get3A_1295 = arith.constant 0 : index
    %get3A_1296 = vector.load %arg1[%get3A_1294, %get3A_1295] : memref<4096x256xf32, #tpu.memory_space<vmem>>, vector<8x256xf32>
    %add3A_1297 = arith.addf %add3A_1293, %get3A_1296 : vector<8x256xf32>
    %get3A_1298 = arith.constant 2608 : index
    %get3A_1299 = arith.constant 0 : index
    %get3A_1300 = vector.load %arg1[%get3A_1298, %get3A_1299] : memref<4096x256xf32, #tpu.memory_space<vmem>>, vector<8x256xf32>
    %add3A_1301 = arith.addf %add3A_1297, %get3A_1300 : vector<8x256xf32>
    %get3A_1302 = arith.constant 2616 : index
    %get3A_1303 = arith.constant 0 : index
    %get3A_1304 = vector.load %arg1[%get3A_1302, %get3A_1303] : memref<4096x256xf32, #tpu.memory_space<vmem>>, vector<8x256xf32>
    %add3A_1305 = arith.addf %add3A_1301, %get3A_1304 : vector<8x256xf32>
    %get3A_1306 = arith.constant 2624 : index
    %get3A_1307 = arith.constant 0 : index
    %get3A_1308 = vector.load %arg1[%get3A_1306, %get3A_1307] : memref<4096x256xf32, #tpu.memory_space<vmem>>, vector<8x256xf32>
    %add3A_1309 = arith.addf %add3A_1305, %get3A_1308 : vector<8x256xf32>
    %get3A_1310 = arith.constant 2632 : index
    %get3A_1311 = arith.constant 0 : index
    %get3A_1312 = vector.load %arg1[%get3A_1310, %get3A_1311] : memref<4096x256xf32, #tpu.memory_space<vmem>>, vector<8x256xf32>
    %add3A_1313 = arith.addf %add3A_1309, %get3A_1312 : vector<8x256xf32>
    %get3A_1314 = arith.constant 2640 : index
    %get3A_1315 = arith.constant 0 : index
    %get3A_1316 = vector.load %arg1[%get3A_1314, %get3A_1315] : memref<4096x256xf32, #tpu.memory_space<vmem>>, vector<8x256xf32>
    %add3A_1317 = arith.addf %add3A_1313, %get3A_1316 : vector<8x256xf32>
    %get3A_1318 = arith.constant 2648 : index
    %get3A_1319 = arith.constant 0 : index
    %get3A_1320 = vector.load %arg1[%get3A_1318, %get3A_1319] : memref<4096x256xf32, #tpu.memory_space<vmem>>, vector<8x256xf32>
    %add3A_1321 = arith.addf %add3A_1317, %get3A_1320 : vector<8x256xf32>
    %get3A_1322 = arith.constant 2656 : index
    %get3A_1323 = arith.constant 0 : index
    %get3A_1324 = vector.load %arg1[%get3A_1322, %get3A_1323] : memref<4096x256xf32, #tpu.memory_space<vmem>>, vector<8x256xf32>
    %add3A_1325 = arith.addf %add3A_1321, %get3A_1324 : vector<8x256xf32>
    %get3A_1326 = arith.constant 2664 : index
    %get3A_1327 = arith.constant 0 : index
    %get3A_1328 = vector.load %arg1[%get3A_1326, %get3A_1327] : memref<4096x256xf32, #tpu.memory_space<vmem>>, vector<8x256xf32>
    %add3A_1329 = arith.addf %add3A_1325, %get3A_1328 : vector<8x256xf32>
    %get3A_1330 = arith.constant 2672 : index
    %get3A_1331 = arith.constant 0 : index
    %get3A_1332 = vector.load %arg1[%get3A_1330, %get3A_1331] : memref<4096x256xf32, #tpu.memory_space<vmem>>, vector<8x256xf32>
    %add3A_1333 = arith.addf %add3A_1329, %get3A_1332 : vector<8x256xf32>
    %get3A_1334 = arith.constant 2680 : index
    %get3A_1335 = arith.constant 0 : index
    %get3A_1336 = vector.load %arg1[%get3A_1334, %get3A_1335] : memref<4096x256xf32, #tpu.memory_space<vmem>>, vector<8x256xf32>
    %add3A_1337 = arith.addf %add3A_1333, %get3A_1336 : vector<8x256xf32>
    %get3A_1338 = arith.constant 2688 : index
    %get3A_1339 = arith.constant 0 : index
    %get3A_1340 = vector.load %arg1[%get3A_1338, %get3A_1339] : memref<4096x256xf32, #tpu.memory_space<vmem>>, vector<8x256xf32>
    %add3A_1341 = arith.addf %add3A_1337, %get3A_1340 : vector<8x256xf32>
    %get3A_1342 = arith.constant 2696 : index
    %get3A_1343 = arith.constant 0 : index
    %get3A_1344 = vector.load %arg1[%get3A_1342, %get3A_1343] : memref<4096x256xf32, #tpu.memory_space<vmem>>, vector<8x256xf32>
    %add3A_1345 = arith.addf %add3A_1341, %get3A_1344 : vector<8x256xf32>
    %get3A_1346 = arith.constant 2704 : index
    %get3A_1347 = arith.constant 0 : index
    %get3A_1348 = vector.load %arg1[%get3A_1346, %get3A_1347] : memref<4096x256xf32, #tpu.memory_space<vmem>>, vector<8x256xf32>
    %add3A_1349 = arith.addf %add3A_1345, %get3A_1348 : vector<8x256xf32>
    %get3A_1350 = arith.constant 2712 : index
    %get3A_1351 = arith.constant 0 : index
    %get3A_1352 = vector.load %arg1[%get3A_1350, %get3A_1351] : memref<4096x256xf32, #tpu.memory_space<vmem>>, vector<8x256xf32>
    %add3A_1353 = arith.addf %add3A_1349, %get3A_1352 : vector<8x256xf32>
    %get3A_1354 = arith.constant 2720 : index
    %get3A_1355 = arith.constant 0 : index
    %get3A_1356 = vector.load %arg1[%get3A_1354, %get3A_1355] : memref<4096x256xf32, #tpu.memory_space<vmem>>, vector<8x256xf32>
    %add3A_1357 = arith.addf %add3A_1353, %get3A_1356 : vector<8x256xf32>
    %get3A_1358 = arith.constant 2728 : index
    %get3A_1359 = arith.constant 0 : index
    %get3A_1360 = vector.load %arg1[%get3A_1358, %get3A_1359] : memref<4096x256xf32, #tpu.memory_space<vmem>>, vector<8x256xf32>
    %add3A_1361 = arith.addf %add3A_1357, %get3A_1360 : vector<8x256xf32>
    %get3A_1362 = arith.constant 2736 : index
    %get3A_1363 = arith.constant 0 : index
    %get3A_1364 = vector.load %arg1[%get3A_1362, %get3A_1363] : memref<4096x256xf32, #tpu.memory_space<vmem>>, vector<8x256xf32>
    %add3A_1365 = arith.addf %add3A_1361, %get3A_1364 : vector<8x256xf32>
    %get3A_1366 = arith.constant 2744 : index
    %get3A_1367 = arith.constant 0 : index
    %get3A_1368 = vector.load %arg1[%get3A_1366, %get3A_1367] : memref<4096x256xf32, #tpu.memory_space<vmem>>, vector<8x256xf32>
    %add3A_1369 = arith.addf %add3A_1365, %get3A_1368 : vector<8x256xf32>
    %get3A_1370 = arith.constant 2752 : index
    %get3A_1371 = arith.constant 0 : index
    %get3A_1372 = vector.load %arg1[%get3A_1370, %get3A_1371] : memref<4096x256xf32, #tpu.memory_space<vmem>>, vector<8x256xf32>
    %add3A_1373 = arith.addf %add3A_1369, %get3A_1372 : vector<8x256xf32>
    %get3A_1374 = arith.constant 2760 : index
    %get3A_1375 = arith.constant 0 : index
    %get3A_1376 = vector.load %arg1[%get3A_1374, %get3A_1375] : memref<4096x256xf32, #tpu.memory_space<vmem>>, vector<8x256xf32>
    %add3A_1377 = arith.addf %add3A_1373, %get3A_1376 : vector<8x256xf32>
    %get3A_1378 = arith.constant 2768 : index
    %get3A_1379 = arith.constant 0 : index
    %get3A_1380 = vector.load %arg1[%get3A_1378, %get3A_1379] : memref<4096x256xf32, #tpu.memory_space<vmem>>, vector<8x256xf32>
    %add3A_1381 = arith.addf %add3A_1377, %get3A_1380 : vector<8x256xf32>
    %get3A_1382 = arith.constant 2776 : index
    %get3A_1383 = arith.constant 0 : index
    %get3A_1384 = vector.load %arg1[%get3A_1382, %get3A_1383] : memref<4096x256xf32, #tpu.memory_space<vmem>>, vector<8x256xf32>
    %add3A_1385 = arith.addf %add3A_1381, %get3A_1384 : vector<8x256xf32>
    %get3A_1386 = arith.constant 2784 : index
    %get3A_1387 = arith.constant 0 : index
    %get3A_1388 = vector.load %arg1[%get3A_1386, %get3A_1387] : memref<4096x256xf32, #tpu.memory_space<vmem>>, vector<8x256xf32>
    %add3A_1389 = arith.addf %add3A_1385, %get3A_1388 : vector<8x256xf32>
    %get3A_1390 = arith.constant 2792 : index
    %get3A_1391 = arith.constant 0 : index
    %get3A_1392 = vector.load %arg1[%get3A_1390, %get3A_1391] : memref<4096x256xf32, #tpu.memory_space<vmem>>, vector<8x256xf32>
    %add3A_1393 = arith.addf %add3A_1389, %get3A_1392 : vector<8x256xf32>
    %get3A_1394 = arith.constant 2800 : index
    %get3A_1395 = arith.constant 0 : index
    %get3A_1396 = vector.load %arg1[%get3A_1394, %get3A_1395] : memref<4096x256xf32, #tpu.memory_space<vmem>>, vector<8x256xf32>
    %add3A_1397 = arith.addf %add3A_1393, %get3A_1396 : vector<8x256xf32>
    %get3A_1398 = arith.constant 2808 : index
    %get3A_1399 = arith.constant 0 : index
    %get3A_1400 = vector.load %arg1[%get3A_1398, %get3A_1399] : memref<4096x256xf32, #tpu.memory_space<vmem>>, vector<8x256xf32>
    %add3A_1401 = arith.addf %add3A_1397, %get3A_1400 : vector<8x256xf32>
    %get3A_1402 = arith.constant 2816 : index
    %get3A_1403 = arith.constant 0 : index
    %get3A_1404 = vector.load %arg1[%get3A_1402, %get3A_1403] : memref<4096x256xf32, #tpu.memory_space<vmem>>, vector<8x256xf32>
    %add3A_1405 = arith.addf %add3A_1401, %get3A_1404 : vector<8x256xf32>
    %get3A_1406 = arith.constant 2824 : index
    %get3A_1407 = arith.constant 0 : index
    %get3A_1408 = vector.load %arg1[%get3A_1406, %get3A_1407] : memref<4096x256xf32, #tpu.memory_space<vmem>>, vector<8x256xf32>
    %add3A_1409 = arith.addf %add3A_1405, %get3A_1408 : vector<8x256xf32>
    %get3A_1410 = arith.constant 2832 : index
    %get3A_1411 = arith.constant 0 : index
    %get3A_1412 = vector.load %arg1[%get3A_1410, %get3A_1411] : memref<4096x256xf32, #tpu.memory_space<vmem>>, vector<8x256xf32>
    %add3A_1413 = arith.addf %add3A_1409, %get3A_1412 : vector<8x256xf32>
    %get3A_1414 = arith.constant 2840 : index
    %get3A_1415 = arith.constant 0 : index
    %get3A_1416 = vector.load %arg1[%get3A_1414, %get3A_1415] : memref<4096x256xf32, #tpu.memory_space<vmem>>, vector<8x256xf32>
    %add3A_1417 = arith.addf %add3A_1413, %get3A_1416 : vector<8x256xf32>
    %get3A_1418 = arith.constant 2848 : index
    %get3A_1419 = arith.constant 0 : index
    %get3A_1420 = vector.load %arg1[%get3A_1418, %get3A_1419] : memref<4096x256xf32, #tpu.memory_space<vmem>>, vector<8x256xf32>
    %add3A_1421 = arith.addf %add3A_1417, %get3A_1420 : vector<8x256xf32>
    %get3A_1422 = arith.constant 2856 : index
    %get3A_1423 = arith.constant 0 : index
    %get3A_1424 = vector.load %arg1[%get3A_1422, %get3A_1423] : memref<4096x256xf32, #tpu.memory_space<vmem>>, vector<8x256xf32>
    %add3A_1425 = arith.addf %add3A_1421, %get3A_1424 : vector<8x256xf32>
    %get3A_1426 = arith.constant 2864 : index
    %get3A_1427 = arith.constant 0 : index
    %get3A_1428 = vector.load %arg1[%get3A_1426, %get3A_1427] : memref<4096x256xf32, #tpu.memory_space<vmem>>, vector<8x256xf32>
    %add3A_1429 = arith.addf %add3A_1425, %get3A_1428 : vector<8x256xf32>
    %get3A_1430 = arith.constant 2872 : index
    %get3A_1431 = arith.constant 0 : index
    %get3A_1432 = vector.load %arg1[%get3A_1430, %get3A_1431] : memref<4096x256xf32, #tpu.memory_space<vmem>>, vector<8x256xf32>
    %add3A_1433 = arith.addf %add3A_1429, %get3A_1432 : vector<8x256xf32>
    %get3A_1434 = arith.constant 2880 : index
    %get3A_1435 = arith.constant 0 : index
    %get3A_1436 = vector.load %arg1[%get3A_1434, %get3A_1435] : memref<4096x256xf32, #tpu.memory_space<vmem>>, vector<8x256xf32>
    %add3A_1437 = arith.addf %add3A_1433, %get3A_1436 : vector<8x256xf32>
    %get3A_1438 = arith.constant 2888 : index
    %get3A_1439 = arith.constant 0 : index
    %get3A_1440 = vector.load %arg1[%get3A_1438, %get3A_1439] : memref<4096x256xf32, #tpu.memory_space<vmem>>, vector<8x256xf32>
    %add3A_1441 = arith.addf %add3A_1437, %get3A_1440 : vector<8x256xf32>
    %get3A_1442 = arith.constant 2896 : index
    %get3A_1443 = arith.constant 0 : index
    %get3A_1444 = vector.load %arg1[%get3A_1442, %get3A_1443] : memref<4096x256xf32, #tpu.memory_space<vmem>>, vector<8x256xf32>
    %add3A_1445 = arith.addf %add3A_1441, %get3A_1444 : vector<8x256xf32>
    %get3A_1446 = arith.constant 2904 : index
    %get3A_1447 = arith.constant 0 : index
    %get3A_1448 = vector.load %arg1[%get3A_1446, %get3A_1447] : memref<4096x256xf32, #tpu.memory_space<vmem>>, vector<8x256xf32>
    %add3A_1449 = arith.addf %add3A_1445, %get3A_1448 : vector<8x256xf32>
    %get3A_1450 = arith.constant 2912 : index
    %get3A_1451 = arith.constant 0 : index
    %get3A_1452 = vector.load %arg1[%get3A_1450, %get3A_1451] : memref<4096x256xf32, #tpu.memory_space<vmem>>, vector<8x256xf32>
    %add3A_1453 = arith.addf %add3A_1449, %get3A_1452 : vector<8x256xf32>
    %get3A_1454 = arith.constant 2920 : index
    %get3A_1455 = arith.constant 0 : index
    %get3A_1456 = vector.load %arg1[%get3A_1454, %get3A_1455] : memref<4096x256xf32, #tpu.memory_space<vmem>>, vector<8x256xf32>
    %add3A_1457 = arith.addf %add3A_1453, %get3A_1456 : vector<8x256xf32>
    %get3A_1458 = arith.constant 2928 : index
    %get3A_1459 = arith.constant 0 : index
    %get3A_1460 = vector.load %arg1[%get3A_1458, %get3A_1459] : memref<4096x256xf32, #tpu.memory_space<vmem>>, vector<8x256xf32>
    %add3A_1461 = arith.addf %add3A_1457, %get3A_1460 : vector<8x256xf32>
    %get3A_1462 = arith.constant 2936 : index
    %get3A_1463 = arith.constant 0 : index
    %get3A_1464 = vector.load %arg1[%get3A_1462, %get3A_1463] : memref<4096x256xf32, #tpu.memory_space<vmem>>, vector<8x256xf32>
    %add3A_1465 = arith.addf %add3A_1461, %get3A_1464 : vector<8x256xf32>
    %get3A_1466 = arith.constant 2944 : index
    %get3A_1467 = arith.constant 0 : index
    %get3A_1468 = vector.load %arg1[%get3A_1466, %get3A_1467] : memref<4096x256xf32, #tpu.memory_space<vmem>>, vector<8x256xf32>
    %add3A_1469 = arith.addf %add3A_1465, %get3A_1468 : vector<8x256xf32>
    %get3A_1470 = arith.constant 2952 : index
    %get3A_1471 = arith.constant 0 : index
    %get3A_1472 = vector.load %arg1[%get3A_1470, %get3A_1471] : memref<4096x256xf32, #tpu.memory_space<vmem>>, vector<8x256xf32>
    %add3A_1473 = arith.addf %add3A_1469, %get3A_1472 : vector<8x256xf32>
    %get3A_1474 = arith.constant 2960 : index
    %get3A_1475 = arith.constant 0 : index
    %get3A_1476 = vector.load %arg1[%get3A_1474, %get3A_1475] : memref<4096x256xf32, #tpu.memory_space<vmem>>, vector<8x256xf32>
    %add3A_1477 = arith.addf %add3A_1473, %get3A_1476 : vector<8x256xf32>
    %get3A_1478 = arith.constant 2968 : index
    %get3A_1479 = arith.constant 0 : index
    %get3A_1480 = vector.load %arg1[%get3A_1478, %get3A_1479] : memref<4096x256xf32, #tpu.memory_space<vmem>>, vector<8x256xf32>
    %add3A_1481 = arith.addf %add3A_1477, %get3A_1480 : vector<8x256xf32>
    %get3A_1482 = arith.constant 2976 : index
    %get3A_1483 = arith.constant 0 : index
    %get3A_1484 = vector.load %arg1[%get3A_1482, %get3A_1483] : memref<4096x256xf32, #tpu.memory_space<vmem>>, vector<8x256xf32>
    %add3A_1485 = arith.addf %add3A_1481, %get3A_1484 : vector<8x256xf32>
    %get3A_1486 = arith.constant 2984 : index
    %get3A_1487 = arith.constant 0 : index
    %get3A_1488 = vector.load %arg1[%get3A_1486, %get3A_1487] : memref<4096x256xf32, #tpu.memory_space<vmem>>, vector<8x256xf32>
    %add3A_1489 = arith.addf %add3A_1485, %get3A_1488 : vector<8x256xf32>
    %get3A_1490 = arith.constant 2992 : index
    %get3A_1491 = arith.constant 0 : index
    %get3A_1492 = vector.load %arg1[%get3A_1490, %get3A_1491] : memref<4096x256xf32, #tpu.memory_space<vmem>>, vector<8x256xf32>
    %add3A_1493 = arith.addf %add3A_1489, %get3A_1492 : vector<8x256xf32>
    %get3A_1494 = arith.constant 3000 : index
    %get3A_1495 = arith.constant 0 : index
    %get3A_1496 = vector.load %arg1[%get3A_1494, %get3A_1495] : memref<4096x256xf32, #tpu.memory_space<vmem>>, vector<8x256xf32>
    %add3A_1497 = arith.addf %add3A_1493, %get3A_1496 : vector<8x256xf32>
    %get3A_1498 = arith.constant 3008 : index
    %get3A_1499 = arith.constant 0 : index
    %get3A_1500 = vector.load %arg1[%get3A_1498, %get3A_1499] : memref<4096x256xf32, #tpu.memory_space<vmem>>, vector<8x256xf32>
    %add3A_1501 = arith.addf %add3A_1497, %get3A_1500 : vector<8x256xf32>
    %get3A_1502 = arith.constant 3016 : index
    %get3A_1503 = arith.constant 0 : index
    %get3A_1504 = vector.load %arg1[%get3A_1502, %get3A_1503] : memref<4096x256xf32, #tpu.memory_space<vmem>>, vector<8x256xf32>
    %add3A_1505 = arith.addf %add3A_1501, %get3A_1504 : vector<8x256xf32>
    %get3A_1506 = arith.constant 3024 : index
    %get3A_1507 = arith.constant 0 : index
    %get3A_1508 = vector.load %arg1[%get3A_1506, %get3A_1507] : memref<4096x256xf32, #tpu.memory_space<vmem>>, vector<8x256xf32>
    %add3A_1509 = arith.addf %add3A_1505, %get3A_1508 : vector<8x256xf32>
    %get3A_1510 = arith.constant 3032 : index
    %get3A_1511 = arith.constant 0 : index
    %get3A_1512 = vector.load %arg1[%get3A_1510, %get3A_1511] : memref<4096x256xf32, #tpu.memory_space<vmem>>, vector<8x256xf32>
    %add3A_1513 = arith.addf %add3A_1509, %get3A_1512 : vector<8x256xf32>
    %get3A_1514 = arith.constant 3040 : index
    %get3A_1515 = arith.constant 0 : index
    %get3A_1516 = vector.load %arg1[%get3A_1514, %get3A_1515] : memref<4096x256xf32, #tpu.memory_space<vmem>>, vector<8x256xf32>
    %add3A_1517 = arith.addf %add3A_1513, %get3A_1516 : vector<8x256xf32>
    %get3A_1518 = arith.constant 3048 : index
    %get3A_1519 = arith.constant 0 : index
    %get3A_1520 = vector.load %arg1[%get3A_1518, %get3A_1519] : memref<4096x256xf32, #tpu.memory_space<vmem>>, vector<8x256xf32>
    %add3A_1521 = arith.addf %add3A_1517, %get3A_1520 : vector<8x256xf32>
    %get3A_1522 = arith.constant 3056 : index
    %get3A_1523 = arith.constant 0 : index
    %get3A_1524 = vector.load %arg1[%get3A_1522, %get3A_1523] : memref<4096x256xf32, #tpu.memory_space<vmem>>, vector<8x256xf32>
    %add3A_1525 = arith.addf %add3A_1521, %get3A_1524 : vector<8x256xf32>
    %get3A_1526 = arith.constant 3064 : index
    %get3A_1527 = arith.constant 0 : index
    %get3A_1528 = vector.load %arg1[%get3A_1526, %get3A_1527] : memref<4096x256xf32, #tpu.memory_space<vmem>>, vector<8x256xf32>
    %add3A_1529 = arith.addf %add3A_1525, %get3A_1528 : vector<8x256xf32>
    %get3A_1530 = arith.constant 3072 : index
    %get3A_1531 = arith.constant 0 : index
    %get3A_1532 = vector.load %arg1[%get3A_1530, %get3A_1531] : memref<4096x256xf32, #tpu.memory_space<vmem>>, vector<8x256xf32>
    %get3A_1533 = arith.constant 3080 : index
    %get3A_1534 = arith.constant 0 : index
    %get3A_1535 = vector.load %arg1[%get3A_1533, %get3A_1534] : memref<4096x256xf32, #tpu.memory_space<vmem>>, vector<8x256xf32>
    %add3A_1536 = arith.addf %get3A_1532, %get3A_1535 : vector<8x256xf32>
    %get3A_1537 = arith.constant 3088 : index
    %get3A_1538 = arith.constant 0 : index
    %get3A_1539 = vector.load %arg1[%get3A_1537, %get3A_1538] : memref<4096x256xf32, #tpu.memory_space<vmem>>, vector<8x256xf32>
    %add3A_1540 = arith.addf %add3A_1536, %get3A_1539 : vector<8x256xf32>
    %get3A_1541 = arith.constant 3096 : index
    %get3A_1542 = arith.constant 0 : index
    %get3A_1543 = vector.load %arg1[%get3A_1541, %get3A_1542] : memref<4096x256xf32, #tpu.memory_space<vmem>>, vector<8x256xf32>
    %add3A_1544 = arith.addf %add3A_1540, %get3A_1543 : vector<8x256xf32>
    %get3A_1545 = arith.constant 3104 : index
    %get3A_1546 = arith.constant 0 : index
    %get3A_1547 = vector.load %arg1[%get3A_1545, %get3A_1546] : memref<4096x256xf32, #tpu.memory_space<vmem>>, vector<8x256xf32>
    %add3A_1548 = arith.addf %add3A_1544, %get3A_1547 : vector<8x256xf32>
    %get3A_1549 = arith.constant 3112 : index
    %get3A_1550 = arith.constant 0 : index
    %get3A_1551 = vector.load %arg1[%get3A_1549, %get3A_1550] : memref<4096x256xf32, #tpu.memory_space<vmem>>, vector<8x256xf32>
    %add3A_1552 = arith.addf %add3A_1548, %get3A_1551 : vector<8x256xf32>
    %get3A_1553 = arith.constant 3120 : index
    %get3A_1554 = arith.constant 0 : index
    %get3A_1555 = vector.load %arg1[%get3A_1553, %get3A_1554] : memref<4096x256xf32, #tpu.memory_space<vmem>>, vector<8x256xf32>
    %add3A_1556 = arith.addf %add3A_1552, %get3A_1555 : vector<8x256xf32>
    %get3A_1557 = arith.constant 3128 : index
    %get3A_1558 = arith.constant 0 : index
    %get3A_1559 = vector.load %arg1[%get3A_1557, %get3A_1558] : memref<4096x256xf32, #tpu.memory_space<vmem>>, vector<8x256xf32>
    %add3A_1560 = arith.addf %add3A_1556, %get3A_1559 : vector<8x256xf32>
    %get3A_1561 = arith.constant 3136 : index
    %get3A_1562 = arith.constant 0 : index
    %get3A_1563 = vector.load %arg1[%get3A_1561, %get3A_1562] : memref<4096x256xf32, #tpu.memory_space<vmem>>, vector<8x256xf32>
    %add3A_1564 = arith.addf %add3A_1560, %get3A_1563 : vector<8x256xf32>
    %get3A_1565 = arith.constant 3144 : index
    %get3A_1566 = arith.constant 0 : index
    %get3A_1567 = vector.load %arg1[%get3A_1565, %get3A_1566] : memref<4096x256xf32, #tpu.memory_space<vmem>>, vector<8x256xf32>
    %add3A_1568 = arith.addf %add3A_1564, %get3A_1567 : vector<8x256xf32>
    %get3A_1569 = arith.constant 3152 : index
    %get3A_1570 = arith.constant 0 : index
    %get3A_1571 = vector.load %arg1[%get3A_1569, %get3A_1570] : memref<4096x256xf32, #tpu.memory_space<vmem>>, vector<8x256xf32>
    %add3A_1572 = arith.addf %add3A_1568, %get3A_1571 : vector<8x256xf32>
    %get3A_1573 = arith.constant 3160 : index
    %get3A_1574 = arith.constant 0 : index
    %get3A_1575 = vector.load %arg1[%get3A_1573, %get3A_1574] : memref<4096x256xf32, #tpu.memory_space<vmem>>, vector<8x256xf32>
    %add3A_1576 = arith.addf %add3A_1572, %get3A_1575 : vector<8x256xf32>
    %get3A_1577 = arith.constant 3168 : index
    %get3A_1578 = arith.constant 0 : index
    %get3A_1579 = vector.load %arg1[%get3A_1577, %get3A_1578] : memref<4096x256xf32, #tpu.memory_space<vmem>>, vector<8x256xf32>
    %add3A_1580 = arith.addf %add3A_1576, %get3A_1579 : vector<8x256xf32>
    %get3A_1581 = arith.constant 3176 : index
    %get3A_1582 = arith.constant 0 : index
    %get3A_1583 = vector.load %arg1[%get3A_1581, %get3A_1582] : memref<4096x256xf32, #tpu.memory_space<vmem>>, vector<8x256xf32>
    %add3A_1584 = arith.addf %add3A_1580, %get3A_1583 : vector<8x256xf32>
    %get3A_1585 = arith.constant 3184 : index
    %get3A_1586 = arith.constant 0 : index
    %get3A_1587 = vector.load %arg1[%get3A_1585, %get3A_1586] : memref<4096x256xf32, #tpu.memory_space<vmem>>, vector<8x256xf32>
    %add3A_1588 = arith.addf %add3A_1584, %get3A_1587 : vector<8x256xf32>
    %get3A_1589 = arith.constant 3192 : index
    %get3A_1590 = arith.constant 0 : index
    %get3A_1591 = vector.load %arg1[%get3A_1589, %get3A_1590] : memref<4096x256xf32, #tpu.memory_space<vmem>>, vector<8x256xf32>
    %add3A_1592 = arith.addf %add3A_1588, %get3A_1591 : vector<8x256xf32>
    %get3A_1593 = arith.constant 3200 : index
    %get3A_1594 = arith.constant 0 : index
    %get3A_1595 = vector.load %arg1[%get3A_1593, %get3A_1594] : memref<4096x256xf32, #tpu.memory_space<vmem>>, vector<8x256xf32>
    %add3A_1596 = arith.addf %add3A_1592, %get3A_1595 : vector<8x256xf32>
    %get3A_1597 = arith.constant 3208 : index
    %get3A_1598 = arith.constant 0 : index
    %get3A_1599 = vector.load %arg1[%get3A_1597, %get3A_1598] : memref<4096x256xf32, #tpu.memory_space<vmem>>, vector<8x256xf32>
    %add3A_1600 = arith.addf %add3A_1596, %get3A_1599 : vector<8x256xf32>
    %get3A_1601 = arith.constant 3216 : index
    %get3A_1602 = arith.constant 0 : index
    %get3A_1603 = vector.load %arg1[%get3A_1601, %get3A_1602] : memref<4096x256xf32, #tpu.memory_space<vmem>>, vector<8x256xf32>
    %add3A_1604 = arith.addf %add3A_1600, %get3A_1603 : vector<8x256xf32>
    %get3A_1605 = arith.constant 3224 : index
    %get3A_1606 = arith.constant 0 : index
    %get3A_1607 = vector.load %arg1[%get3A_1605, %get3A_1606] : memref<4096x256xf32, #tpu.memory_space<vmem>>, vector<8x256xf32>
    %add3A_1608 = arith.addf %add3A_1604, %get3A_1607 : vector<8x256xf32>
    %get3A_1609 = arith.constant 3232 : index
    %get3A_1610 = arith.constant 0 : index
    %get3A_1611 = vector.load %arg1[%get3A_1609, %get3A_1610] : memref<4096x256xf32, #tpu.memory_space<vmem>>, vector<8x256xf32>
    %add3A_1612 = arith.addf %add3A_1608, %get3A_1611 : vector<8x256xf32>
    %get3A_1613 = arith.constant 3240 : index
    %get3A_1614 = arith.constant 0 : index
    %get3A_1615 = vector.load %arg1[%get3A_1613, %get3A_1614] : memref<4096x256xf32, #tpu.memory_space<vmem>>, vector<8x256xf32>
    %add3A_1616 = arith.addf %add3A_1612, %get3A_1615 : vector<8x256xf32>
    %get3A_1617 = arith.constant 3248 : index
    %get3A_1618 = arith.constant 0 : index
    %get3A_1619 = vector.load %arg1[%get3A_1617, %get3A_1618] : memref<4096x256xf32, #tpu.memory_space<vmem>>, vector<8x256xf32>
    %add3A_1620 = arith.addf %add3A_1616, %get3A_1619 : vector<8x256xf32>
    %get3A_1621 = arith.constant 3256 : index
    %get3A_1622 = arith.constant 0 : index
    %get3A_1623 = vector.load %arg1[%get3A_1621, %get3A_1622] : memref<4096x256xf32, #tpu.memory_space<vmem>>, vector<8x256xf32>
    %add3A_1624 = arith.addf %add3A_1620, %get3A_1623 : vector<8x256xf32>
    %get3A_1625 = arith.constant 3264 : index
    %get3A_1626 = arith.constant 0 : index
    %get3A_1627 = vector.load %arg1[%get3A_1625, %get3A_1626] : memref<4096x256xf32, #tpu.memory_space<vmem>>, vector<8x256xf32>
    %add3A_1628 = arith.addf %add3A_1624, %get3A_1627 : vector<8x256xf32>
    %get3A_1629 = arith.constant 3272 : index
    %get3A_1630 = arith.constant 0 : index
    %get3A_1631 = vector.load %arg1[%get3A_1629, %get3A_1630] : memref<4096x256xf32, #tpu.memory_space<vmem>>, vector<8x256xf32>
    %add3A_1632 = arith.addf %add3A_1628, %get3A_1631 : vector<8x256xf32>
    %get3A_1633 = arith.constant 3280 : index
    %get3A_1634 = arith.constant 0 : index
    %get3A_1635 = vector.load %arg1[%get3A_1633, %get3A_1634] : memref<4096x256xf32, #tpu.memory_space<vmem>>, vector<8x256xf32>
    %add3A_1636 = arith.addf %add3A_1632, %get3A_1635 : vector<8x256xf32>
    %get3A_1637 = arith.constant 3288 : index
    %get3A_1638 = arith.constant 0 : index
    %get3A_1639 = vector.load %arg1[%get3A_1637, %get3A_1638] : memref<4096x256xf32, #tpu.memory_space<vmem>>, vector<8x256xf32>
    %add3A_1640 = arith.addf %add3A_1636, %get3A_1639 : vector<8x256xf32>
    %get3A_1641 = arith.constant 3296 : index
    %get3A_1642 = arith.constant 0 : index
    %get3A_1643 = vector.load %arg1[%get3A_1641, %get3A_1642] : memref<4096x256xf32, #tpu.memory_space<vmem>>, vector<8x256xf32>
    %add3A_1644 = arith.addf %add3A_1640, %get3A_1643 : vector<8x256xf32>
    %get3A_1645 = arith.constant 3304 : index
    %get3A_1646 = arith.constant 0 : index
    %get3A_1647 = vector.load %arg1[%get3A_1645, %get3A_1646] : memref<4096x256xf32, #tpu.memory_space<vmem>>, vector<8x256xf32>
    %add3A_1648 = arith.addf %add3A_1644, %get3A_1647 : vector<8x256xf32>
    %get3A_1649 = arith.constant 3312 : index
    %get3A_1650 = arith.constant 0 : index
    %get3A_1651 = vector.load %arg1[%get3A_1649, %get3A_1650] : memref<4096x256xf32, #tpu.memory_space<vmem>>, vector<8x256xf32>
    %add3A_1652 = arith.addf %add3A_1648, %get3A_1651 : vector<8x256xf32>
    %get3A_1653 = arith.constant 3320 : index
    %get3A_1654 = arith.constant 0 : index
    %get3A_1655 = vector.load %arg1[%get3A_1653, %get3A_1654] : memref<4096x256xf32, #tpu.memory_space<vmem>>, vector<8x256xf32>
    %add3A_1656 = arith.addf %add3A_1652, %get3A_1655 : vector<8x256xf32>
    %get3A_1657 = arith.constant 3328 : index
    %get3A_1658 = arith.constant 0 : index
    %get3A_1659 = vector.load %arg1[%get3A_1657, %get3A_1658] : memref<4096x256xf32, #tpu.memory_space<vmem>>, vector<8x256xf32>
    %add3A_1660 = arith.addf %add3A_1656, %get3A_1659 : vector<8x256xf32>
    %get3A_1661 = arith.constant 3336 : index
    %get3A_1662 = arith.constant 0 : index
    %get3A_1663 = vector.load %arg1[%get3A_1661, %get3A_1662] : memref<4096x256xf32, #tpu.memory_space<vmem>>, vector<8x256xf32>
    %add3A_1664 = arith.addf %add3A_1660, %get3A_1663 : vector<8x256xf32>
    %get3A_1665 = arith.constant 3344 : index
    %get3A_1666 = arith.constant 0 : index
    %get3A_1667 = vector.load %arg1[%get3A_1665, %get3A_1666] : memref<4096x256xf32, #tpu.memory_space<vmem>>, vector<8x256xf32>
    %add3A_1668 = arith.addf %add3A_1664, %get3A_1667 : vector<8x256xf32>
    %get3A_1669 = arith.constant 3352 : index
    %get3A_1670 = arith.constant 0 : index
    %get3A_1671 = vector.load %arg1[%get3A_1669, %get3A_1670] : memref<4096x256xf32, #tpu.memory_space<vmem>>, vector<8x256xf32>
    %add3A_1672 = arith.addf %add3A_1668, %get3A_1671 : vector<8x256xf32>
    %get3A_1673 = arith.constant 3360 : index
    %get3A_1674 = arith.constant 0 : index
    %get3A_1675 = vector.load %arg1[%get3A_1673, %get3A_1674] : memref<4096x256xf32, #tpu.memory_space<vmem>>, vector<8x256xf32>
    %add3A_1676 = arith.addf %add3A_1672, %get3A_1675 : vector<8x256xf32>
    %get3A_1677 = arith.constant 3368 : index
    %get3A_1678 = arith.constant 0 : index
    %get3A_1679 = vector.load %arg1[%get3A_1677, %get3A_1678] : memref<4096x256xf32, #tpu.memory_space<vmem>>, vector<8x256xf32>
    %add3A_1680 = arith.addf %add3A_1676, %get3A_1679 : vector<8x256xf32>
    %get3A_1681 = arith.constant 3376 : index
    %get3A_1682 = arith.constant 0 : index
    %get3A_1683 = vector.load %arg1[%get3A_1681, %get3A_1682] : memref<4096x256xf32, #tpu.memory_space<vmem>>, vector<8x256xf32>
    %add3A_1684 = arith.addf %add3A_1680, %get3A_1683 : vector<8x256xf32>
    %get3A_1685 = arith.constant 3384 : index
    %get3A_1686 = arith.constant 0 : index
    %get3A_1687 = vector.load %arg1[%get3A_1685, %get3A_1686] : memref<4096x256xf32, #tpu.memory_space<vmem>>, vector<8x256xf32>
    %add3A_1688 = arith.addf %add3A_1684, %get3A_1687 : vector<8x256xf32>
    %get3A_1689 = arith.constant 3392 : index
    %get3A_1690 = arith.constant 0 : index
    %get3A_1691 = vector.load %arg1[%get3A_1689, %get3A_1690] : memref<4096x256xf32, #tpu.memory_space<vmem>>, vector<8x256xf32>
    %add3A_1692 = arith.addf %add3A_1688, %get3A_1691 : vector<8x256xf32>
    %get3A_1693 = arith.constant 3400 : index
    %get3A_1694 = arith.constant 0 : index
    %get3A_1695 = vector.load %arg1[%get3A_1693, %get3A_1694] : memref<4096x256xf32, #tpu.memory_space<vmem>>, vector<8x256xf32>
    %add3A_1696 = arith.addf %add3A_1692, %get3A_1695 : vector<8x256xf32>
    %get3A_1697 = arith.constant 3408 : index
    %get3A_1698 = arith.constant 0 : index
    %get3A_1699 = vector.load %arg1[%get3A_1697, %get3A_1698] : memref<4096x256xf32, #tpu.memory_space<vmem>>, vector<8x256xf32>
    %add3A_1700 = arith.addf %add3A_1696, %get3A_1699 : vector<8x256xf32>
    %get3A_1701 = arith.constant 3416 : index
    %get3A_1702 = arith.constant 0 : index
    %get3A_1703 = vector.load %arg1[%get3A_1701, %get3A_1702] : memref<4096x256xf32, #tpu.memory_space<vmem>>, vector<8x256xf32>
    %add3A_1704 = arith.addf %add3A_1700, %get3A_1703 : vector<8x256xf32>
    %get3A_1705 = arith.constant 3424 : index
    %get3A_1706 = arith.constant 0 : index
    %get3A_1707 = vector.load %arg1[%get3A_1705, %get3A_1706] : memref<4096x256xf32, #tpu.memory_space<vmem>>, vector<8x256xf32>
    %add3A_1708 = arith.addf %add3A_1704, %get3A_1707 : vector<8x256xf32>
    %get3A_1709 = arith.constant 3432 : index
    %get3A_1710 = arith.constant 0 : index
    %get3A_1711 = vector.load %arg1[%get3A_1709, %get3A_1710] : memref<4096x256xf32, #tpu.memory_space<vmem>>, vector<8x256xf32>
    %add3A_1712 = arith.addf %add3A_1708, %get3A_1711 : vector<8x256xf32>
    %get3A_1713 = arith.constant 3440 : index
    %get3A_1714 = arith.constant 0 : index
    %get3A_1715 = vector.load %arg1[%get3A_1713, %get3A_1714] : memref<4096x256xf32, #tpu.memory_space<vmem>>, vector<8x256xf32>
    %add3A_1716 = arith.addf %add3A_1712, %get3A_1715 : vector<8x256xf32>
    %get3A_1717 = arith.constant 3448 : index
    %get3A_1718 = arith.constant 0 : index
    %get3A_1719 = vector.load %arg1[%get3A_1717, %get3A_1718] : memref<4096x256xf32, #tpu.memory_space<vmem>>, vector<8x256xf32>
    %add3A_1720 = arith.addf %add3A_1716, %get3A_1719 : vector<8x256xf32>
    %get3A_1721 = arith.constant 3456 : index
    %get3A_1722 = arith.constant 0 : index
    %get3A_1723 = vector.load %arg1[%get3A_1721, %get3A_1722] : memref<4096x256xf32, #tpu.memory_space<vmem>>, vector<8x256xf32>
    %add3A_1724 = arith.addf %add3A_1720, %get3A_1723 : vector<8x256xf32>
    %get3A_1725 = arith.constant 3464 : index
    %get3A_1726 = arith.constant 0 : index
    %get3A_1727 = vector.load %arg1[%get3A_1725, %get3A_1726] : memref<4096x256xf32, #tpu.memory_space<vmem>>, vector<8x256xf32>
    %add3A_1728 = arith.addf %add3A_1724, %get3A_1727 : vector<8x256xf32>
    %get3A_1729 = arith.constant 3472 : index
    %get3A_1730 = arith.constant 0 : index
    %get3A_1731 = vector.load %arg1[%get3A_1729, %get3A_1730] : memref<4096x256xf32, #tpu.memory_space<vmem>>, vector<8x256xf32>
    %add3A_1732 = arith.addf %add3A_1728, %get3A_1731 : vector<8x256xf32>
    %get3A_1733 = arith.constant 3480 : index
    %get3A_1734 = arith.constant 0 : index
    %get3A_1735 = vector.load %arg1[%get3A_1733, %get3A_1734] : memref<4096x256xf32, #tpu.memory_space<vmem>>, vector<8x256xf32>
    %add3A_1736 = arith.addf %add3A_1732, %get3A_1735 : vector<8x256xf32>
    %get3A_1737 = arith.constant 3488 : index
    %get3A_1738 = arith.constant 0 : index
    %get3A_1739 = vector.load %arg1[%get3A_1737, %get3A_1738] : memref<4096x256xf32, #tpu.memory_space<vmem>>, vector<8x256xf32>
    %add3A_1740 = arith.addf %add3A_1736, %get3A_1739 : vector<8x256xf32>
    %get3A_1741 = arith.constant 3496 : index
    %get3A_1742 = arith.constant 0 : index
    %get3A_1743 = vector.load %arg1[%get3A_1741, %get3A_1742] : memref<4096x256xf32, #tpu.memory_space<vmem>>, vector<8x256xf32>
    %add3A_1744 = arith.addf %add3A_1740, %get3A_1743 : vector<8x256xf32>
    %get3A_1745 = arith.constant 3504 : index
    %get3A_1746 = arith.constant 0 : index
    %get3A_1747 = vector.load %arg1[%get3A_1745, %get3A_1746] : memref<4096x256xf32, #tpu.memory_space<vmem>>, vector<8x256xf32>
    %add3A_1748 = arith.addf %add3A_1744, %get3A_1747 : vector<8x256xf32>
    %get3A_1749 = arith.constant 3512 : index
    %get3A_1750 = arith.constant 0 : index
    %get3A_1751 = vector.load %arg1[%get3A_1749, %get3A_1750] : memref<4096x256xf32, #tpu.memory_space<vmem>>, vector<8x256xf32>
    %add3A_1752 = arith.addf %add3A_1748, %get3A_1751 : vector<8x256xf32>
    %get3A_1753 = arith.constant 3520 : index
    %get3A_1754 = arith.constant 0 : index
    %get3A_1755 = vector.load %arg1[%get3A_1753, %get3A_1754] : memref<4096x256xf32, #tpu.memory_space<vmem>>, vector<8x256xf32>
    %add3A_1756 = arith.addf %add3A_1752, %get3A_1755 : vector<8x256xf32>
    %get3A_1757 = arith.constant 3528 : index
    %get3A_1758 = arith.constant 0 : index
    %get3A_1759 = vector.load %arg1[%get3A_1757, %get3A_1758] : memref<4096x256xf32, #tpu.memory_space<vmem>>, vector<8x256xf32>
    %add3A_1760 = arith.addf %add3A_1756, %get3A_1759 : vector<8x256xf32>
    %get3A_1761 = arith.constant 3536 : index
    %get3A_1762 = arith.constant 0 : index
    %get3A_1763 = vector.load %arg1[%get3A_1761, %get3A_1762] : memref<4096x256xf32, #tpu.memory_space<vmem>>, vector<8x256xf32>
    %add3A_1764 = arith.addf %add3A_1760, %get3A_1763 : vector<8x256xf32>
    %get3A_1765 = arith.constant 3544 : index
    %get3A_1766 = arith.constant 0 : index
    %get3A_1767 = vector.load %arg1[%get3A_1765, %get3A_1766] : memref<4096x256xf32, #tpu.memory_space<vmem>>, vector<8x256xf32>
    %add3A_1768 = arith.addf %add3A_1764, %get3A_1767 : vector<8x256xf32>
    %get3A_1769 = arith.constant 3552 : index
    %get3A_1770 = arith.constant 0 : index
    %get3A_1771 = vector.load %arg1[%get3A_1769, %get3A_1770] : memref<4096x256xf32, #tpu.memory_space<vmem>>, vector<8x256xf32>
    %add3A_1772 = arith.addf %add3A_1768, %get3A_1771 : vector<8x256xf32>
    %get3A_1773 = arith.constant 3560 : index
    %get3A_1774 = arith.constant 0 : index
    %get3A_1775 = vector.load %arg1[%get3A_1773, %get3A_1774] : memref<4096x256xf32, #tpu.memory_space<vmem>>, vector<8x256xf32>
    %add3A_1776 = arith.addf %add3A_1772, %get3A_1775 : vector<8x256xf32>
    %get3A_1777 = arith.constant 3568 : index
    %get3A_1778 = arith.constant 0 : index
    %get3A_1779 = vector.load %arg1[%get3A_1777, %get3A_1778] : memref<4096x256xf32, #tpu.memory_space<vmem>>, vector<8x256xf32>
    %add3A_1780 = arith.addf %add3A_1776, %get3A_1779 : vector<8x256xf32>
    %get3A_1781 = arith.constant 3576 : index
    %get3A_1782 = arith.constant 0 : index
    %get3A_1783 = vector.load %arg1[%get3A_1781, %get3A_1782] : memref<4096x256xf32, #tpu.memory_space<vmem>>, vector<8x256xf32>
    %add3A_1784 = arith.addf %add3A_1780, %get3A_1783 : vector<8x256xf32>
    %get3A_1785 = arith.constant 3584 : index
    %get3A_1786 = arith.constant 0 : index
    %get3A_1787 = vector.load %arg1[%get3A_1785, %get3A_1786] : memref<4096x256xf32, #tpu.memory_space<vmem>>, vector<8x256xf32>
    %get3A_1788 = arith.constant 3592 : index
    %get3A_1789 = arith.constant 0 : index
    %get3A_1790 = vector.load %arg1[%get3A_1788, %get3A_1789] : memref<4096x256xf32, #tpu.memory_space<vmem>>, vector<8x256xf32>
    %add3A_1791 = arith.addf %get3A_1787, %get3A_1790 : vector<8x256xf32>
    %get3A_1792 = arith.constant 3600 : index
    %get3A_1793 = arith.constant 0 : index
    %get3A_1794 = vector.load %arg1[%get3A_1792, %get3A_1793] : memref<4096x256xf32, #tpu.memory_space<vmem>>, vector<8x256xf32>
    %add3A_1795 = arith.addf %add3A_1791, %get3A_1794 : vector<8x256xf32>
    %get3A_1796 = arith.constant 3608 : index
    %get3A_1797 = arith.constant 0 : index
    %get3A_1798 = vector.load %arg1[%get3A_1796, %get3A_1797] : memref<4096x256xf32, #tpu.memory_space<vmem>>, vector<8x256xf32>
    %add3A_1799 = arith.addf %add3A_1795, %get3A_1798 : vector<8x256xf32>
    %get3A_1800 = arith.constant 3616 : index
    %get3A_1801 = arith.constant 0 : index
    %get3A_1802 = vector.load %arg1[%get3A_1800, %get3A_1801] : memref<4096x256xf32, #tpu.memory_space<vmem>>, vector<8x256xf32>
    %add3A_1803 = arith.addf %add3A_1799, %get3A_1802 : vector<8x256xf32>
    %get3A_1804 = arith.constant 3624 : index
    %get3A_1805 = arith.constant 0 : index
    %get3A_1806 = vector.load %arg1[%get3A_1804, %get3A_1805] : memref<4096x256xf32, #tpu.memory_space<vmem>>, vector<8x256xf32>
    %add3A_1807 = arith.addf %add3A_1803, %get3A_1806 : vector<8x256xf32>
    %get3A_1808 = arith.constant 3632 : index
    %get3A_1809 = arith.constant 0 : index
    %get3A_1810 = vector.load %arg1[%get3A_1808, %get3A_1809] : memref<4096x256xf32, #tpu.memory_space<vmem>>, vector<8x256xf32>
    %add3A_1811 = arith.addf %add3A_1807, %get3A_1810 : vector<8x256xf32>
    %get3A_1812 = arith.constant 3640 : index
    %get3A_1813 = arith.constant 0 : index
    %get3A_1814 = vector.load %arg1[%get3A_1812, %get3A_1813] : memref<4096x256xf32, #tpu.memory_space<vmem>>, vector<8x256xf32>
    %add3A_1815 = arith.addf %add3A_1811, %get3A_1814 : vector<8x256xf32>
    %get3A_1816 = arith.constant 3648 : index
    %get3A_1817 = arith.constant 0 : index
    %get3A_1818 = vector.load %arg1[%get3A_1816, %get3A_1817] : memref<4096x256xf32, #tpu.memory_space<vmem>>, vector<8x256xf32>
    %add3A_1819 = arith.addf %add3A_1815, %get3A_1818 : vector<8x256xf32>
    %get3A_1820 = arith.constant 3656 : index
    %get3A_1821 = arith.constant 0 : index
    %get3A_1822 = vector.load %arg1[%get3A_1820, %get3A_1821] : memref<4096x256xf32, #tpu.memory_space<vmem>>, vector<8x256xf32>
    %add3A_1823 = arith.addf %add3A_1819, %get3A_1822 : vector<8x256xf32>
    %get3A_1824 = arith.constant 3664 : index
    %get3A_1825 = arith.constant 0 : index
    %get3A_1826 = vector.load %arg1[%get3A_1824, %get3A_1825] : memref<4096x256xf32, #tpu.memory_space<vmem>>, vector<8x256xf32>
    %add3A_1827 = arith.addf %add3A_1823, %get3A_1826 : vector<8x256xf32>
    %get3A_1828 = arith.constant 3672 : index
    %get3A_1829 = arith.constant 0 : index
    %get3A_1830 = vector.load %arg1[%get3A_1828, %get3A_1829] : memref<4096x256xf32, #tpu.memory_space<vmem>>, vector<8x256xf32>
    %add3A_1831 = arith.addf %add3A_1827, %get3A_1830 : vector<8x256xf32>
    %get3A_1832 = arith.constant 3680 : index
    %get3A_1833 = arith.constant 0 : index
    %get3A_1834 = vector.load %arg1[%get3A_1832, %get3A_1833] : memref<4096x256xf32, #tpu.memory_space<vmem>>, vector<8x256xf32>
    %add3A_1835 = arith.addf %add3A_1831, %get3A_1834 : vector<8x256xf32>
    %get3A_1836 = arith.constant 3688 : index
    %get3A_1837 = arith.constant 0 : index
    %get3A_1838 = vector.load %arg1[%get3A_1836, %get3A_1837] : memref<4096x256xf32, #tpu.memory_space<vmem>>, vector<8x256xf32>
    %add3A_1839 = arith.addf %add3A_1835, %get3A_1838 : vector<8x256xf32>
    %get3A_1840 = arith.constant 3696 : index
    %get3A_1841 = arith.constant 0 : index
    %get3A_1842 = vector.load %arg1[%get3A_1840, %get3A_1841] : memref<4096x256xf32, #tpu.memory_space<vmem>>, vector<8x256xf32>
    %add3A_1843 = arith.addf %add3A_1839, %get3A_1842 : vector<8x256xf32>
    %get3A_1844 = arith.constant 3704 : index
    %get3A_1845 = arith.constant 0 : index
    %get3A_1846 = vector.load %arg1[%get3A_1844, %get3A_1845] : memref<4096x256xf32, #tpu.memory_space<vmem>>, vector<8x256xf32>
    %add3A_1847 = arith.addf %add3A_1843, %get3A_1846 : vector<8x256xf32>
    %get3A_1848 = arith.constant 3712 : index
    %get3A_1849 = arith.constant 0 : index
    %get3A_1850 = vector.load %arg1[%get3A_1848, %get3A_1849] : memref<4096x256xf32, #tpu.memory_space<vmem>>, vector<8x256xf32>
    %add3A_1851 = arith.addf %add3A_1847, %get3A_1850 : vector<8x256xf32>
    %get3A_1852 = arith.constant 3720 : index
    %get3A_1853 = arith.constant 0 : index
    %get3A_1854 = vector.load %arg1[%get3A_1852, %get3A_1853] : memref<4096x256xf32, #tpu.memory_space<vmem>>, vector<8x256xf32>
    %add3A_1855 = arith.addf %add3A_1851, %get3A_1854 : vector<8x256xf32>
    %get3A_1856 = arith.constant 3728 : index
    %get3A_1857 = arith.constant 0 : index
    %get3A_1858 = vector.load %arg1[%get3A_1856, %get3A_1857] : memref<4096x256xf32, #tpu.memory_space<vmem>>, vector<8x256xf32>
    %add3A_1859 = arith.addf %add3A_1855, %get3A_1858 : vector<8x256xf32>
    %get3A_1860 = arith.constant 3736 : index
    %get3A_1861 = arith.constant 0 : index
    %get3A_1862 = vector.load %arg1[%get3A_1860, %get3A_1861] : memref<4096x256xf32, #tpu.memory_space<vmem>>, vector<8x256xf32>
    %add3A_1863 = arith.addf %add3A_1859, %get3A_1862 : vector<8x256xf32>
    %get3A_1864 = arith.constant 3744 : index
    %get3A_1865 = arith.constant 0 : index
    %get3A_1866 = vector.load %arg1[%get3A_1864, %get3A_1865] : memref<4096x256xf32, #tpu.memory_space<vmem>>, vector<8x256xf32>
    %add3A_1867 = arith.addf %add3A_1863, %get3A_1866 : vector<8x256xf32>
    %get3A_1868 = arith.constant 3752 : index
    %get3A_1869 = arith.constant 0 : index
    %get3A_1870 = vector.load %arg1[%get3A_1868, %get3A_1869] : memref<4096x256xf32, #tpu.memory_space<vmem>>, vector<8x256xf32>
    %add3A_1871 = arith.addf %add3A_1867, %get3A_1870 : vector<8x256xf32>
    %get3A_1872 = arith.constant 3760 : index
    %get3A_1873 = arith.constant 0 : index
    %get3A_1874 = vector.load %arg1[%get3A_1872, %get3A_1873] : memref<4096x256xf32, #tpu.memory_space<vmem>>, vector<8x256xf32>
    %add3A_1875 = arith.addf %add3A_1871, %get3A_1874 : vector<8x256xf32>
    %get3A_1876 = arith.constant 3768 : index
    %get3A_1877 = arith.constant 0 : index
    %get3A_1878 = vector.load %arg1[%get3A_1876, %get3A_1877] : memref<4096x256xf32, #tpu.memory_space<vmem>>, vector<8x256xf32>
    %add3A_1879 = arith.addf %add3A_1875, %get3A_1878 : vector<8x256xf32>
    %get3A_1880 = arith.constant 3776 : index
    %get3A_1881 = arith.constant 0 : index
    %get3A_1882 = vector.load %arg1[%get3A_1880, %get3A_1881] : memref<4096x256xf32, #tpu.memory_space<vmem>>, vector<8x256xf32>
    %add3A_1883 = arith.addf %add3A_1879, %get3A_1882 : vector<8x256xf32>
    %get3A_1884 = arith.constant 3784 : index
    %get3A_1885 = arith.constant 0 : index
    %get3A_1886 = vector.load %arg1[%get3A_1884, %get3A_1885] : memref<4096x256xf32, #tpu.memory_space<vmem>>, vector<8x256xf32>
    %add3A_1887 = arith.addf %add3A_1883, %get3A_1886 : vector<8x256xf32>
    %get3A_1888 = arith.constant 3792 : index
    %get3A_1889 = arith.constant 0 : index
    %get3A_1890 = vector.load %arg1[%get3A_1888, %get3A_1889] : memref<4096x256xf32, #tpu.memory_space<vmem>>, vector<8x256xf32>
    %add3A_1891 = arith.addf %add3A_1887, %get3A_1890 : vector<8x256xf32>
    %get3A_1892 = arith.constant 3800 : index
    %get3A_1893 = arith.constant 0 : index
    %get3A_1894 = vector.load %arg1[%get3A_1892, %get3A_1893] : memref<4096x256xf32, #tpu.memory_space<vmem>>, vector<8x256xf32>
    %add3A_1895 = arith.addf %add3A_1891, %get3A_1894 : vector<8x256xf32>
    %get3A_1896 = arith.constant 3808 : index
    %get3A_1897 = arith.constant 0 : index
    %get3A_1898 = vector.load %arg1[%get3A_1896, %get3A_1897] : memref<4096x256xf32, #tpu.memory_space<vmem>>, vector<8x256xf32>
    %add3A_1899 = arith.addf %add3A_1895, %get3A_1898 : vector<8x256xf32>
    %get3A_1900 = arith.constant 3816 : index
    %get3A_1901 = arith.constant 0 : index
    %get3A_1902 = vector.load %arg1[%get3A_1900, %get3A_1901] : memref<4096x256xf32, #tpu.memory_space<vmem>>, vector<8x256xf32>
    %add3A_1903 = arith.addf %add3A_1899, %get3A_1902 : vector<8x256xf32>
    %get3A_1904 = arith.constant 3824 : index
    %get3A_1905 = arith.constant 0 : index
    %get3A_1906 = vector.load %arg1[%get3A_1904, %get3A_1905] : memref<4096x256xf32, #tpu.memory_space<vmem>>, vector<8x256xf32>
    %add3A_1907 = arith.addf %add3A_1903, %get3A_1906 : vector<8x256xf32>
    %get3A_1908 = arith.constant 3832 : index
    %get3A_1909 = arith.constant 0 : index
    %get3A_1910 = vector.load %arg1[%get3A_1908, %get3A_1909] : memref<4096x256xf32, #tpu.memory_space<vmem>>, vector<8x256xf32>
    %add3A_1911 = arith.addf %add3A_1907, %get3A_1910 : vector<8x256xf32>
    %get3A_1912 = arith.constant 3840 : index
    %get3A_1913 = arith.constant 0 : index
    %get3A_1914 = vector.load %arg1[%get3A_1912, %get3A_1913] : memref<4096x256xf32, #tpu.memory_space<vmem>>, vector<8x256xf32>
    %add3A_1915 = arith.addf %add3A_1911, %get3A_1914 : vector<8x256xf32>
    %get3A_1916 = arith.constant 3848 : index
    %get3A_1917 = arith.constant 0 : index
    %get3A_1918 = vector.load %arg1[%get3A_1916, %get3A_1917] : memref<4096x256xf32, #tpu.memory_space<vmem>>, vector<8x256xf32>
    %add3A_1919 = arith.addf %add3A_1915, %get3A_1918 : vector<8x256xf32>
    %get3A_1920 = arith.constant 3856 : index
    %get3A_1921 = arith.constant 0 : index
    %get3A_1922 = vector.load %arg1[%get3A_1920, %get3A_1921] : memref<4096x256xf32, #tpu.memory_space<vmem>>, vector<8x256xf32>
    %add3A_1923 = arith.addf %add3A_1919, %get3A_1922 : vector<8x256xf32>
    %get3A_1924 = arith.constant 3864 : index
    %get3A_1925 = arith.constant 0 : index
    %get3A_1926 = vector.load %arg1[%get3A_1924, %get3A_1925] : memref<4096x256xf32, #tpu.memory_space<vmem>>, vector<8x256xf32>
    %add3A_1927 = arith.addf %add3A_1923, %get3A_1926 : vector<8x256xf32>
    %get3A_1928 = arith.constant 3872 : index
    %get3A_1929 = arith.constant 0 : index
    %get3A_1930 = vector.load %arg1[%get3A_1928, %get3A_1929] : memref<4096x256xf32, #tpu.memory_space<vmem>>, vector<8x256xf32>
    %add3A_1931 = arith.addf %add3A_1927, %get3A_1930 : vector<8x256xf32>
    %get3A_1932 = arith.constant 3880 : index
    %get3A_1933 = arith.constant 0 : index
    %get3A_1934 = vector.load %arg1[%get3A_1932, %get3A_1933] : memref<4096x256xf32, #tpu.memory_space<vmem>>, vector<8x256xf32>
    %add3A_1935 = arith.addf %add3A_1931, %get3A_1934 : vector<8x256xf32>
    %get3A_1936 = arith.constant 3888 : index
    %get3A_1937 = arith.constant 0 : index
    %get3A_1938 = vector.load %arg1[%get3A_1936, %get3A_1937] : memref<4096x256xf32, #tpu.memory_space<vmem>>, vector<8x256xf32>
    %add3A_1939 = arith.addf %add3A_1935, %get3A_1938 : vector<8x256xf32>
    %get3A_1940 = arith.constant 3896 : index
    %get3A_1941 = arith.constant 0 : index
    %get3A_1942 = vector.load %arg1[%get3A_1940, %get3A_1941] : memref<4096x256xf32, #tpu.memory_space<vmem>>, vector<8x256xf32>
    %add3A_1943 = arith.addf %add3A_1939, %get3A_1942 : vector<8x256xf32>
    %get3A_1944 = arith.constant 3904 : index
    %get3A_1945 = arith.constant 0 : index
    %get3A_1946 = vector.load %arg1[%get3A_1944, %get3A_1945] : memref<4096x256xf32, #tpu.memory_space<vmem>>, vector<8x256xf32>
    %add3A_1947 = arith.addf %add3A_1943, %get3A_1946 : vector<8x256xf32>
    %get3A_1948 = arith.constant 3912 : index
    %get3A_1949 = arith.constant 0 : index
    %get3A_1950 = vector.load %arg1[%get3A_1948, %get3A_1949] : memref<4096x256xf32, #tpu.memory_space<vmem>>, vector<8x256xf32>
    %add3A_1951 = arith.addf %add3A_1947, %get3A_1950 : vector<8x256xf32>
    %get3A_1952 = arith.constant 3920 : index
    %get3A_1953 = arith.constant 0 : index
    %get3A_1954 = vector.load %arg1[%get3A_1952, %get3A_1953] : memref<4096x256xf32, #tpu.memory_space<vmem>>, vector<8x256xf32>
    %add3A_1955 = arith.addf %add3A_1951, %get3A_1954 : vector<8x256xf32>
    %get3A_1956 = arith.constant 3928 : index
    %get3A_1957 = arith.constant 0 : index
    %get3A_1958 = vector.load %arg1[%get3A_1956, %get3A_1957] : memref<4096x256xf32, #tpu.memory_space<vmem>>, vector<8x256xf32>
    %add3A_1959 = arith.addf %add3A_1955, %get3A_1958 : vector<8x256xf32>
    %get3A_1960 = arith.constant 3936 : index
    %get3A_1961 = arith.constant 0 : index
    %get3A_1962 = vector.load %arg1[%get3A_1960, %get3A_1961] : memref<4096x256xf32, #tpu.memory_space<vmem>>, vector<8x256xf32>
    %add3A_1963 = arith.addf %add3A_1959, %get3A_1962 : vector<8x256xf32>
    %get3A_1964 = arith.constant 3944 : index
    %get3A_1965 = arith.constant 0 : index
    %get3A_1966 = vector.load %arg1[%get3A_1964, %get3A_1965] : memref<4096x256xf32, #tpu.memory_space<vmem>>, vector<8x256xf32>
    %add3A_1967 = arith.addf %add3A_1963, %get3A_1966 : vector<8x256xf32>
    %get3A_1968 = arith.constant 3952 : index
    %get3A_1969 = arith.constant 0 : index
    %get3A_1970 = vector.load %arg1[%get3A_1968, %get3A_1969] : memref<4096x256xf32, #tpu.memory_space<vmem>>, vector<8x256xf32>
    %add3A_1971 = arith.addf %add3A_1967, %get3A_1970 : vector<8x256xf32>
    %get3A_1972 = arith.constant 3960 : index
    %get3A_1973 = arith.constant 0 : index
    %get3A_1974 = vector.load %arg1[%get3A_1972, %get3A_1973] : memref<4096x256xf32, #tpu.memory_space<vmem>>, vector<8x256xf32>
    %add3A_1975 = arith.addf %add3A_1971, %get3A_1974 : vector<8x256xf32>
    %get3A_1976 = arith.constant 3968 : index
    %get3A_1977 = arith.constant 0 : index
    %get3A_1978 = vector.load %arg1[%get3A_1976, %get3A_1977] : memref<4096x256xf32, #tpu.memory_space<vmem>>, vector<8x256xf32>
    %add3A_1979 = arith.addf %add3A_1975, %get3A_1978 : vector<8x256xf32>
    %get3A_1980 = arith.constant 3976 : index
    %get3A_1981 = arith.constant 0 : index
    %get3A_1982 = vector.load %arg1[%get3A_1980, %get3A_1981] : memref<4096x256xf32, #tpu.memory_space<vmem>>, vector<8x256xf32>
    %add3A_1983 = arith.addf %add3A_1979, %get3A_1982 : vector<8x256xf32>
    %get3A_1984 = arith.constant 3984 : index
    %get3A_1985 = arith.constant 0 : index
    %get3A_1986 = vector.load %arg1[%get3A_1984, %get3A_1985] : memref<4096x256xf32, #tpu.memory_space<vmem>>, vector<8x256xf32>
    %add3A_1987 = arith.addf %add3A_1983, %get3A_1986 : vector<8x256xf32>
    %get3A_1988 = arith.constant 3992 : index
    %get3A_1989 = arith.constant 0 : index
    %get3A_1990 = vector.load %arg1[%get3A_1988, %get3A_1989] : memref<4096x256xf32, #tpu.memory_space<vmem>>, vector<8x256xf32>
    %add3A_1991 = arith.addf %add3A_1987, %get3A_1990 : vector<8x256xf32>
    %get3A_1992 = arith.constant 4000 : index
    %get3A_1993 = arith.constant 0 : index
    %get3A_1994 = vector.load %arg1[%get3A_1992, %get3A_1993] : memref<4096x256xf32, #tpu.memory_space<vmem>>, vector<8x256xf32>
    %add3A_1995 = arith.addf %add3A_1991, %get3A_1994 : vector<8x256xf32>
    %get3A_1996 = arith.constant 4008 : index
    %get3A_1997 = arith.constant 0 : index
    %get3A_1998 = vector.load %arg1[%get3A_1996, %get3A_1997] : memref<4096x256xf32, #tpu.memory_space<vmem>>, vector<8x256xf32>
    %add3A_1999 = arith.addf %add3A_1995, %get3A_1998 : vector<8x256xf32>
    %get3A_2000 = arith.constant 4016 : index
    %get3A_2001 = arith.constant 0 : index
    %get3A_2002 = vector.load %arg1[%get3A_2000, %get3A_2001] : memref<4096x256xf32, #tpu.memory_space<vmem>>, vector<8x256xf32>
    %add3A_2003 = arith.addf %add3A_1999, %get3A_2002 : vector<8x256xf32>
    %get3A_2004 = arith.constant 4024 : index
    %get3A_2005 = arith.constant 0 : index
    %get3A_2006 = vector.load %arg1[%get3A_2004, %get3A_2005] : memref<4096x256xf32, #tpu.memory_space<vmem>>, vector<8x256xf32>
    %add3A_2007 = arith.addf %add3A_2003, %get3A_2006 : vector<8x256xf32>
    %get3A_2008 = arith.constant 4032 : index
    %get3A_2009 = arith.constant 0 : index
    %get3A_2010 = vector.load %arg1[%get3A_2008, %get3A_2009] : memref<4096x256xf32, #tpu.memory_space<vmem>>, vector<8x256xf32>
    %add3A_2011 = arith.addf %add3A_2007, %get3A_2010 : vector<8x256xf32>
    %get3A_2012 = arith.constant 4040 : index
    %get3A_2013 = arith.constant 0 : index
    %get3A_2014 = vector.load %arg1[%get3A_2012, %get3A_2013] : memref<4096x256xf32, #tpu.memory_space<vmem>>, vector<8x256xf32>
    %add3A_2015 = arith.addf %add3A_2011, %get3A_2014 : vector<8x256xf32>
    %get3A_2016 = arith.constant 4048 : index
    %get3A_2017 = arith.constant 0 : index
    %get3A_2018 = vector.load %arg1[%get3A_2016, %get3A_2017] : memref<4096x256xf32, #tpu.memory_space<vmem>>, vector<8x256xf32>
    %add3A_2019 = arith.addf %add3A_2015, %get3A_2018 : vector<8x256xf32>
    %get3A_2020 = arith.constant 4056 : index
    %get3A_2021 = arith.constant 0 : index
    %get3A_2022 = vector.load %arg1[%get3A_2020, %get3A_2021] : memref<4096x256xf32, #tpu.memory_space<vmem>>, vector<8x256xf32>
    %add3A_2023 = arith.addf %add3A_2019, %get3A_2022 : vector<8x256xf32>
    %get3A_2024 = arith.constant 4064 : index
    %get3A_2025 = arith.constant 0 : index
    %get3A_2026 = vector.load %arg1[%get3A_2024, %get3A_2025] : memref<4096x256xf32, #tpu.memory_space<vmem>>, vector<8x256xf32>
    %add3A_2027 = arith.addf %add3A_2023, %get3A_2026 : vector<8x256xf32>
    %get3A_2028 = arith.constant 4072 : index
    %get3A_2029 = arith.constant 0 : index
    %get3A_2030 = vector.load %arg1[%get3A_2028, %get3A_2029] : memref<4096x256xf32, #tpu.memory_space<vmem>>, vector<8x256xf32>
    %add3A_2031 = arith.addf %add3A_2027, %get3A_2030 : vector<8x256xf32>
    %get3A_2032 = arith.constant 4080 : index
    %get3A_2033 = arith.constant 0 : index
    %get3A_2034 = vector.load %arg1[%get3A_2032, %get3A_2033] : memref<4096x256xf32, #tpu.memory_space<vmem>>, vector<8x256xf32>
    %add3A_2035 = arith.addf %add3A_2031, %get3A_2034 : vector<8x256xf32>
    %get3A_2036 = arith.constant 4088 : index
    %get3A_2037 = arith.constant 0 : index
    %get3A_2038 = vector.load %arg1[%get3A_2036, %get3A_2037] : memref<4096x256xf32, #tpu.memory_space<vmem>>, vector<8x256xf32>
    %add3A_2039 = arith.addf %add3A_2035, %get3A_2038 : vector<8x256xf32>
    %add3A_2040 = arith.addf %add3A_254, %add3A_509 : vector<8x256xf32>
    %add3A_2041 = arith.addf %add3A_764, %add3A_1019 : vector<8x256xf32>
    %add3A_2042 = arith.addf %add3A_2040, %add3A_2041 : vector<8x256xf32>
    %add3A_2043 = arith.addf %add3A_1274, %add3A_1529 : vector<8x256xf32>
    %add3A_2044 = arith.addf %add3A_1784, %add3A_2039 : vector<8x256xf32>
    %add3A_2045 = arith.addf %add3A_2043, %add3A_2044 : vector<8x256xf32>
    %get3A_2046 = arith.constant 0 : index
    %get3A_2047 = arith.constant 0 : index
    %get3A_2048 = vector.load %arg2[%get3A_2046, %get3A_2047] : memref<8x256xf32, #tpu.memory_space<vmem>>, vector<8x256xf32>
    %add3A_2049 = arith.addf %add3A_2042, %add3A_2045 : vector<8x256xf32>
    %add3A_2050 = arith.addf %get3A_2048, %add3A_2049 : vector<8x256xf32>
    %swap3A = arith.constant 0 : index
    %swap3A_2051 = arith.constant 0 : index
    %swap3A_2052 = vector.load %arg2[%swap3A, %swap3A_2051] : memref<8x256xf32, #tpu.memory_space<vmem>>, vector<8x256xf32>
    tpu.vector_store %arg2[%swap3A, %swap3A_2051], %add3A_2050 {strides = array<i32>} : memref<8x256xf32, #tpu.memory_space<vmem>>, vector<8x256xf32>,
    return
  }
  func.func @transform_0(%arg0: i32) -> (i32, i32) {
    %add3A = arith.constant 5 : i32
    %add3A_0 = arith.addi %add3A, %arg0 : i32
    %c0_i32 = arith.constant 0 : i32
    %c0_i32_1 = arith.constant 0 : i32
    return %add3A_0, %c0_i32 : i32, i32
  }
  func.func @transform_1(%arg0: i32) -> (i32, i32) {
    %c0_i32 = arith.constant 0 : i32
    %c0_i32_0 = arith.constant 0 : i32
    %c0_i32_1 = arith.constant 0 : i32
    return %c0_i32, %c0_i32_0 : i32, i32
  }
}

</mosaic_0001>

<sc_bundles>
// kernel: kernel.5.cloned.1.call-start
scs
__scs_entry_jumppad:
0x0: {  	(pc) =	sbr.rel $0x88, $3  }
0x1: {  	(tag) =	ssettag $0x0;
	lr =	simm.s32 $0x1  }
0x2: {  	[smem:$0x3F9F] =	sst lr;
	_ =	strace $0xD0000000  }
0x3: {  	_ = 	snop  }
0x4: {  	_ = 	snop  }
0x5: {  	_ = 	snop  }
0x6: {  	_ = 	snop  }
0x7: {  	_ = 	snop  }
__scs_overlays_trampoline_lowered:
0x8: {  	[smem:$0x3FAE] =	sst s0  }
0x9: {  	[smem:$0x3FAF] =	sst s1  }
0xa: {  	[smem:$0x3FB0] =	sst s2  }
0xb: {  	[smem:$0x3FB1] =	sst s3  }
0xc: {  	[smem:$0x3FB2] =	sst s4  }
0xd: {  	[smem:$0x3FB3] =	sst s5  }
0xe: {  	[smem:$0x3FB4] =	sst s6  }
0xf: {  	[smem:$0x3FB5] =	sst s7  }
0x10: {  	[smem:$0x3FB6] =	sst s8  }
0x11: {  	[smem:$0x3FB7] =	sst s9;
	s0 =	simm.s32 @!p0 $0x0  }
0x12: {  	s1 =	sld [smem:$0x3F9D];
	s0 =	simm.s32 @p0 $0x1  }
0x13: {  	[smem:$0x3FB8] =	sst s0;
	s0 =	simm.s32 @!p1 $0x0  }
0x14: {  	s2 =	sld [smem:$0x3F9C];
	s0 =	simm.s32 @p1 $0x1  }
0x15: {  	[smem:$0x3FB9] =	sst s0;
	s0 =	simm.s32 @!p2 $0x0  }
0x16: {  	s3 =	sld [smem:$0x3FDB];
	s0 =	simm.s32 @p2 $0x1  }
0x17: {  	s4 =	simm.s32 $0x1BF5;
	[smem:$0x3FBB] =	sst s0  }
0x18: {  	s0 =	sld [smem:$0x3F9E];
	_ =	swait.ge [sflag:s4], $0x0  }
0x19: {  	s7 =	sld [smem:$0x3F9F]  }
0x1a: {  	s8 =	sadd.s32 $0xFFFFE003, lr  }
0x1b: {  	s9 =	sadd.s32 $0xFFFFFEF7, lr;
	s5 =	simm.s32 $0xFFFFFFFF;
	p2 =	slt.u32 s8, $0xFFFFF086  }
0x1c: {  	p1 =	slt.u32 s9, $0xF7A;
	s5 =	simm.s32 @!p2 $0x0  }
0x1d: {  	s5 =	simm.s32 @p1 $0x1;
	p0 =	seq.s32 s7, s2  }
0x1e: {  	s7 =	smul.u32 @!p0 $0xF7A, s2;
	p2 =	seq.s32 @!p0 s5, $0x0  }
0x1f: {  	s9 =	smul.u32 $0xF7A, s1;
	s8 =	simm.s32 @!p0 $0x1BF5;
	p2 =	por !p2, p0  }
0x20: {  	[sflag:s8] =	ssyncset.s32 @!p0 $0xFFFFF086;
	s6 =	sadd.s32 @!p0 s3, s7;
	s7 =	simm.s32 @!p0 $0x108  }
0x21: {  	s3 =	sadd.s32 s3, s9;
	s6 =	sadd.s32 @!p0 $0x88, s6;
	s7 =	simm.s32 @p2 $0x1082  }
0x22: {  	[simem:s7], [sflag:s8] =	dma.local @!p0 [hbm:s6], $0xF7A  }
0x23: {  	s9 =	sor.u32 $0xD0000000, s2;
	s6 =	simm.s32 $0x108;
	_ =	swait.ge @!p0 [sflag:s8], $0x0  }
0x24: {  	s3 =	sadd.s32 $0x88, s3;
	s6 =	simm.s32 @!p1 $0x1082;
	[sflag:s4] =	ssyncset.s32 $0xFFFFF086  }
0x25: {  	[simem:s6], [sflag:s4] =	dma.local [hbm:s3], $0xF7A  }
0x26: {  	[smem:$0x3F9F] =	sst s1;
	(tag) =	ssettag s2;
	_ =	strace s9  }
0x27: {  	s1 =	sld [smem:$0x3FAF]  }
0x28: {  	s2 =	sld [smem:$0x3FB0]  }
0x29: {  	s4 =	sld [smem:$0x3FB2]  }
0x2a: {  	p0 =	seq.s32 s5, $0x0;
	s5 =	sld [smem:$0x3FB3]  }
0x2b: {  	s6 =	sld [smem:$0x3FB4]  }
0x2c: {  	s7 =	sld [smem:$0x3FB5]  }
0x2d: {  	s3 =	simm.s32 $0x108;
	s8 =	sld [smem:$0x3FB6]  }
0x2e: {  	s3 =	simm.s32 @!p0 $0x1082;
	s9 =	sld [smem:$0x3FB7]  }
0x2f: {  	lr =	sadd.s32 s0, s3;
	s0 =	sld [smem:$0x3FAE]  }
0x30: {  	s3 =	sld [smem:$0x3FB1]  }
0x31: {  	[smem:$0x3FBA] =	sst s10  }
0x32: {  	s10 =	sld [smem:$0x3FB8];
	_ =	sdelay $0x3  }
0x33: {  	p0 =	seq.s32 s10, $0x1;
	s10 =	sld [smem:$0x3FBA];
	_ =	sdelay $0x3  }
0x34: {  	[smem:$0x3FBA] =	sst s10  }
0x35: {  	s10 =	sld [smem:$0x3FB9];
	_ =	sdelay $0x3  }
0x36: {  	p1 =	seq.s32 s10, $0x1;
	s10 =	sld [smem:$0x3FBA];
	_ =	sdelay $0x3  }
0x37: {  	[smem:$0x3FBA] =	sst s10  }
0x38: {  	s10 =	sld [smem:$0x3FBB]  }
0x39: {  	_ = 	snop;
	(pc) =	sbr.ind lr, $3  }
0x3a: {  	_ = 	snop  }
0x3b: {  	_ = 	snop  }
0x3c: {  	p2 =	seq.s32 s10, $0x1;
	s10 =	sld [smem:$0x3FBA]  }
0x3d: {  	_ =	shalt  }
0x3e: {  	_ =	shalt  }
0x3f: {  	_ =	shalt  }
0x40: {  	_ =	shalt  }
0x41: {  	_ =	shalt  }
0x42: {  	_ =	shalt  }
0x43: {  	_ =	shalt  }
0x44: {  	_ =	shalt  }
0x45: {  	_ =	shalt  }
0x46: {  	_ =	shalt  }
0x47: {  	_ =	shalt  }
0x48: {  	_ =	shalt  }
0x49: {  	_ =	shalt  }
0x4a: {  	_ =	shalt  }
0x4b: {  	_ =	shalt  }
0x4c: {  	_ =	shalt  }
0x4d: {  	_ =	shalt  }
0x4e: {  	_ =	shalt  }
0x4f: {  	_ =	shalt  }
0x50: {  	_ =	shalt  }
0x51: {  	_ =	shalt  }
0x52: {  	_ =	shalt  }
0x53: {  	_ =	shalt  }
0x54: {  	_ =	shalt  }
0x55: {  	_ =	shalt  }
0x56: {  	_ =	shalt  }
0x57: {  	_ =	shalt  }
0x58: {  	_ =	shalt  }
0x59: {  	_ =	shalt  }
0x5a: {  	_ =	shalt  }
0x5b: {  	_ =	shalt  }
0x5c: {  	_ =	shalt  }
0x5d: {  	_ =	shalt  }
0x5e: {  	_ =	shalt  }
0x5f: {  	_ =	shalt  }
0x60: {  	_ =	shalt  }
0x61: {  	_ =	shalt  }
0x62: {  	_ =	shalt  }
0x63: {  	_ =	shalt  }
0x64: {  	_ =	shalt  }
0x65: {  	_ =	shalt  }
0x66: {  	_ =	shalt  }
0x67: {  	_ =	shalt  }
0x68: {  	_ =	shalt  }
0x69: {  	_ =	shalt  }
0x6a: {  	_ =	shalt  }
0x6b: {  	_ =	shalt  }
0x6c: {  	_ =	shalt  }
0x6d: {  	_ =	shalt  }
0x6e: {  	_ =	shalt  }
0x6f: {  	_ =	shalt  }
0x70: {  	_ =	shalt  }
0x71: {  	_ =	shalt  }
0x72: {  	_ =	shalt  }
0x73: {  	_ =	shalt  }
0x74: {  	_ =	shalt  }
0x75: {  	_ =	shalt  }
0x76: {  	_ =	shalt  }
0x77: {  	_ =	shalt  }
0x78: {  	_ =	shalt  }
0x79: {  	_ =	shalt  }
0x7a: {  	_ =	shalt  }
0x7b: {  	_ =	shalt  }
0x7c: {  	_ =	shalt  }
0x7d: {  	_ =	shalt  }
0x7e: {  	_ =	shalt  }
0x7f: {  	_ =	shalt  }
0x80: {  	_ =	shalt  }
0x81: {  	_ =	shalt  }
0x82: {  	_ =	shalt  }
0x83: {  	_ =	shalt  }
0x84: {  	_ =	shalt  }
0x85: {  	_ =	shalt  }
0x86: {  	_ =	shalt  }
0x87: {  	_ =	shalt  }
.Lfunc_end0:
.L_simem_size_0:
called_computation_lowered:
.L_overlay_start_0:
0x88: {  	s2 =	sld [smem:$0x3FD9]  }
0x89: {  	s3 =	sld [smem:$0x3FFE];
	_ =	sdelay $0x1  }
0x8a: {  	s1 =	srdreg.scid  }
0x8b: {  	s0 =	sand.u32 $0x1, s1  }
0x8c: {  	s17 =	sshll.u32 s0, $0xA;
	s2 =	sadd.s32 s3, s2  }
0x8d: {  	s2 =	sadd.s32 s2, s17  }
0x8e: {  	[smem:$0x3FC6] =	sst s2  }
0x8f: {  	_ = 	snop  }
0x90: {  	s2 =	sld [smem:$0x3FC9];
	(tm) =	ssettm $0x1  }
0x91: {  	s18 =	sld [smem:$0x3FFB];
	_ =	sdelay $0x3  }
0x92: {  	_ =	strace s18  }
0x93: {  	s3 =	sld [smem:$0x3FFC];
	_ =	sdelay $0x3  }
0x94: {  	_ =	strace s3  }
0x95: {  	s3 =	sld [smem:$0x3FFD];
	_ =	sdelay $0x3  }
0x96: {  	_ =	strace s3  }
0x97: {  	_ =	strace $0x8FFFFFFF  }
0x98: {  	s19 =	sld [smem:$0x3FDB];
	_ =	sdelay $0x1  }
0x99: {  	s4 =	simm.s32 $_scs_section_size  }
0x9a: {  	s5 =	simm.s32 $_size__tile_overlayer_lowered;
	s6 =	simm.s32 $_tile_overlayer_lowered  }
0x9b: {  	s22 =	simm.s32 $0x1BFF;
	s21 =	sshll.u32 s6, $0x1;
	s3 =	sadd.s32 s4, s19  }
0x9c: {  	s7 =	simm.s32 $0x0;
	s20 =	sshll.u32 s5, $0x1;
	s5 =	sadd.s32 s21, s3  }
0x9d: {  	[timem:s7], [sflag:s22] =	dma.local [hbm:s5], s20  }
0x9e: {  	_ =	swait.ge [sflag:s22], s20  }
0x9f: {  	s4 =	ssub.s32 $0x0, s20;
	[sflag:s22] =	ssyncset.done $0x0  }
0xa0: {  	[sflag:s22] =	ssyncadd.s32 s4;
	_ =	sdelay $0x1  }
0xa1: {  	s23 =	simm.s32 $0x1B8B  }
0xa2: {  	_ =	swait.ge [sflag:s23], $0x1  }
0xa3: {  	[sflag:s23] =	ssyncset.done $0x0  }
0xa4: {  	s25 =	simm.s32 $0x1B8E;
	s24 =	sld [smem:$0x3FFE];
	[sflag:s23] =	ssyncadd.s32 $0xFFFFFFFF  }
0xa5: {  	s26 =	simm.s32 $execute0_lowered;
	[smem:$0x3FD2] =	sst s25  }
0xa6: {  	s5 =	sshll.u32 s26, $0x1;
	_ =	strace $0x80000046;
	[dreg:$0x1] =	wrdreg $0xFFFFFFFF  }
0xa7: {  	s28 =	simm.s32 $_size_execute0_lowered;
	s3 =	sadd.s32 s3, s5;
	[dreg:$0x0] =	wrdreg $0x0  }
0xa8: {  	s5 =	sshll.u32 s28, $0x1;
	[dreg:$0x2] =	wrdreg s3  }
0xa9: {  	[dreg:$0x3] =	wrdreg s5  }
0xaa: {  	[dreg:$0x4] =	wrdreg $0xC0  }
0xab: {  	_ =	task [dreg:s7], $0x5FFFF  }
0xac: {  	[dreg:$0x1] =	wrdreg $0xFFFFFFFF  }
0xad: {  	[dreg:$0x0] =	wrdreg $0x60  }
0xae: {  	[dreg:$0x2] =	wrdreg s2  }
0xaf: {  	[dreg:$0x3] =	wrdreg s24  }
0xb0: {  	[dreg:$0x4] =	wrdreg $0x9  }
0xb1: {  	_ =	task.clear_ibuf [dreg:s7], $0x5FFFF;
	_ =	strace $0x90000046  }
0xb2: {  	s29 =	simm.s32 $0x9;
	_ =	strace $0x80000048  }
0xb3: {  	_ =	swait.ge [sflag:s29], $0x1  }
0xb4: {  	[sflag:s29] =	ssyncadd.s32 $0xFFFFFFFF  }
0xb5: {  	_ =	strace $0x90000048  }
0xb6: {  	_ =	sfence  }
0xb7: {  	s30 =	sld [smem:$0x0];
	_ =	sdelay $0x2  }
0xb8: {  	s31 =	sshll.u32 s1, $0xD;
	s1 =	sshrl.u32 s1, $0x2  }
0xb9: {  	s3 =	sand.u32 $0x4000, s31;
	s1 =	sadd.s32 s1, s30  }
0xba: {  	s0 =	sor.u32 s3, s0;
	s1 =	sshll.u32 s1, $0x11  }
0xbb: {  	s0 =	sor.u32 s1, s0  }
0xbc: {  	s0 =	sadd.s32 $0x8F2B, s0  }
0xbd: {  	[sflag:s0] =	ssyncadd.remote.s32 $0x1  }
0xbe: {  	_ =	sfence.sel $0xFFFF  }
0xbf: {  	[dreg:$0x0] =	wrdreg $0xFFFFFFFF;
	(pc) =	sbr.abs _section_cstart, $3  }
0xc0: {  	[dreg:$0x1] =	wrdreg $0xFFFFFFFF  }
0xc1: {  	_ =	task.clear_ibuf [dreg:s7], $0x2FFFF;
	_ =	strace $0x9FFFFFFF  }
0xc2: {  	(tm) =	ssettm $0x7FFFFFFF  }
0xc3: {  	_ =	shalt  }
tec
execute0_lowered:
.L_overlay_start_1:
0x0: {  	(tag) =	ssettag $0x1  }
0x1: {  	s4 =	rddreg [dreg:$0x0]  }
0x2: {  	s3 =	rddreg [dreg:$0x1]  }
0x3: {  	s0 =	rddreg [dreg:$0x2]  }
0x4: {  	s2 =	simm.s32 $0x0;
	s1 =	stileid.u32;
	s5 =	srdreg.scid  }
0x5: {  	s11 =	simm.s32 $0x8000;
	s12 =	simm.s32 $0x2;
	s13 =	simm.s32 $0x80  }
0x6: {  	s14 =	simm.s32 $0x400;
	s15 =	simm.s32 $0x10000;
	s16 =	simm.s32 $0x3  }
0x7: {  	s17 =	simm.s32 $0x0;
	s5 =	sand.u32 $0x1, s5;
	s6 =	sshll.u32 s1, $0x1  }
0x8: {  	[smem:$0x7FF] =	sst s2;
	s7 =	sshll.u32 s1, $0x6;
	s6 =	sor.u32 s5, s6  }
0x9: {  	_ =	strace $0x80000047;
	s5 =	ssub.s32 $0x2, s5;
	s8 =	smul.u32 $0x28000, s6  }
0xa: {  	s7 =	sand.u32 $0x300, s7;
	s29 =	sshrl.u32 s5, $0x1;
	s9 =	smul.u32 $0x5000, s6  }
0xb: {  	s7 =	sadd.s32 s7, s3;
	s6 =	sshll.u32 s6, $0x4;
	s10 =	ssub.s32 s5, s29  }
0xc: {  	s6 =	sand.u32 $0x70, s6;
	s30 =	sshrl.u32 s8, $0x3;
	s3 =	sadd.s32 s4, s9  }
0xd: {  	s31 =	sadd.s32 s6, s7;
	s9 =	smax.u32 s10, $0x1;
	s8 =	sadd.s32 s4, s30  }
0xe: {  	s10 =	simm.s32 $0x1;
	s4 =	sadd.s32 $0x1000, s8;
	s5 =	sadd.s32 $0x2000, s8  }
0xf: {  	s6 =	sadd.s32 $0x3000, s8;
	s7 =	sadd.s32 $0x4000, s8;
	s8 =	sadd.s32 $0x800, s31  }
.LBB2_1:
0x10: {  	[tilespmem:s2], [sflag:$0x1] =	stream.linear.gather [hbm4b:s3+s2], $0x8000, $0x38;
	[tilespmem:$0x10100] =	vst v63  }
0x11: {  	_ =	swait.ge [sflag:s10], $0x8000  }
0x12: {  	s18 =	sand.u32 $0x7800, s2;
	s19 =	sand.u32 $0x380, s2;
	[sflag:s10] =	ssyncset.done $0x0  }
0x13: {  	s18 =	sor.u32 s19, s18;
	[sflag:s10] =	ssyncadd.s32 $0xFFFF8000  }
0x14: {  	[tilespmem:s11], [sflag:$0x2] =	stream.linear.gather [hbm4b:s4+s2], $0x8000, $0x38;
	[tilespmem:$0x10100] =	vst v63  }
0x15: {  	v0 =	vld [tilespmem:s18+$0x470]  }
0x16: {  	v1 =	vld [tilespmem:s18+$0x0]  }
0x17: {  	v3 =	vld [tilespmem:s18+$0x10]  }
0x18: {  	v4 =	vld [tilespmem:s18+$0x20]  }
0x19: {  	v5 =	vld [tilespmem:s18+$0x30]  }
0x1a: {  	v6 =	vld [tilespmem:s18+$0x40]  }
0x1b: {  	v7 =	vld [tilespmem:s18+$0x50]  }
0x1c: {  	v9 =	vld [tilespmem:s18+$0x60]  }
0x1d: {  	v10 =	vimm.f32 $0.0e+00;
	v11 =	vld [tilespmem:s18+$0x70]  }
0x1e: {  	v12 =	vld [tilespmem:s18+$0x400];
	v2 =	vadd.f32 v0, v10  }
0x1f: {  	v16 =	vld [tilespmem:s18+$0x410];
	v8 =	vadd.f32 v1, v10;
	v3 =	vadd.f32 v3, v10  }
0x20: {  	v15 =	vimm.f32 $0.0e+00;
	v17 =	vld [tilespmem:s18+$0x420];
	v4 =	vadd.f32 v4, v10;
	v0 =	vadd.f32 v5, v10  }
0x21: {  	v13 =	vimm.f32 $0.0e+00;
	v18 =	vld [tilespmem:s18+$0x430];
	v5 =	vadd.f32 v6, v10;
	v1 =	vadd.f32 v7, v10  }
0x22: {  	s20 =	simm.s32 $0x100;
	v14 =	vimm.f32 $0.0e+00;
	s19 =	simm.s32 $0x80;
	v19 =	vld [tilespmem:s18+$0x440];
	v6 =	vadd.f32 v9, v10;
	v7 =	vadd.f32 v11, v10  }
0x23: {  	s21 =	sand.u32 $0x7800, s20;
	s20 =	simm.s32 $0x200;
	s22 =	sand.u32 $0x380, s19;
	v20 =	vld [tilespmem:s18+$0x450];
	v9 =	vadd.f32 v12, v10;
	v12 =	vimm.f32 $0.0e+00;
	v11 =	vimm.f32 $0.0e+00  }
.LBB2_2:
0x24: {  	p0 =	sne.s32 s20, $0x7F00;
	v10 =	vadd.f32 v16, v10;
	v16 =	vld [tilespmem:s18+$0x460];
	s18 =	sor.u32 s22, s21  }
0x25: {  	v21 =	vld [tilespmem:s18+$0x470];
	v12 =	vadd.f32 v17, v12  }
0x26: {  	v17 =	vld [tilespmem:s18+$0x0];
	v11 =	vadd.f32 v18, v11  }
0x27: {  	v18 =	vld [tilespmem:s18+$0x10];
	v15 =	vadd.f32 v19, v15  }
0x28: {  	v19 =	vld [tilespmem:s18+$0x20];
	v13 =	vadd.f32 v20, v13  }
0x29: {  	v20 =	vld [tilespmem:s18+$0x30];
	v14 =	vadd.f32 v16, v14  }
0x2a: {  	v16 =	vld [tilespmem:s18+$0x40];
	v2 =	vadd.f32 v21, v2  }
0x2b: {  	v8 =	vadd.f32 v17, v8;
	v17 =	vld [tilespmem:s18+$0x50]  }
0x2c: {  	v3 =	vadd.f32 v18, v3;
	v18 =	vld [tilespmem:s18+$0x60]  }
0x2d: {  	v4 =	vadd.f32 v19, v4;
	v19 =	vld [tilespmem:s18+$0x70]  }
0x2e: {  	v0 =	vadd.f32 v20, v0;
	v20 =	vld [tilespmem:s18+$0x400]  }
.Ltmp0:
0x2f: {  	v5 =	vadd.f32 v16, v5;
	v16 =	vld [tilespmem:s18+$0x410];
	(pc) =	sbr.rel @p0 .LBB2_2-.Ltmp0, $4  }
0x30: {  	v1 =	vadd.f32 v17, v1;
	v17 =	vld [tilespmem:s18+$0x420]  }
0x31: {  	v6 =	vadd.f32 v18, v6;
	v18 =	vld [tilespmem:s18+$0x430]  }
0x32: {  	s19 =	sadd.s32 $0x80, s19;
	v7 =	vadd.f32 v19, v7;
	v19 =	vld [tilespmem:s18+$0x440]  }
0x33: {  	s21 =	sand.u32 $0x7800, s20;
	s20 =	sadd.s32 $0x100, s20;
	s22 =	sand.u32 $0x380, s19;
	v9 =	vadd.f32 v20, v9;
	v20 =	vld [tilespmem:s18+$0x450]  }
0x34: {  	s19 =	sor.u32 s22, s21;
	v21 =	vld [tilespmem:s18+$0x460]  }
0x35: {  	v22 =	vld [tilespmem:s19+$0x470]  }
0x36: {  	v23 =	vld [tilespmem:s19+$0x0]  }
0x37: {  	v24 =	vld [tilespmem:s19+$0x10]  }
0x38: {  	v25 =	vld [tilespmem:s19+$0x20]  }
0x39: {  	v26 =	vld [tilespmem:s19+$0x30]  }
0x3a: {  	v27 =	vld [tilespmem:s19+$0x40]  }
0x3b: {  	v28 =	vld [tilespmem:s19+$0x50]  }
0x3c: {  	v29 =	vld [tilespmem:s19+$0x60]  }
0x3d: {  	v30 =	vld [tilespmem:s19+$0x70]  }
0x3e: {  	v31 =	vld [tilespmem:s19+$0x400]  }
0x3f: {  	v32 =	vld [tilespmem:s19+$0x410]  }
0x40: {  	v33 =	vld [tilespmem:s19+$0x420]  }
0x41: {  	v34 =	vld [tilespmem:s19+$0x430]  }
0x42: {  	v35 =	vld [tilespmem:s19+$0x440]  }
0x43: {  	v36 =	vld [tilespmem:s19+$0x450]  }
0x44: {  	s30 =	simm.s32 $0x0;
	v37 =	vld [tilespmem:s19+$0x460];
	_ =	swait.ge [sflag:s12], $0x8000  }
0x45: {  	s31 =	sand.u32 $0x7800, s30;
	s18 =	sand.u32 $0x380, s30;
	[sflag:s12] =	ssyncset.done $0x0  }
0x46: {  	s18 =	sor.u32 s18, s31;
	[sflag:s12] =	ssyncadd.s32 $0xFFFF8000  }
0x47: {  	v10 =	vadd.f32 v16, v10;
	v12 =	vadd.f32 v17, v12;
	[tilespmem:s30], [sflag:$0x1] =	stream.linear.gather [hbm4b:s5+s30], $0x8000, $0x38;
	[tilespmem:$0x10100] =	vst v63  }
0x48: {  	v11 =	vadd.f32 v18, v11;
	v15 =	vadd.f32 v19, v15;
	v16 =	vld [tilespmem:s18+$0x8470]  }
0x49: {  	v13 =	vadd.f32 v20, v13;
	v14 =	vadd.f32 v21, v14;
	v17 =	vld [tilespmem:s18+$0x8000]  }
0x4a: {  	v19 =	vld [tilespmem:s18+$0x8010];
	v18 =	vadd.f32 v22, v2;
	v8 =	vadd.f32 v23, v8  }
0x4b: {  	v55 =	vld [tilespmem:s18+$0x8030];
	v20 =	vadd.f32 v24, v3;
	v21 =	vadd.f32 v25, v4  }
0x4c: {  	v58 =	vld [tilespmem:s18+$0x8040];
	v23 =	vadd.f32 v26, v0;
	v54 =	vadd.f32 v27, v5  }
0x4d: {  	v61 =	vld [tilespmem:s18+$0x8050];
	v56 =	vadd.f32 v28, v1;
	v57 =	vadd.f32 v29, v6  }
0x4e: {  	v62 =	vld [tilespmem:s18+$0x8060];
	v59 =	vadd.f32 v30, v7;
	v60 =	vadd.f32 v31, v9  }
0x4f: {  	v63 =	vld [tilespmem:s18+$0x8400];
	v0 =	vadd.f32 v32, v10;
	v1 =	vadd.f32 v33, v12  }
0x50: {  	v22 =	vld [tilespmem:s18+$0x8020];
	v2 =	vadd.f32 v34, v11;
	v3 =	vadd.f32 v35, v15  }
0x51: {  	v15 =	vld [tilespmem:s18+$0x8070];
	v4 =	vadd.f32 v36, v13;
	v5 =	vadd.f32 v37, v14  }
0x52: {  	v6 =	vadd.f32 v16, v18;
	v7 =	vadd.f32 v17, v8;
	v16 =	vld [tilespmem:s18+$0x8410]  }
0x53: {  	v8 =	vadd.f32 v19, v20;
	v17 =	vld [tilespmem:s18+$0x8420];
	v10 =	vadd.f32 v55, v23  }
0x54: {  	v11 =	vadd.f32 v58, v54;
	v18 =	vld [tilespmem:s18+$0x8430];
	v12 =	vadd.f32 v61, v56  }
0x55: {  	s20 =	simm.s32 $0x100;
	s19 =	simm.s32 $0x80;
	v13 =	vadd.f32 v62, v57;
	v19 =	vld [tilespmem:s18+$0x8440];
	v9 =	vadd.f32 v22, v21  }
0x56: {  	s21 =	sand.u32 $0x7800, s20;
	s20 =	simm.s32 $0x200;
	s22 =	sand.u32 $0x380, s19;
	v20 =	vld [tilespmem:s18+$0x8450];
	v14 =	vadd.f32 v15, v59;
	v15 =	vadd.f32 v63, v60  }
.LBB2_4:
0x57: {  	p0 =	sne.s32 s20, $0x7F00;
	v0 =	vadd.f32 v16, v0;
	v16 =	vld [tilespmem:s18+$0x8460];
	s18 =	sor.u32 s22, s21  }
0x58: {  	v21 =	vld [tilespmem:s18+$0x8470];
	v1 =	vadd.f32 v17, v1  }
0x59: {  	v17 =	vld [tilespmem:s18+$0x8000];
	v2 =	vadd.f32 v18, v2  }
0x5a: {  	v18 =	vld [tilespmem:s18+$0x8010];
	v3 =	vadd.f32 v19, v3  }
0x5b: {  	v19 =	vld [tilespmem:s18+$0x8020];
	v4 =	vadd.f32 v20, v4  }
0x5c: {  	v20 =	vld [tilespmem:s18+$0x8030];
	v5 =	vadd.f32 v16, v5  }
0x5d: {  	v16 =	vld [tilespmem:s18+$0x8040];
	v6 =	vadd.f32 v21, v6  }
0x5e: {  	v7 =	vadd.f32 v17, v7;
	v17 =	vld [tilespmem:s18+$0x8050]  }
0x5f: {  	v8 =	vadd.f32 v18, v8;
	v18 =	vld [tilespmem:s18+$0x8060]  }
0x60: {  	v9 =	vadd.f32 v19, v9;
	v19 =	vld [tilespmem:s18+$0x8070]  }
0x61: {  	v10 =	vadd.f32 v20, v10;
	v20 =	vld [tilespmem:s18+$0x8400]  }
.Ltmp1:
0x62: {  	v11 =	vadd.f32 v16, v11;
	v16 =	vld [tilespmem:s18+$0x8410];
	(pc) =	sbr.rel @p0 .LBB2_4-.Ltmp1, $4  }
0x63: {  	v12 =	vadd.f32 v17, v12;
	v17 =	vld [tilespmem:s18+$0x8420]  }
0x64: {  	v13 =	vadd.f32 v18, v13;
	v18 =	vld [tilespmem:s18+$0x8430]  }
0x65: {  	s19 =	sadd.s32 $0x80, s19;
	v14 =	vadd.f32 v19, v14;
	v19 =	vld [tilespmem:s18+$0x8440]  }
0x66: {  	s21 =	sand.u32 $0x7800, s20;
	s20 =	sadd.s32 $0x100, s20;
	s22 =	sand.u32 $0x380, s19;
	v15 =	vadd.f32 v20, v15;
	v20 =	vld [tilespmem:s18+$0x8450]  }
0x67: {  	s19 =	sor.u32 s22, s21;
	v21 =	vld [tilespmem:s18+$0x8460]  }
0x68: {  	v22 =	vld [tilespmem:s19+$0x8470]  }
0x69: {  	v23 =	vld [tilespmem:s19+$0x8000]  }
0x6a: {  	v24 =	vld [tilespmem:s19+$0x8010]  }
0x6b: {  	v25 =	vld [tilespmem:s19+$0x8020]  }
0x6c: {  	v26 =	vld [tilespmem:s19+$0x8030]  }
0x6d: {  	v27 =	vld [tilespmem:s19+$0x8040]  }
0x6e: {  	v28 =	vld [tilespmem:s19+$0x8050]  }
0x6f: {  	v29 =	vld [tilespmem:s19+$0x8060]  }
0x70: {  	v30 =	vld [tilespmem:s19+$0x8070]  }
0x71: {  	v31 =	vld [tilespmem:s19+$0x8400]  }
0x72: {  	v32 =	vld [tilespmem:s19+$0x8410]  }
0x73: {  	v33 =	vld [tilespmem:s19+$0x8420]  }
0x74: {  	v34 =	vld [tilespmem:s19+$0x8430]  }
0x75: {  	v35 =	vld [tilespmem:s19+$0x8440]  }
0x76: {  	v36 =	vld [tilespmem:s19+$0x8450]  }
0x77: {  	s30 =	simm.s32 $0x0;
	v37 =	vld [tilespmem:s19+$0x8460];
	_ =	swait.ge [sflag:s10], $0x8000  }
0x78: {  	s31 =	sand.u32 $0x7800, s30;
	s18 =	sand.u32 $0x380, s30;
	[sflag:s10] =	ssyncset.done $0x0  }
0x79: {  	s18 =	sor.u32 s18, s31;
	[sflag:s10] =	ssyncadd.s32 $0xFFFF8000  }
0x7a: {  	v0 =	vadd.f32 v16, v0;
	v1 =	vadd.f32 v17, v1;
	[tilespmem:s11], [sflag:$0x2] =	stream.linear.gather [hbm4b:s6+s30], $0x8000, $0x38;
	[tilespmem:$0x10100] =	vst v63  }
0x7b: {  	v2 =	vadd.f32 v18, v2;
	v3 =	vadd.f32 v19, v3;
	v16 =	vld [tilespmem:s18+$0x470]  }
0x7c: {  	v4 =	vadd.f32 v20, v4;
	v5 =	vadd.f32 v21, v5;
	v17 =	vld [tilespmem:s18+$0x0]  }
0x7d: {  	v18 =	vld [tilespmem:s18+$0x10];
	v6 =	vadd.f32 v22, v6;
	v7 =	vadd.f32 v23, v7  }
0x7e: {  	v19 =	vld [tilespmem:s18+$0x20];
	v8 =	vadd.f32 v24, v8;
	v9 =	vadd.f32 v25, v9  }
0x7f: {  	v20 =	vld [tilespmem:s18+$0x30];
	v10 =	vadd.f32 v26, v10;
	v11 =	vadd.f32 v27, v11  }
0x80: {  	v21 =	vld [tilespmem:s18+$0x40];
	v12 =	vadd.f32 v28, v12;
	v13 =	vadd.f32 v29, v13  }
0x81: {  	v62 =	vld [tilespmem:s18+$0x70];
	v14 =	vadd.f32 v30, v14;
	v15 =	vadd.f32 v31, v15  }
0x82: {  	v63 =	vld [tilespmem:s18+$0x400];
	v0 =	vadd.f32 v32, v0;
	v1 =	vadd.f32 v33, v1  }
0x83: {  	v22 =	vld [tilespmem:s18+$0x50];
	v2 =	vadd.f32 v34, v2;
	v3 =	vadd.f32 v35, v3  }
0x84: {  	v23 =	vld [tilespmem:s18+$0x60];
	v4 =	vadd.f32 v36, v4;
	v5 =	vadd.f32 v37, v5  }
0x85: {  	v6 =	vadd.f32 v16, v6;
	v7 =	vadd.f32 v17, v7;
	v16 =	vld [tilespmem:s18+$0x410]  }
0x86: {  	v8 =	vadd.f32 v18, v8;
	v9 =	vadd.f32 v19, v9;
	v17 =	vld [tilespmem:s18+$0x420]  }
0x87: {  	v10 =	vadd.f32 v20, v10;
	v11 =	vadd.f32 v21, v11;
	v18 =	vld [tilespmem:s18+$0x430]  }
0x88: {  	s20 =	simm.s32 $0x100;
	s19 =	simm.s32 $0x80;
	v19 =	vld [tilespmem:s18+$0x440];
	v14 =	vadd.f32 v62, v14;
	v15 =	vadd.f32 v63, v15  }
0x89: {  	s21 =	sand.u32 $0x7800, s20;
	s20 =	simm.s32 $0x200;
	s22 =	sand.u32 $0x380, s19;
	v20 =	vld [tilespmem:s18+$0x450];
	v12 =	vadd.f32 v22, v12;
	v13 =	vadd.f32 v23, v13  }
.LBB2_6:
0x8a: {  	p0 =	sne.s32 s20, $0x7F00;
	v0 =	vadd.f32 v16, v0;
	v16 =	vld [tilespmem:s18+$0x460];
	s18 =	sor.u32 s22, s21  }
0x8b: {  	v21 =	vld [tilespmem:s18+$0x470];
	v1 =	vadd.f32 v17, v1  }
0x8c: {  	v17 =	vld [tilespmem:s18+$0x0];
	v2 =	vadd.f32 v18, v2  }
0x8d: {  	v18 =	vld [tilespmem:s18+$0x10];
	v3 =	vadd.f32 v19, v3  }
0x8e: {  	v19 =	vld [tilespmem:s18+$0x20];
	v4 =	vadd.f32 v20, v4  }
0x8f: {  	v20 =	vld [tilespmem:s18+$0x30];
	v5 =	vadd.f32 v16, v5  }
0x90: {  	v16 =	vld [tilespmem:s18+$0x40];
	v6 =	vadd.f32 v21, v6  }
0x91: {  	v7 =	vadd.f32 v17, v7;
	v17 =	vld [tilespmem:s18+$0x50]  }
0x92: {  	v8 =	vadd.f32 v18, v8;
	v18 =	vld [tilespmem:s18+$0x60]  }
0x93: {  	v9 =	vadd.f32 v19, v9;
	v19 =	vld [tilespmem:s18+$0x70]  }
0x94: {  	v10 =	vadd.f32 v20, v10;
	v20 =	vld [tilespmem:s18+$0x400]  }
.Ltmp2:
0x95: {  	v11 =	vadd.f32 v16, v11;
	v16 =	vld [tilespmem:s18+$0x410];
	(pc) =	sbr.rel @p0 .LBB2_6-.Ltmp2, $4  }
0x96: {  	v12 =	vadd.f32 v17, v12;
	v17 =	vld [tilespmem:s18+$0x420]  }
0x97: {  	v13 =	vadd.f32 v18, v13;
	v18 =	vld [tilespmem:s18+$0x430]  }
0x98: {  	s19 =	sadd.s32 $0x80, s19;
	v14 =	vadd.f32 v19, v14;
	v19 =	vld [tilespmem:s18+$0x440]  }
0x99: {  	s21 =	sand.u32 $0x7800, s20;
	s20 =	sadd.s32 $0x100, s20;
	s22 =	sand.u32 $0x380, s19;
	v15 =	vadd.f32 v20, v15;
	v20 =	vld [tilespmem:s18+$0x450]  }
0x9a: {  	s19 =	sor.u32 s22, s21;
	v21 =	vld [tilespmem:s18+$0x460]  }
0x9b: {  	v22 =	vld [tilespmem:s19+$0x470]  }
0x9c: {  	v23 =	vld [tilespmem:s19+$0x0]  }
0x9d: {  	v24 =	vld [tilespmem:s19+$0x10]  }
0x9e: {  	v25 =	vld [tilespmem:s19+$0x20]  }
0x9f: {  	v26 =	vld [tilespmem:s19+$0x30]  }
0xa0: {  	v27 =	vld [tilespmem:s19+$0x40]  }
0xa1: {  	v28 =	vld [tilespmem:s19+$0x50]  }
0xa2: {  	v29 =	vld [tilespmem:s19+$0x60]  }
0xa3: {  	v30 =	vld [tilespmem:s19+$0x70]  }
0xa4: {  	v31 =	vld [tilespmem:s19+$0x400]  }
0xa5: {  	v32 =	vld [tilespmem:s19+$0x410]  }
0xa6: {  	v33 =	vld [tilespmem:s19+$0x420]  }
0xa7: {  	v34 =	vld [tilespmem:s19+$0x430]  }
0xa8: {  	v35 =	vld [tilespmem:s19+$0x440]  }
0xa9: {  	v36 =	vld [tilespmem:s19+$0x450]  }
0xaa: {  	s30 =	simm.s32 $0x0;
	v37 =	vld [tilespmem:s19+$0x460];
	_ =	swait.ge [sflag:s12], $0x8000  }
0xab: {  	s31 =	sand.u32 $0x7800, s30;
	s18 =	sand.u32 $0x380, s30;
	[sflag:s12] =	ssyncset.done $0x0  }
0xac: {  	s18 =	sor.u32 s18, s31;
	[sflag:s12] =	ssyncadd.s32 $0xFFFF8000  }
0xad: {  	v0 =	vadd.f32 v16, v0;
	v1 =	vadd.f32 v17, v1;
	[tilespmem:s30], [sflag:$0x1] =	stream.linear.gather [hbm4b:s7+s30], $0x8000, $0x38;
	[tilespmem:$0x10100] =	vst v63  }
0xae: {  	v2 =	vadd.f32 v18, v2;
	v3 =	vadd.f32 v19, v3;
	v16 =	vld [tilespmem:s18+$0x8470]  }
0xaf: {  	v4 =	vadd.f32 v20, v4;
	v5 =	vadd.f32 v21, v5;
	v17 =	vld [tilespmem:s18+$0x8000]  }
0xb0: {  	v18 =	vld [tilespmem:s18+$0x8010];
	v6 =	vadd.f32 v22, v6;
	v7 =	vadd.f32 v23, v7  }
0xb1: {  	v19 =	vld [tilespmem:s18+$0x8020];
	v8 =	vadd.f32 v24, v8;
	v9 =	vadd.f32 v25, v9  }
0xb2: {  	v21 =	vld [tilespmem:s18+$0x8030];
	v10 =	vadd.f32 v26, v10;
	v20 =	vadd.f32 v27, v11  }
0xb3: {  	v60 =	vld [tilespmem:s18+$0x8050];
	v22 =	vadd.f32 v28, v12;
	v13 =	vadd.f32 v29, v13  }
0xb4: {  	v61 =	vld [tilespmem:s18+$0x8060];
	v14 =	vadd.f32 v30, v14;
	v15 =	vadd.f32 v31, v15  }
0xb5: {  	v62 =	vld [tilespmem:s18+$0x8070];
	v11 =	vadd.f32 v32, v0;
	v12 =	vadd.f32 v33, v1  }
0xb6: {  	v63 =	vld [tilespmem:s18+$0x8400];
	v0 =	vadd.f32 v34, v2;
	v1 =	vadd.f32 v35, v3  }
0xb7: {  	v23 =	vld [tilespmem:s18+$0x8040];
	v2 =	vadd.f32 v36, v4;
	v3 =	vadd.f32 v37, v5  }
0xb8: {  	v4 =	vadd.f32 v16, v6;
	v5 =	vadd.f32 v17, v7;
	v16 =	vld [tilespmem:s18+$0x8410]  }
0xb9: {  	v6 =	vadd.f32 v18, v8;
	v7 =	vadd.f32 v19, v9;
	v17 =	vld [tilespmem:s18+$0x8420]  }
0xba: {  	v8 =	vadd.f32 v21, v10;
	v18 =	vld [tilespmem:s18+$0x8430];
	v10 =	vadd.f32 v60, v22  }
0xbb: {  	s20 =	simm.s32 $0x100;
	s19 =	simm.s32 $0x80;
	v13 =	vadd.f32 v61, v13;
	v19 =	vld [tilespmem:s18+$0x8440];
	v14 =	vadd.f32 v62, v14  }
0xbc: {  	s21 =	sand.u32 $0x7800, s20;
	s20 =	simm.s32 $0x200;
	s22 =	sand.u32 $0x380, s19;
	v15 =	vadd.f32 v63, v15;
	v9 =	vadd.f32 v23, v20;
	v20 =	vld [tilespmem:s18+$0x8450]  }
.LBB2_8:
0xbd: {  	p0 =	sne.s32 s20, $0x7F00;
	v11 =	vadd.f32 v16, v11;
	v16 =	vld [tilespmem:s18+$0x8460];
	s18 =	sor.u32 s22, s21  }
0xbe: {  	v21 =	vld [tilespmem:s18+$0x8470];
	v12 =	vadd.f32 v17, v12  }
0xbf: {  	v17 =	vld [tilespmem:s18+$0x8000];
	v0 =	vadd.f32 v18, v0  }
0xc0: {  	v18 =	vld [tilespmem:s18+$0x8010];
	v1 =	vadd.f32 v19, v1  }
0xc1: {  	v19 =	vld [tilespmem:s18+$0x8020];
	v2 =	vadd.f32 v20, v2  }
0xc2: {  	v20 =	vld [tilespmem:s18+$0x8030];
	v3 =	vadd.f32 v16, v3  }
0xc3: {  	v16 =	vld [tilespmem:s18+$0x8040];
	v4 =	vadd.f32 v21, v4  }
0xc4: {  	v5 =	vadd.f32 v17, v5;
	v17 =	vld [tilespmem:s18+$0x8050]  }
0xc5: {  	v6 =	vadd.f32 v18, v6;
	v18 =	vld [tilespmem:s18+$0x8060]  }
0xc6: {  	v7 =	vadd.f32 v19, v7;
	v19 =	vld [tilespmem:s18+$0x8070]  }
0xc7: {  	v8 =	vadd.f32 v20, v8;
	v20 =	vld [tilespmem:s18+$0x8400]  }
.Ltmp3:
0xc8: {  	v9 =	vadd.f32 v16, v9;
	v16 =	vld [tilespmem:s18+$0x8410];
	(pc) =	sbr.rel @p0 .LBB2_8-.Ltmp3, $4  }
0xc9: {  	v10 =	vadd.f32 v17, v10;
	v17 =	vld [tilespmem:s18+$0x8420]  }
0xca: {  	v13 =	vadd.f32 v18, v13;
	v18 =	vld [tilespmem:s18+$0x8430]  }
0xcb: {  	s19 =	sadd.s32 $0x80, s19;
	v14 =	vadd.f32 v19, v14;
	v19 =	vld [tilespmem:s18+$0x8440]  }
0xcc: {  	s21 =	sand.u32 $0x7800, s20;
	s20 =	sadd.s32 $0x100, s20;
	s22 =	sand.u32 $0x380, s19;
	v15 =	vadd.f32 v20, v15;
	v20 =	vld [tilespmem:s18+$0x8450]  }
0xcd: {  	s19 =	sor.u32 s22, s21;
	v21 =	vld [tilespmem:s18+$0x8460]  }
0xce: {  	v22 =	vld [tilespmem:s19+$0x8470]  }
0xcf: {  	v23 =	vld [tilespmem:s19+$0x8000]  }
0xd0: {  	v24 =	vld [tilespmem:s19+$0x8010]  }
0xd1: {  	v25 =	vld [tilespmem:s19+$0x8020]  }
0xd2: {  	v26 =	vld [tilespmem:s19+$0x8030]  }
0xd3: {  	v27 =	vld [tilespmem:s19+$0x8040]  }
0xd4: {  	v28 =	vld [tilespmem:s19+$0x8050]  }
0xd5: {  	v29 =	vld [tilespmem:s19+$0x8060]  }
0xd6: {  	v30 =	vld [tilespmem:s19+$0x8070]  }
0xd7: {  	v31 =	vld [tilespmem:s19+$0x8400]  }
0xd8: {  	v32 =	vld [tilespmem:s19+$0x8410]  }
0xd9: {  	v33 =	vld [tilespmem:s19+$0x8420]  }
0xda: {  	v34 =	vld [tilespmem:s19+$0x8430]  }
0xdb: {  	v35 =	vld [tilespmem:s19+$0x8440]  }
0xdc: {  	v36 =	vld [tilespmem:s19+$0x8450]  }
0xdd: {  	s30 =	simm.s32 $0x0;
	v37 =	vld [tilespmem:s19+$0x8460];
	_ =	swait.ge [sflag:s10], $0x8000  }
0xde: {  	s31 =	sand.u32 $0x7800, s30;
	s18 =	sand.u32 $0x380, s30;
	[sflag:s10] =	ssyncset.done $0x0  }
0xdf: {  	v11 =	vadd.f32 v16, v11;
	v12 =	vadd.f32 v17, v12;
	s18 =	sor.u32 s18, s31;
	[sflag:s10] =	ssyncadd.s32 $0xFFFF8000  }
0xe0: {  	v0 =	vadd.f32 v18, v0;
	v1 =	vadd.f32 v19, v1;
	v16 =	vld [tilespmem:s18+$0x470]  }
0xe1: {  	v2 =	vadd.f32 v20, v2;
	v18 =	vld [tilespmem:s18+$0x0];
	v17 =	vadd.f32 v21, v3  }
0xe2: {  	v56 =	vld [tilespmem:s18+$0x30];
	v19 =	vadd.f32 v22, v4;
	v20 =	vadd.f32 v23, v5  }
0xe3: {  	v57 =	vld [tilespmem:s18+$0x40];
	v22 =	vadd.f32 v24, v6;
	v7 =	vadd.f32 v25, v7  }
0xe4: {  	v60 =	vld [tilespmem:s18+$0x50];
	v8 =	vadd.f32 v26, v8;
	v9 =	vadd.f32 v27, v9  }
0xe5: {  	v61 =	vld [tilespmem:s18+$0x60];
	v10 =	vadd.f32 v28, v10;
	v13 =	vadd.f32 v29, v13  }
0xe6: {  	v62 =	vld [tilespmem:s18+$0x70];
	v58 =	vadd.f32 v30, v14;
	v59 =	vadd.f32 v31, v15  }
0xe7: {  	v21 =	vld [tilespmem:s18+$0x10];
	v6 =	vadd.f32 v32, v11;
	v5 =	vadd.f32 v33, v12  }
0xe8: {  	v23 =	vld [tilespmem:s18+$0x20];
	v4 =	vadd.f32 v34, v0;
	v3 =	vadd.f32 v35, v1  }
0xe9: {  	v63 =	vld [tilespmem:s18+$0x400];
	v2 =	vadd.f32 v36, v2;
	v1 =	vadd.f32 v37, v17  }
0xea: {  	v0 =	vadd.f32 v16, v19;
	v14 =	vadd.f32 v18, v20;
	v19 =	vld [tilespmem:s18+$0x410]  }
0xeb: {  	v16 =	vld [tilespmem:s18+$0x420];
	v12 =	vadd.f32 v56, v8;
	v8 =	vadd.f32 v60, v10  }
0xec: {  	v17 =	vld [tilespmem:s18+$0x430];
	v10 =	vadd.f32 v62, v58;
	v15 =	vadd.f32 v21, v22  }
0xed: {  	s20 =	simm.s32 $0x100;
	s19 =	simm.s32 $0x80;
	v18 =	vld [tilespmem:s18+$0x440];
	v11 =	vadd.f32 v23, v7;
	v7 =	vadd.f32 v57, v9  }
0xee: {  	s21 =	sand.u32 $0x7800, s20;
	s20 =	simm.s32 $0x200;
	s22 =	sand.u32 $0x380, s19;
	v20 =	vld [tilespmem:s18+$0x450];
	v9 =	vadd.f32 v61, v13;
	v13 =	vadd.f32 v63, v59  }
.LBB2_10:
0xef: {  	p0 =	sne.s32 s20, $0x7F00;
	v6 =	vadd.f32 v19, v6;
	v19 =	vld [tilespmem:s18+$0x460];
	s18 =	sor.u32 s22, s21  }
0xf0: {  	v21 =	vld [tilespmem:s18+$0x470];
	v5 =	vadd.f32 v16, v5  }
0xf1: {  	v16 =	vld [tilespmem:s18+$0x0];
	v4 =	vadd.f32 v17, v4  }
0xf2: {  	v17 =	vld [tilespmem:s18+$0x10];
	v3 =	vadd.f32 v18, v3  }
0xf3: {  	v18 =	vld [tilespmem:s18+$0x20];
	v2 =	vadd.f32 v20, v2  }
0xf4: {  	v20 =	vld [tilespmem:s18+$0x30];
	v1 =	vadd.f32 v19, v1  }
0xf5: {  	v19 =	vld [tilespmem:s18+$0x40];
	v0 =	vadd.f32 v21, v0  }
0xf6: {  	v14 =	vadd.f32 v16, v14;
	v16 =	vld [tilespmem:s18+$0x50]  }
0xf7: {  	v15 =	vadd.f32 v17, v15;
	v17 =	vld [tilespmem:s18+$0x60]  }
0xf8: {  	v11 =	vadd.f32 v18, v11;
	v18 =	vld [tilespmem:s18+$0x70]  }
0xf9: {  	v12 =	vadd.f32 v20, v12;
	v20 =	vld [tilespmem:s18+$0x400]  }
.Ltmp4:
0xfa: {  	v7 =	vadd.f32 v19, v7;
	v19 =	vld [tilespmem:s18+$0x410];
	(pc) =	sbr.rel @p0 .LBB2_10-.Ltmp4, $4  }
0xfb: {  	v8 =	vadd.f32 v16, v8;
	v16 =	vld [tilespmem:s18+$0x420]  }
0xfc: {  	v9 =	vadd.f32 v17, v9;
	v17 =	vld [tilespmem:s18+$0x430]  }
0xfd: {  	s19 =	sadd.s32 $0x80, s19;
	v10 =	vadd.f32 v18, v10;
	v18 =	vld [tilespmem:s18+$0x440]  }
0xfe: {  	s21 =	sand.u32 $0x7800, s20;
	s20 =	sadd.s32 $0x100, s20;
	s22 =	sand.u32 $0x380, s19;
	v13 =	vadd.f32 v20, v13;
	v20 =	vld [tilespmem:s18+$0x450]  }
0xff: {  	s19 =	sor.u32 s22, s21;
	v21 =	vld [tilespmem:s18+$0x460]  }
0x100: {  	v22 =	vld [tilespmem:s19+$0x470]  }
0x101: {  	v23 =	vld [tilespmem:s19+$0x0]  }
0x102: {  	v24 =	vld [tilespmem:s19+$0x10]  }
0x103: {  	v25 =	vld [tilespmem:s19+$0x20]  }
0x104: {  	v26 =	vld [tilespmem:s19+$0x30]  }
0x105: {  	v27 =	vld [tilespmem:s19+$0x40]  }
0x106: {  	v28 =	vld [tilespmem:s19+$0x50]  }
0x107: {  	v29 =	vld [tilespmem:s19+$0x60]  }
0x108: {  	v30 =	vld [tilespmem:s19+$0x70]  }
0x109: {  	v31 =	vld [tilespmem:s19+$0x400]  }
0x10a: {  	v32 =	vld [tilespmem:s19+$0x410]  }
0x10b: {  	v33 =	vld [tilespmem:s19+$0x420]  }
0x10c: {  	v34 =	vld [tilespmem:s19+$0x430]  }
0x10d: {  	v35 =	vld [tilespmem:s19+$0x440];
	v14 =	vadd.f32 v23, v14  }
0x10e: {  	v60 =	vld [tilespmem:s19+$0x450];
	v15 =	vadd.f32 v24, v15  }
0x10f: {  	v61 =	vld [tilespmem:s19+$0x460];
	v11 =	vadd.f32 v25, v11;
	[tilespmem:$0x10000] =	vst v14  }
0x110: {  	v12 =	vadd.f32 v26, v12;
	[tilespmem:$0x10010] =	vst v15  }
0x111: {  	v7 =	vadd.f32 v27, v7;
	[tilespmem:$0x10020] =	vst v11  }
0x112: {  	v8 =	vadd.f32 v28, v8;
	[tilespmem:$0x10030] =	vst v12  }
0x113: {  	v9 =	vadd.f32 v29, v9;
	[tilespmem:$0x10040] =	vst v7  }
0x114: {  	v6 =	vadd.f32 v19, v6;
	v62 =	vadd.f32 v30, v10;
	[tilespmem:$0x10050] =	vst v8  }
0x115: {  	v5 =	vadd.f32 v16, v5;
	v63 =	vadd.f32 v31, v13;
	[tilespmem:$0x10060] =	vst v9  }
0x116: {  	v4 =	vadd.f32 v17, v4;
	v6 =	vadd.f32 v32, v6;
	[tilespmem:$0x10070] =	vst v62  }
0x117: {  	v3 =	vadd.f32 v18, v3;
	v5 =	vadd.f32 v33, v5;
	[tilespmem:$0x10080] =	vst v63  }
0x118: {  	v2 =	vadd.f32 v20, v2;
	v4 =	vadd.f32 v34, v4;
	[tilespmem:$0x10090] =	vst v6  }
0x119: {  	v3 =	vadd.f32 v35, v3;
	[tilespmem:$0x100A0] =	vst v5  }
0x11a: {  	v1 =	vadd.f32 v21, v1;
	v2 =	vadd.f32 v60, v2;
	[tilespmem:$0x100B0] =	vst v4  }
0x11b: {  	v0 =	vadd.f32 v22, v0;
	[tilespmem:$0x100C0] =	vst v3  }
0x11c: {  	s17 =	sadd.s32 $0x1, s17;
	v1 =	vadd.f32 v61, v1;
	[tilespmem:$0x100D0] =	vst v2  }
0x11d: {  	p0 =	sne.s32 s17, s9;
	[tilespmem:$0x100F0] =	vst v0  }
.Ltmp5:
0x11e: {  	[tilespmem:$0x100E0] =	vst v1;
	(pc) =	sbr.rel @p0 .LBB2_1-.Ltmp5, $4  }
0x11f: {  	[hbm4b:s8+s13] =	stream.strided.scatter [tilespmem:s15], [sflag:$0x3], $0x100, s14, s13, $0x38;
	[tilespmem:$0x10100] =	vst v63  }
0x120: {  	_ =	swait.ge [sflag:s16], $0x100  }
0x121: {  	[sflag:s16] =	ssyncset.done $0x0  }
0x122: {  	[sflag:s16] =	ssyncadd.s32 $0xFFFFFF00  }
0x123: {  	_ =	sfence.sel $0x180000  }
0x124: {  	[bflag:$0x0] =	sbarrier.arrive $0xFFFF  }
0x125: {  	p0 =	sne.s32 s1, $0x0;
	_ =	strace $0x90000047  }
0x126: {  	s0 =	sadd.s32 @!p0 $0x100000, s0;
	[bflag:$0x2] =	sbarrier.arrive $0xFFFF  }
0x127: {  	[sflag:s0] =	ssyncadd.tile.s32 @!p0 $0x1;
	_ =	shalt  }
.Lfunc_end2:
_tile_overlayer_lowered:
.L_overlay_start_2:
0x128: {  	(tag) =	ssettag $0x2  }
0x129: {  	s0 =	rddreg [dreg:$0x0];
	s2 =	stileid.u32  }
0x12a: {  	s1 =	rddreg [dreg:$0x1];
	p0 =	sne.s32 s2, $0x0  }
0x12b: {  	s3 =	rddreg [dreg:$0x2];
	[bflag:$0x3] =	sbarrier.arrive $0xFFFF;
	s2 =	simm.s32 @!p0 $0x1C03  }
0x12c: {  	[timem:s3], [sflag:s2] =	dma.local @!p0 [hbm:s0], s1  }
0x12d: {  	s0 =	simm.s32 @!p0 $0x3  }
0x12e: {  	_ =	swait.ge @!p0 [sflag:s0], s1  }
0x12f: {  	s1 =	ssub.s32 @!p0 $0x0, s1;
	[sflag:s0] =	ssyncset.done @!p0 $0x0  }
0x130: {  	[sflag:s0] =	ssyncadd.s32 @!p0 s1  }
0x131: {  	[bflag:$0x3] =	sbarrier.arrive $0xFFFF  }
0x132: {  	_ =	shalt  }

</sc_bundles>
